<compile_context>
chip_gen: v7x
topology: tpu7x:2x2x1
jax: 0.10.2.dev20260603
libtpu: 0.0.44.dev20260713+nightly
codegen_flags: <defaults>
</compile_context>

<pallas_src>
import functools

import jax
import jax.numpy as jnp
from jax import lax
from jax.experimental import pallas as pl
from jax.experimental.pallas import tpu as pltpu
from jax.experimental.pallas import tpu_sc as plsc

_NSC = 2
_NSUB = 16
_NW = _NSC * _NSUB
_K = 128
_BN = 1024


def _round_up(x, m):
    return (x + m - 1) // m * m


@functools.lru_cache(maxsize=None)
def _edge_agg(n_pad: int, e_pad: int, d: int, a_sub: int):
    total_chunks = e_pad // _K
    assert e_pad % _K == 0 and total_chunks % _NSUB == 0
    b_sub = total_chunks // _NSUB - a_sub
    assert a_sub > 0 and b_sub > 0
    rows_per_sub = n_pad // _NSUB
    assert n_pad % _NSUB == 0

    mesh = plsc.VectorSubcoreMesh(core_axis_name="c", subcore_axis_name="s")

    @functools.partial(
        pl.kernel,
        out_type=jax.ShapeDtypeStruct((_NSC * n_pad, d), jnp.float32),
        mesh=mesh,
        scratch_types=[
            pltpu.VMEM((_K,), jnp.int32),
            pltpu.VMEM((_K,), jnp.int32),
            pltpu.VMEM((_K, d), jnp.float32),
            pltpu.VMEM_SHARED((n_pad, d), jnp.float32),
            pltpu.SemaphoreType.DMA,
        ],
    )
    def agg_kernel(h_hbm, src_hbm, dst_hbm, z_hbm, out_hbm,
                   srcv, dstv, rows, slab, sem):
        c = lax.axis_index("c")
        s = lax.axis_index("s")
        r0 = s * rows_per_sub
        pltpu.sync_copy(z_hbm.at[pl.ds(r0, rows_per_sub)],
                        slab.at[pl.ds(r0, rows_per_sub)])
        plsc.subcore_barrier()

        def chunk_body(chunk):
            off = chunk * _K
            pltpu.sync_copy(src_hbm.at[pl.ds(off, _K)], srcv)
            pltpu.sync_copy(dst_hbm.at[pl.ds(off, _K)], dstv)
            pltpu.async_copy(h_hbm.at[srcv], rows, sem).wait()
            pltpu.sync_copy(rows, slab.at[dstv], add=True)

        @pl.when(c == 0)
        def _():
            @pl.loop(0, a_sub)
            def _(i):
                chunk_body(s * a_sub + i)

        @pl.when(c == 1)
        def _():
            @pl.loop(0, b_sub)
            def _(i):
                chunk_body(_NSUB * a_sub + s * b_sub + i)

        plsc.subcore_barrier()
        pltpu.sync_copy(slab.at[pl.ds(r0, rows_per_sub)],
                        out_hbm.at[pl.ds(c * n_pad + r0, rows_per_sub)])

    return agg_kernel


@functools.lru_cache(maxsize=None)
def _ones_agg(n_pad: int, e_pad: int, d: int):
    per_worker = e_pad // _NW
    n_chunks = per_worker // _K
    assert per_worker % _K == 0 and e_pad % _NW == 0
    rows_per_sub = n_pad // _NSUB
    assert n_pad % _NSUB == 0

    mesh = plsc.VectorSubcoreMesh(core_axis_name="c", subcore_axis_name="s")

    @functools.partial(
        pl.kernel,
        out_type=jax.ShapeDtypeStruct((_NSC * n_pad, d), jnp.float32),
        mesh=mesh,
        scratch_types=[
            pltpu.VMEM((_K,), jnp.int32),
            pltpu.VMEM((_K, d), jnp.float32),
            pltpu.VMEM_SHARED((n_pad, d), jnp.float32),
        ],
    )
    def deg_kernel(idx_hbm, ones_hbm, z_hbm, out_hbm, idxv, ones, slab):
        c = lax.axis_index("c")
        s = lax.axis_index("s")
        wid = c * _NSUB + s
        r0 = s * rows_per_sub
        pltpu.sync_copy(z_hbm.at[pl.ds(r0, rows_per_sub)],
                        slab.at[pl.ds(r0, rows_per_sub)])
        pltpu.sync_copy(ones_hbm, ones)
        plsc.subcore_barrier()
        base = wid * per_worker

        @pl.loop(0, n_chunks)
        def _(i):
            off = base + i * _K
            pltpu.sync_copy(idx_hbm.at[pl.ds(off, _K)], idxv)
            pltpu.sync_copy(ones, slab.at[idxv], add=True)

        plsc.subcore_barrier()
        pltpu.sync_copy(slab.at[pl.ds(r0, rows_per_sub)],
                        out_hbm.at[pl.ds(c * n_pad + r0, rows_per_sub)])

    return deg_kernel


def _dis(degp_ref):
    dcnt = degp_ref[0] + degp_ref[1]
    return jnp.where(dcnt > 0.0,
                     1.0 / jnp.sqrt(jnp.maximum(dcnt, 1.0)), 0.0)[:, :1]


def _prep_body(feat_ref, dout_ref, o_ref):
    o_ref[...] = feat_ref[...] * _dis(dout_ref)


def _mm(x, w):
    return lax.dot_general(x, w, (((1,), (0,)), ((), ())),
                           precision=lax.Precision.HIGHEST,
                           preferred_element_type=jnp.float32)


def _l0_body(a_ref, din_ref, dout_ref, w_ref, b_ref, o_ref):
    agg = (a_ref[0] + a_ref[1]) * _dis(din_ref)
    h = jnp.maximum(_mm(agg, w_ref[...]) + b_ref[...], 0.0) * _dis(dout_ref)
    o_ref[0] = h[:, :128]
    o_ref[1] = h[:, 128:]


def _l1_body(aa_ref, ab_ref, din_ref, dout_ref, w1_ref, b1_ref, w2_ref, o_ref):
    din = _dis(din_ref)
    agg = jnp.concatenate([(aa_ref[0] + aa_ref[1]) * din,
                           (ab_ref[0] + ab_ref[1]) * din], axis=1)
    h = jnp.maximum(_mm(agg, w1_ref[...]) + b1_ref[...], 0.0) * _dis(dout_ref)
    o_ref[...] = _mm(h, w2_ref[...])


def _fin_body(a_ref, din_ref, b2_ref, o_ref):
    o_ref[...] = (a_ref[0] + a_ref[1]) * _dis(din_ref) + b2_ref[...]


def _row_block(d, rank3=False):
    if rank3:
        return pl.BlockSpec((2, _BN, d), lambda i: (0, i, 0))
    return pl.BlockSpec((_BN, d), lambda i: (i, 0))


def _full_block(shape):
    nd = len(shape)
    return pl.BlockSpec(shape, lambda i: (0,) * nd)


def _tc_call(body, n_pad, in_specs, out_dim, rank3_out=False):
    if rank3_out:
        out_shape = jax.ShapeDtypeStruct((2, n_pad, out_dim), jnp.float32)
        out_spec = _row_block(out_dim, rank3=True)
    else:
        out_shape = jax.ShapeDtypeStruct((n_pad, out_dim), jnp.float32)
        out_spec = _row_block(out_dim)
    return pl.pallas_call(
        body,
        grid=(n_pad // _BN,),
        in_specs=in_specs,
        out_specs=out_spec,
        out_shape=out_shape,
    )


def kernel(features, edge_index, W0, b0, W1, b1, W2, b2):
    n, in_dim = features.shape
    e = edge_index.shape[1]
    hid = W0.shape[1]
    ncls = W2.shape[1]
    n_pad = _round_up(n, _BN)
    assert n_pad % _NSUB == 0
    e_pad = _round_up(e, _NW * _K)
    nc_pad = _round_up(ncls, 128)

    pad_e = e_pad - e
    src = jnp.concatenate([edge_index[0],
                           jnp.full((pad_e,), n_pad - 1, jnp.int32)])
    dst = jnp.concatenate([edge_index[1],
                           jnp.full((pad_e,), n_pad - 1, jnp.int32)])
    feat_p = jnp.pad(features, ((0, n_pad - n), (0, 0)))
    w2_p = jnp.pad(W2, ((0, 0), (0, nc_pad - ncls)))
    b0r = b0.reshape(1, hid)
    b1r = b1.reshape(1, hid)
    b2r = jnp.pad(b2, (0, nc_pad - ncls)).reshape(1, nc_pad)

    z128 = jnp.zeros((n_pad, 128), jnp.float32)
    dw = 128
    ones_k = jnp.ones((_K, dw), jnp.float32)
    z_dw = jnp.zeros((n_pad, dw), jnp.float32)

    total_sub = e_pad // _K // _NSUB
    a_sub = max(1, (total_sub * 43) // 64)
    agg128 = _edge_agg(n_pad, e_pad, 128, a_sub)
    degk = _ones_agg(n_pad, e_pad, dw)

    deg_out_p = degk(src, ones_k, z_dw).reshape(2, n_pad, dw)
    deg_in_p = degk(dst, ones_k, z_dw).reshape(2, n_pad, dw)

    dspec = _row_block(dw, rank3=True)

    h0 = _tc_call(_prep_body, n_pad,
                  [_row_block(in_dim), dspec], in_dim)(feat_p, deg_out_p)

    a0 = agg128(h0, src, dst, z128).reshape(2, n_pad, 128)
    h1 = _tc_call(_l0_body, n_pad,
                  [_row_block(128, rank3=True), dspec, dspec,
                   _full_block((in_dim, hid)), _full_block((1, hid))],
                  128, rank3_out=True)(a0, deg_in_p, deg_out_p, W0, b0r)

    a1a = agg128(h1[0], src, dst, z128).reshape(2, n_pad, 128)
    a1b = agg128(h1[1], src, dst, z128).reshape(2, n_pad, 128)
    z = _tc_call(_l1_body, n_pad,
                 [_row_block(128, rank3=True), _row_block(128, rank3=True),
                  dspec, dspec, _full_block((hid, hid)), _full_block((1, hid)),
                  _full_block((hid, nc_pad))],
                 nc_pad)(a1a, a1b, deg_in_p, deg_out_p, W1, b1r, w2_p)

    a2 = agg128(z, src, dst, z128).reshape(2, n_pad, nc_pad)
    out = _tc_call(_fin_body, n_pad,
                   [_row_block(nc_pad, rank3=True), dspec,
                    _full_block((1, nc_pad))],
                   nc_pad)(a2, deg_in_p, b2r)

    return out[:n, :ncls]

# --- scband reference (transcript-rebuilt; emitter-appended) ---
"""Pipeline reference for scband-gcn-43078521979010 (READ-ONLY COPY).

The authoritative reference and input builder live on the scoring server;
editing this copy changes nothing except your own understanding.
"""

import jax, jax.numpy as jnp
import numpy as np

N = 10000
E = 320000
IN_DIM = 128
HID = 256
NCLS = 40


def setup_inputs(seed: int = 0) -> dict:
    key = jax.random.key(seed)
    ks = jax.random.split(key, 9)
    features = jax.random.normal(ks[0], (N, IN_DIM), dtype=jnp.float32)
    edge_index = jax.random.randint(ks[1], (2, E), 0, N, dtype=jnp.int32)
    W0 = jax.random.normal(ks[2], (IN_DIM, HID), dtype=jnp.float32) * (1.0 / np.sqrt(IN_DIM))
    b0 = jnp.zeros((HID,), dtype=jnp.float32)
    W1 = jax.random.normal(ks[3], (HID, HID), dtype=jnp.float32) * (1.0 / np.sqrt(HID))
    b1 = jnp.zeros((HID,), dtype=jnp.float32)
    W2 = jax.random.normal(ks[4], (HID, NCLS), dtype=jnp.float32) * (1.0 / np.sqrt(HID))
    b2 = jnp.zeros((NCLS,), dtype=jnp.float32)
    return {"features": features, "edge_index": edge_index, "W0": W0, "b0": b0, "W1": W1, "b1": b1, "W2": W2, "b2": b2}


def _graph_conv(x, src, dst, dis_out, dis_in, W, b, act):
    # DGL GraphConv with norm='both': D_out^{-1/2} message, segment-sum to dst, D_in^{-1/2}, then linear
    h = x * dis_out[:, None]
    m = jnp.take(h, src, axis=0)
    agg = jax.ops.segment_sum(m, dst, num_segments=N)
    agg = agg * dis_in[:, None]
    out = agg @ W + b
    if act:
        out = jax.nn.relu(out)
    return out


def reference(features, edge_index, W0, b0, W1, b1, W2, b2):
    src = edge_index[0]
    dst = edge_index[1]
    ones = jnp.ones((E,), dtype=jnp.float32)
    deg_out = jax.ops.segment_sum(ones, src, num_segments=N)
    deg_in = jax.ops.segment_sum(ones, dst, num_segments=N)
    dis_out = jnp.where(deg_out > 0, 1.0 / jnp.sqrt(jnp.maximum(deg_out, 1.0)), 0.0)
    dis_in = jnp.where(deg_in > 0, 1.0 / jnp.sqrt(jnp.maximum(deg_in, 1.0)), 0.0)
    # layer 0: in_dim -> hidden, relu; dropout p=0.0 is identity
    h = _graph_conv(features, src, dst, dis_out, dis_in, W0, b0, True)
    # layer 1: hidden -> hidden, relu
    h = _graph_conv(h, src, dst, dis_out, dis_in, W1, b1, True)
    # layer 2: hidden -> num_classes, no activation
    h = _graph_conv(h, src, dst, dis_out, dis_in, W2, b2, False)
    return h

if __name__ == "__main__":
    import jax
    _d = setup_inputs()
    print(jax.jit(kernel)(*tuple(_d.values())))

</pallas_src>

<mosaic_0001>
#map = affine_map<(d0, d1) -> (0, 0)>
#map1 = affine_map<(d0, d1) -> (0)>
module attributes {stable_mosaic.version = 14 : i64} {
  func.func @agg_kernel(%arg0: i32, %arg1: i32, %arg2: memref<10240x128xf32, #tpu.memory_space<hbm>>, %arg3: memref<323584xi32, #tpu.memory_space<hbm>>, %arg4: memref<323584xi32, #tpu.memory_space<hbm>>, %arg5: memref<10240x128xf32, #tpu.memory_space<hbm>>, %arg6: memref<20480x128xf32, #tpu.memory_space<hbm>>, %arg7: memref<128xi32, #tpu.memory_space<vmem>>, %arg8: memref<128xi32, #tpu.memory_space<vmem>>, %arg9: memref<128x128xf32, #tpu.memory_space<vmem>>, %arg10: memref<10240x128xf32, #tpu.memory_space<vmem_shared>>, %arg11: memref<!tpu.dma_semaphore, #tpu.memory_space<semaphore_mem>>) attributes {dimension_semantics = [#tpu.dimension_semantics<core_parallel>, #tpu.dimension_semantics<subcore_parallel>], iteration_bounds = array<i64: 2, 16>, scalar_prefetch = 0 : i64, scratch_operands = 5 : i64, tpu.core_type = #tpu.core_type<sc_vector_subcore>, window_params = [{transform_indices = #map}, {transform_indices = #map1}, {transform_indices = #map1}, {transform_indices = #map}, {transform_indices = #map}]} {
    %mul3A = arith.constant 640 : i32
    %mul3A_0 = arith.muli %arg1, %mul3A : i32
    "tpu.region"() ({
      %run_scoped3A = tpu.sem_alloc : memref<!tpu.dma_semaphore, #tpu.memory_space<semaphore_mem>>
      %dma_start3A = arith.constant 0 : i32
      %dma_start3A_11 = tpu.memref_slice %arg10[%mul3A_0, %dma_start3A] : memref<10240x128xf32, #tpu.memory_space<vmem_shared>> -> memref<640x128xf32, #tpu.memory_space<vmem_shared>>
      %dma_start3A_12 = arith.constant 0 : i32
      %dma_start3A_13 = tpu.memref_slice %arg5[%mul3A_0, %dma_start3A_12] : memref<10240x128xf32, #tpu.memory_space<hbm>> -> memref<640x128xf32, #tpu.memory_space<hbm>>
      tpu.enqueue_dma source(%dma_start3A_13 : memref<640x128xf32, #tpu.memory_space<hbm>>) target(%dma_start3A_11 : memref<640x128xf32, #tpu.memory_space<vmem_shared>>) target_semaphore(%run_scoped3A : memref<!tpu.dma_semaphore, #tpu.memory_space<semaphore_mem>>)
      %dma_wait3A = arith.constant 0 : i32
      %dma_wait3A_14 = tpu.memref_slice %arg10[%mul3A_0, %dma_wait3A] : memref<10240x128xf32, #tpu.memory_space<vmem_shared>> -> memref<640x128xf32, #tpu.memory_space<vmem_shared>>
      %dma_wait3A_15 = arith.constant 0 : i32
      %dma_wait3A_16 = tpu.memref_slice %arg5[%mul3A_0, %dma_wait3A_15] : memref<10240x128xf32, #tpu.memory_space<hbm>> -> memref<640x128xf32, #tpu.memory_space<hbm>>
      tpu.wait_dma2 semaphore(%run_scoped3A : memref<!tpu.dma_semaphore, #tpu.memory_space<semaphore_mem>>) src(%dma_wait3A_16 : memref<640x128xf32, #tpu.memory_space<hbm>>) dst(%dma_wait3A_14 : memref<640x128xf32, #tpu.memory_space<vmem_shared>>)
      tpu.yield
    }) : () -> ()
    %barrier3A = arith.constant 0 : index
    tpu.barrier barrier_id(%barrier3A)
    %eq3A = arith.constant 0 : i32
    %eq3A_1 = arith.cmpi eq, %arg0, %eq3A : i32
    %convert_element_type3A = arith.extui %eq3A_1 : i1 to i32
    %cond3A = arith.constant 0 : i32
    %cond3A_2 = arith.cmpi ne, %convert_element_type3A, %cond3A : i32
    scf.if %cond3A_2 {
      %scan3A = arith.constant 0 : i32
      %scan3A_11 = arith.constant 106 : i32
      %scan3A_12 = arith.addi %scan3A, %scan3A_11 : i32
      %scan3A_13 = arith.constant 1 : i32
      scf.for %scan3A_15 = %scan3A to %scan3A_12 step %scan3A_13  : i32 {
        %mul3A_16 = arith.constant 1 : i32
        %mul3A_17 = arith.muli %scan3A_15, %mul3A_16 : i32
        %add3A_18 = arith.constant 0 : i32
        %add3A_19 = arith.addi %add3A_18, %mul3A_17 : i32
        %mul3A_20 = arith.constant 106 : i32
        %mul3A_21 = arith.muli %arg1, %mul3A_20 : i32
        %add3A_22 = arith.addi %mul3A_21, %add3A_19 : i32
        %mul3A_23 = arith.constant 128 : i32
        %mul3A_24 = arith.muli %add3A_22, %mul3A_23 : i32
        "tpu.region"() ({
          %run_scoped3A = tpu.sem_alloc : memref<!tpu.dma_semaphore, #tpu.memory_space<semaphore_mem>>
          %dma_start3A_29 = tpu.memref_slice %arg3[%mul3A_24] : memref<323584xi32, #tpu.memory_space<hbm>> -> memref<128xi32, #tpu.memory_space<hbm>>
          %dma_start3A_30 = tpu.memref_slice %arg3[%mul3A_24] : memref<323584xi32, #tpu.memory_space<hbm>> -> memref<128xi32, #tpu.memory_space<hbm>>
          tpu.enqueue_dma source(%dma_start3A_30 : memref<128xi32, #tpu.memory_space<hbm>>) target(%arg7 : memref<128xi32, #tpu.memory_space<vmem>>) target_semaphore(%run_scoped3A : memref<!tpu.dma_semaphore, #tpu.memory_space<semaphore_mem>>)
          %dma_wait3A_31 = tpu.memref_slice %arg3[%mul3A_24] : memref<323584xi32, #tpu.memory_space<hbm>> -> memref<128xi32, #tpu.memory_space<hbm>>
          %dma_wait3A_32 = tpu.memref_slice %arg3[%mul3A_24] : memref<323584xi32, #tpu.memory_space<hbm>> -> memref<128xi32, #tpu.memory_space<hbm>>
          tpu.wait_dma2 semaphore(%run_scoped3A : memref<!tpu.dma_semaphore, #tpu.memory_space<semaphore_mem>>) src(%dma_wait3A_32 : memref<128xi32, #tpu.memory_space<hbm>>) dst(%arg7 : memref<128xi32, #tpu.memory_space<vmem>>)
          tpu.yield
        }) : () -> ()
        "tpu.region"() ({
          %run_scoped3A = tpu.sem_alloc : memref<!tpu.dma_semaphore, #tpu.memory_space<semaphore_mem>>
          %dma_start3A_29 = tpu.memref_slice %arg4[%mul3A_24] : memref<323584xi32, #tpu.memory_space<hbm>> -> memref<128xi32, #tpu.memory_space<hbm>>
          %dma_start3A_30 = tpu.memref_slice %arg4[%mul3A_24] : memref<323584xi32, #tpu.memory_space<hbm>> -> memref<128xi32, #tpu.memory_space<hbm>>
          tpu.enqueue_dma source(%dma_start3A_30 : memref<128xi32, #tpu.memory_space<hbm>>) target(%arg8 : memref<128xi32, #tpu.memory_space<vmem>>) target_semaphore(%run_scoped3A : memref<!tpu.dma_semaphore, #tpu.memory_space<semaphore_mem>>)
          %dma_wait3A_31 = tpu.memref_slice %arg4[%mul3A_24] : memref<323584xi32, #tpu.memory_space<hbm>> -> memref<128xi32, #tpu.memory_space<hbm>>
          %dma_wait3A_32 = tpu.memref_slice %arg4[%mul3A_24] : memref<323584xi32, #tpu.memory_space<hbm>> -> memref<128xi32, #tpu.memory_space<hbm>>
          tpu.wait_dma2 semaphore(%run_scoped3A : memref<!tpu.dma_semaphore, #tpu.memory_space<semaphore_mem>>) src(%dma_wait3A_32 : memref<128xi32, #tpu.memory_space<hbm>>) dst(%arg8 : memref<128xi32, #tpu.memory_space<vmem>>)
          tpu.yield
        }) : () -> ()
        %dma_start3A = arith.constant 0 : i32
        %dma_start3A_25 = arith.constant 0 : i32
        %dma_start3A_26 = tpu.memref_slice %arg2[%dma_start3A, %dma_start3A_25] : memref<10240x128xf32, #tpu.memory_space<hbm>> -> memref<10240x128xf32, #tpu.memory_space<hbm>>
        tpu.enqueue_indirect_dma source(%dma_start3A_26 : memref<10240x128xf32, #tpu.memory_space<hbm>>) target(%arg9 : memref<128x128xf32, #tpu.memory_space<vmem>>) offsets(%arg7 : memref<128xi32, #tpu.memory_space<vmem>>) semaphore(%arg11 : memref<!tpu.dma_semaphore, #tpu.memory_space<semaphore_mem>>)
        %dma_wait3A = arith.constant 0 : i32
        %dma_wait3A_27 = arith.constant 0 : i32
        %dma_wait3A_28 = tpu.memref_slice %arg2[%dma_wait3A, %dma_wait3A_27] : memref<10240x128xf32, #tpu.memory_space<hbm>> -> memref<10240x128xf32, #tpu.memory_space<hbm>>
        tpu.wait_indirect_dma semaphore(%arg11 : memref<!tpu.dma_semaphore, #tpu.memory_space<semaphore_mem>>) src(%dma_wait3A_28 : memref<10240x128xf32, #tpu.memory_space<hbm>>) dst(%arg9 : memref<128x128xf32, #tpu.memory_space<vmem>>)
        "tpu.region"() ({
          %run_scoped3A = tpu.sem_alloc : memref<!tpu.dma_semaphore, #tpu.memory_space<semaphore_mem>>
          %dma_start3A_29 = arith.constant 0 : i32
          %dma_start3A_30 = arith.constant 0 : i32
          %dma_start3A_31 = tpu.memref_slice %arg10[%dma_start3A_29, %dma_start3A_30] : memref<10240x128xf32, #tpu.memory_space<vmem_shared>> -> memref<10240x128xf32, #tpu.memory_space<vmem_shared>>
          tpu.enqueue_indirect_dma source(%arg9 : memref<128x128xf32, #tpu.memory_space<vmem>>) target(%dma_start3A_31 : memref<10240x128xf32, #tpu.memory_space<vmem_shared>>) offsets(%arg8 : memref<128xi32, #tpu.memory_space<vmem>>) semaphore(%run_scoped3A : memref<!tpu.dma_semaphore, #tpu.memory_space<semaphore_mem>>) {add = true}
          %dma_wait3A_32 = arith.constant 0 : i32
          %dma_wait3A_33 = arith.constant 0 : i32
          %dma_wait3A_34 = tpu.memref_slice %arg10[%dma_wait3A_32, %dma_wait3A_33] : memref<10240x128xf32, #tpu.memory_space<vmem_shared>> -> memref<10240x128xf32, #tpu.memory_space<vmem_shared>>
          tpu.wait_indirect_dma semaphore(%run_scoped3A : memref<!tpu.dma_semaphore, #tpu.memory_space<semaphore_mem>>) src(%arg9 : memref<128x128xf32, #tpu.memory_space<vmem>>) dst(%dma_wait3A_34 : memref<10240x128xf32, #tpu.memory_space<vmem_shared>>)
          tpu.yield
        }) : () -> ()
      }
      %scan3A_14 = arith.constant 106 : i32
    } else {
    }
    %eq3A_3 = arith.constant 1 : i32
    %eq3A_4 = arith.cmpi eq, %arg0, %eq3A_3 : i32
    %convert_element_type3A_5 = arith.extui %eq3A_4 : i1 to i32
    %cond3A_6 = arith.constant 0 : i32
    %cond3A_7 = arith.cmpi ne, %convert_element_type3A_5, %cond3A_6 : i32
    scf.if %cond3A_7 {
      %scan3A = arith.constant 0 : i32
      %scan3A_11 = arith.constant 52 : i32
      %scan3A_12 = arith.addi %scan3A, %scan3A_11 : i32
      %scan3A_13 = arith.constant 1 : i32
      scf.for %scan3A_15 = %scan3A to %scan3A_12 step %scan3A_13  : i32 {
        %mul3A_16 = arith.constant 1 : i32
        %mul3A_17 = arith.muli %scan3A_15, %mul3A_16 : i32
        %add3A_18 = arith.constant 0 : i32
        %add3A_19 = arith.addi %add3A_18, %mul3A_17 : i32
        %mul3A_20 = arith.constant 52 : i32
        %mul3A_21 = arith.muli %arg1, %mul3A_20 : i32
        %add3A_22 = arith.constant 1696 : i32
        %add3A_23 = arith.addi %add3A_22, %mul3A_21 : i32
        %add3A_24 = arith.addi %add3A_23, %add3A_19 : i32
        %mul3A_25 = arith.constant 128 : i32
        %mul3A_26 = arith.muli %add3A_24, %mul3A_25 : i32
        "tpu.region"() ({
          %run_scoped3A = tpu.sem_alloc : memref<!tpu.dma_semaphore, #tpu.memory_space<semaphore_mem>>
          %dma_start3A_31 = tpu.memref_slice %arg3[%mul3A_26] : memref<323584xi32, #tpu.memory_space<hbm>> -> memref<128xi32, #tpu.memory_space<hbm>>
          %dma_start3A_32 = tpu.memref_slice %arg3[%mul3A_26] : memref<323584xi32, #tpu.memory_space<hbm>> -> memref<128xi32, #tpu.memory_space<hbm>>
          tpu.enqueue_dma source(%dma_start3A_32 : memref<128xi32, #tpu.memory_space<hbm>>) target(%arg7 : memref<128xi32, #tpu.memory_space<vmem>>) target_semaphore(%run_scoped3A : memref<!tpu.dma_semaphore, #tpu.memory_space<semaphore_mem>>)
          %dma_wait3A_33 = tpu.memref_slice %arg3[%mul3A_26] : memref<323584xi32, #tpu.memory_space<hbm>> -> memref<128xi32, #tpu.memory_space<hbm>>
          %dma_wait3A_34 = tpu.memref_slice %arg3[%mul3A_26] : memref<323584xi32, #tpu.memory_space<hbm>> -> memref<128xi32, #tpu.memory_space<hbm>>
          tpu.wait_dma2 semaphore(%run_scoped3A : memref<!tpu.dma_semaphore, #tpu.memory_space<semaphore_mem>>) src(%dma_wait3A_34 : memref<128xi32, #tpu.memory_space<hbm>>) dst(%arg7 : memref<128xi32, #tpu.memory_space<vmem>>)
          tpu.yield
        }) : () -> ()
        "tpu.region"() ({
          %run_scoped3A = tpu.sem_alloc : memref<!tpu.dma_semaphore, #tpu.memory_space<semaphore_mem>>
          %dma_start3A_31 = tpu.memref_slice %arg4[%mul3A_26] : memref<323584xi32, #tpu.memory_space<hbm>> -> memref<128xi32, #tpu.memory_space<hbm>>
          %dma_start3A_32 = tpu.memref_slice %arg4[%mul3A_26] : memref<323584xi32, #tpu.memory_space<hbm>> -> memref<128xi32, #tpu.memory_space<hbm>>
          tpu.enqueue_dma source(%dma_start3A_32 : memref<128xi32, #tpu.memory_space<hbm>>) target(%arg8 : memref<128xi32, #tpu.memory_space<vmem>>) target_semaphore(%run_scoped3A : memref<!tpu.dma_semaphore, #tpu.memory_space<semaphore_mem>>)
          %dma_wait3A_33 = tpu.memref_slice %arg4[%mul3A_26] : memref<323584xi32, #tpu.memory_space<hbm>> -> memref<128xi32, #tpu.memory_space<hbm>>
          %dma_wait3A_34 = tpu.memref_slice %arg4[%mul3A_26] : memref<323584xi32, #tpu.memory_space<hbm>> -> memref<128xi32, #tpu.memory_space<hbm>>
          tpu.wait_dma2 semaphore(%run_scoped3A : memref<!tpu.dma_semaphore, #tpu.memory_space<semaphore_mem>>) src(%dma_wait3A_34 : memref<128xi32, #tpu.memory_space<hbm>>) dst(%arg8 : memref<128xi32, #tpu.memory_space<vmem>>)
          tpu.yield
        }) : () -> ()
        %dma_start3A = arith.constant 0 : i32
        %dma_start3A_27 = arith.constant 0 : i32
        %dma_start3A_28 = tpu.memref_slice %arg2[%dma_start3A, %dma_start3A_27] : memref<10240x128xf32, #tpu.memory_space<hbm>> -> memref<10240x128xf32, #tpu.memory_space<hbm>>
        tpu.enqueue_indirect_dma source(%dma_start3A_28 : memref<10240x128xf32, #tpu.memory_space<hbm>>) target(%arg9 : memref<128x128xf32, #tpu.memory_space<vmem>>) offsets(%arg7 : memref<128xi32, #tpu.memory_space<vmem>>) semaphore(%arg11 : memref<!tpu.dma_semaphore, #tpu.memory_space<semaphore_mem>>)
        %dma_wait3A = arith.constant 0 : i32
        %dma_wait3A_29 = arith.constant 0 : i32
        %dma_wait3A_30 = tpu.memref_slice %arg2[%dma_wait3A, %dma_wait3A_29] : memref<10240x128xf32, #tpu.memory_space<hbm>> -> memref<10240x128xf32, #tpu.memory_space<hbm>>
        tpu.wait_indirect_dma semaphore(%arg11 : memref<!tpu.dma_semaphore, #tpu.memory_space<semaphore_mem>>) src(%dma_wait3A_30 : memref<10240x128xf32, #tpu.memory_space<hbm>>) dst(%arg9 : memref<128x128xf32, #tpu.memory_space<vmem>>)
        "tpu.region"() ({
          %run_scoped3A = tpu.sem_alloc : memref<!tpu.dma_semaphore, #tpu.memory_space<semaphore_mem>>
          %dma_start3A_31 = arith.constant 0 : i32
          %dma_start3A_32 = arith.constant 0 : i32
          %dma_start3A_33 = tpu.memref_slice %arg10[%dma_start3A_31, %dma_start3A_32] : memref<10240x128xf32, #tpu.memory_space<vmem_shared>> -> memref<10240x128xf32, #tpu.memory_space<vmem_shared>>
          tpu.enqueue_indirect_dma source(%arg9 : memref<128x128xf32, #tpu.memory_space<vmem>>) target(%dma_start3A_33 : memref<10240x128xf32, #tpu.memory_space<vmem_shared>>) offsets(%arg8 : memref<128xi32, #tpu.memory_space<vmem>>) semaphore(%run_scoped3A : memref<!tpu.dma_semaphore, #tpu.memory_space<semaphore_mem>>) {add = true}
          %dma_wait3A_34 = arith.constant 0 : i32
          %dma_wait3A_35 = arith.constant 0 : i32
          %dma_wait3A_36 = tpu.memref_slice %arg10[%dma_wait3A_34, %dma_wait3A_35] : memref<10240x128xf32, #tpu.memory_space<vmem_shared>> -> memref<10240x128xf32, #tpu.memory_space<vmem_shared>>
          tpu.wait_indirect_dma semaphore(%run_scoped3A : memref<!tpu.dma_semaphore, #tpu.memory_space<semaphore_mem>>) src(%arg9 : memref<128x128xf32, #tpu.memory_space<vmem>>) dst(%dma_wait3A_36 : memref<10240x128xf32, #tpu.memory_space<vmem_shared>>)
          tpu.yield
        }) : () -> ()
      }
      %scan3A_14 = arith.constant 52 : i32
    } else {
    }
    %barrier3A_8 = arith.constant 0 : index
    tpu.barrier barrier_id(%barrier3A_8)
    %mul3A_9 = arith.constant 10240 : i32
    %mul3A_10 = arith.muli %arg0, %mul3A_9 : i32
    %add3A = arith.addi %mul3A_10, %mul3A_0 : i32
    "tpu.region"() ({
      %run_scoped3A = tpu.sem_alloc : memref<!tpu.dma_semaphore, #tpu.memory_space<semaphore_mem>>
      %dma_start3A = arith.constant 0 : i32
      %dma_start3A_11 = tpu.memref_slice %arg6[%add3A, %dma_start3A] : memref<20480x128xf32, #tpu.memory_space<hbm>> -> memref<640x128xf32, #tpu.memory_space<hbm>>
      %dma_start3A_12 = arith.constant 0 : i32
      %dma_start3A_13 = tpu.memref_slice %arg10[%mul3A_0, %dma_start3A_12] : memref<10240x128xf32, #tpu.memory_space<vmem_shared>> -> memref<640x128xf32, #tpu.memory_space<vmem_shared>>
      tpu.enqueue_dma source(%dma_start3A_13 : memref<640x128xf32, #tpu.memory_space<vmem_shared>>) target(%dma_start3A_11 : memref<640x128xf32, #tpu.memory_space<hbm>>) target_semaphore(%run_scoped3A : memref<!tpu.dma_semaphore, #tpu.memory_space<semaphore_mem>>)
      %dma_wait3A = arith.constant 0 : i32
      %dma_wait3A_14 = tpu.memref_slice %arg6[%add3A, %dma_wait3A] : memref<20480x128xf32, #tpu.memory_space<hbm>> -> memref<640x128xf32, #tpu.memory_space<hbm>>
      %dma_wait3A_15 = arith.constant 0 : i32
      %dma_wait3A_16 = tpu.memref_slice %arg10[%mul3A_0, %dma_wait3A_15] : memref<10240x128xf32, #tpu.memory_space<vmem_shared>> -> memref<640x128xf32, #tpu.memory_space<vmem_shared>>
      tpu.wait_dma2 semaphore(%run_scoped3A : memref<!tpu.dma_semaphore, #tpu.memory_space<semaphore_mem>>) src(%dma_wait3A_16 : memref<640x128xf32, #tpu.memory_space<vmem_shared>>) dst(%dma_wait3A_14 : memref<640x128xf32, #tpu.memory_space<hbm>>)
      tpu.yield
    }) : () -> ()
    return
  }
}

#map = affine_map<(d0, d1) -> (0)>
#map1 = affine_map<(d0, d1) -> (0, 0)>
module attributes {stable_mosaic.version = 14 : i64} {
  func.func @deg_kernel(%arg0: i32, %arg1: i32, %arg2: memref<323584xi32, #tpu.memory_space<hbm>>, %arg3: memref<128x128xf32, #tpu.memory_space<hbm>>, %arg4: memref<10240x128xf32, #tpu.memory_space<hbm>>, %arg5: memref<20480x128xf32, #tpu.memory_space<hbm>>, %arg6: memref<128xi32, #tpu.memory_space<vmem>>, %arg7: memref<128x128xf32, #tpu.memory_space<vmem>>, %arg8: memref<10240x128xf32, #tpu.memory_space<vmem_shared>>) attributes {dimension_semantics = [#tpu.dimension_semantics<core_parallel>, #tpu.dimension_semantics<subcore_parallel>], iteration_bounds = array<i64: 2, 16>, scalar_prefetch = 0 : i64, scratch_operands = 3 : i64, tpu.core_type = #tpu.core_type<sc_vector_subcore>, window_params = [{transform_indices = #map}, {transform_indices = #map1}, {transform_indices = #map1}, {transform_indices = #map1}]} {
    %mul3A = arith.constant 16 : i32
    %mul3A_0 = arith.muli %arg0, %mul3A : i32
    %add3A = arith.addi %mul3A_0, %arg1 : i32
    %mul3A_1 = arith.constant 640 : i32
    %mul3A_2 = arith.muli %arg1, %mul3A_1 : i32
    "tpu.region"() ({
      %run_scoped3A = tpu.sem_alloc : memref<!tpu.dma_semaphore, #tpu.memory_space<semaphore_mem>>
      %dma_start3A = arith.constant 0 : i32
      %dma_start3A_13 = tpu.memref_slice %arg8[%mul3A_2, %dma_start3A] : memref<10240x128xf32, #tpu.memory_space<vmem_shared>> -> memref<640x128xf32, #tpu.memory_space<vmem_shared>>
      %dma_start3A_14 = arith.constant 0 : i32
      %dma_start3A_15 = tpu.memref_slice %arg4[%mul3A_2, %dma_start3A_14] : memref<10240x128xf32, #tpu.memory_space<hbm>> -> memref<640x128xf32, #tpu.memory_space<hbm>>
      tpu.enqueue_dma source(%dma_start3A_15 : memref<640x128xf32, #tpu.memory_space<hbm>>) target(%dma_start3A_13 : memref<640x128xf32, #tpu.memory_space<vmem_shared>>) target_semaphore(%run_scoped3A : memref<!tpu.dma_semaphore, #tpu.memory_space<semaphore_mem>>)
      %dma_wait3A = arith.constant 0 : i32
      %dma_wait3A_16 = tpu.memref_slice %arg8[%mul3A_2, %dma_wait3A] : memref<10240x128xf32, #tpu.memory_space<vmem_shared>> -> memref<640x128xf32, #tpu.memory_space<vmem_shared>>
      %dma_wait3A_17 = arith.constant 0 : i32
      %dma_wait3A_18 = tpu.memref_slice %arg4[%mul3A_2, %dma_wait3A_17] : memref<10240x128xf32, #tpu.memory_space<hbm>> -> memref<640x128xf32, #tpu.memory_space<hbm>>
      tpu.wait_dma2 semaphore(%run_scoped3A : memref<!tpu.dma_semaphore, #tpu.memory_space<semaphore_mem>>) src(%dma_wait3A_18 : memref<640x128xf32, #tpu.memory_space<hbm>>) dst(%dma_wait3A_16 : memref<640x128xf32, #tpu.memory_space<vmem_shared>>)
      tpu.yield
    }) : () -> ()
    "tpu.region"() ({
      %run_scoped3A = tpu.sem_alloc : memref<!tpu.dma_semaphore, #tpu.memory_space<semaphore_mem>>
      tpu.enqueue_dma source(%arg3 : memref<128x128xf32, #tpu.memory_space<hbm>>) target(%arg7 : memref<128x128xf32, #tpu.memory_space<vmem>>) target_semaphore(%run_scoped3A : memref<!tpu.dma_semaphore, #tpu.memory_space<semaphore_mem>>)
      tpu.wait_dma2 semaphore(%run_scoped3A : memref<!tpu.dma_semaphore, #tpu.memory_space<semaphore_mem>>) src(%arg3 : memref<128x128xf32, #tpu.memory_space<hbm>>) dst(%arg7 : memref<128x128xf32, #tpu.memory_space<vmem>>)
      tpu.yield
    }) : () -> ()
    %barrier3A = arith.constant 0 : index
    tpu.barrier barrier_id(%barrier3A)
    %mul3A_3 = arith.constant 10112 : i32
    %mul3A_4 = arith.muli %add3A, %mul3A_3 : i32
    %scan3A = arith.constant 0 : i32
    %scan3A_5 = arith.constant 79 : i32
    %scan3A_6 = arith.addi %scan3A, %scan3A_5 : i32
    %scan3A_7 = arith.constant 1 : i32
    scf.for %scan3A_13 = %scan3A to %scan3A_6 step %scan3A_7  : i32 {
      %mul3A_14 = arith.constant 1 : i32
      %mul3A_15 = arith.muli %scan3A_13, %mul3A_14 : i32
      %add3A_16 = arith.constant 0 : i32
      %add3A_17 = arith.addi %add3A_16, %mul3A_15 : i32
      %mul3A_18 = arith.constant 128 : i32
      %mul3A_19 = arith.muli %add3A_17, %mul3A_18 : i32
      %add3A_20 = arith.addi %mul3A_4, %mul3A_19 : i32
      "tpu.region"() ({
        %run_scoped3A = tpu.sem_alloc : memref<!tpu.dma_semaphore, #tpu.memory_space<semaphore_mem>>
        %dma_start3A = tpu.memref_slice %arg2[%add3A_20] : memref<323584xi32, #tpu.memory_space<hbm>> -> memref<128xi32, #tpu.memory_space<hbm>>
        %dma_start3A_21 = tpu.memref_slice %arg2[%add3A_20] : memref<323584xi32, #tpu.memory_space<hbm>> -> memref<128xi32, #tpu.memory_space<hbm>>
        tpu.enqueue_dma source(%dma_start3A_21 : memref<128xi32, #tpu.memory_space<hbm>>) target(%arg6 : memref<128xi32, #tpu.memory_space<vmem>>) target_semaphore(%run_scoped3A : memref<!tpu.dma_semaphore, #tpu.memory_space<semaphore_mem>>)
        %dma_wait3A = tpu.memref_slice %arg2[%add3A_20] : memref<323584xi32, #tpu.memory_space<hbm>> -> memref<128xi32, #tpu.memory_space<hbm>>
        %dma_wait3A_22 = tpu.memref_slice %arg2[%add3A_20] : memref<323584xi32, #tpu.memory_space<hbm>> -> memref<128xi32, #tpu.memory_space<hbm>>
        tpu.wait_dma2 semaphore(%run_scoped3A : memref<!tpu.dma_semaphore, #tpu.memory_space<semaphore_mem>>) src(%dma_wait3A_22 : memref<128xi32, #tpu.memory_space<hbm>>) dst(%arg6 : memref<128xi32, #tpu.memory_space<vmem>>)
        tpu.yield
      }) : () -> ()
      "tpu.region"() ({
        %run_scoped3A = tpu.sem_alloc : memref<!tpu.dma_semaphore, #tpu.memory_space<semaphore_mem>>
        %dma_start3A = arith.constant 0 : i32
        %dma_start3A_21 = arith.constant 0 : i32
        %dma_start3A_22 = tpu.memref_slice %arg8[%dma_start3A, %dma_start3A_21] : memref<10240x128xf32, #tpu.memory_space<vmem_shared>> -> memref<10240x128xf32, #tpu.memory_space<vmem_shared>>
        tpu.enqueue_indirect_dma source(%arg7 : memref<128x128xf32, #tpu.memory_space<vmem>>) target(%dma_start3A_22 : memref<10240x128xf32, #tpu.memory_space<vmem_shared>>) offsets(%arg6 : memref<128xi32, #tpu.memory_space<vmem>>) semaphore(%run_scoped3A : memref<!tpu.dma_semaphore, #tpu.memory_space<semaphore_mem>>) {add = true}
        %dma_wait3A = arith.constant 0 : i32
        %dma_wait3A_23 = arith.constant 0 : i32
        %dma_wait3A_24 = tpu.memref_slice %arg8[%dma_wait3A, %dma_wait3A_23] : memref<10240x128xf32, #tpu.memory_space<vmem_shared>> -> memref<10240x128xf32, #tpu.memory_space<vmem_shared>>
        tpu.wait_indirect_dma semaphore(%run_scoped3A : memref<!tpu.dma_semaphore, #tpu.memory_space<semaphore_mem>>) src(%arg7 : memref<128x128xf32, #tpu.memory_space<vmem>>) dst(%dma_wait3A_24 : memref<10240x128xf32, #tpu.memory_space<vmem_shared>>)
        tpu.yield
      }) : () -> ()
    }
    %scan3A_8 = arith.constant 79 : i32
    %barrier3A_9 = arith.constant 0 : index
    tpu.barrier barrier_id(%barrier3A_9)
    %mul3A_10 = arith.constant 10240 : i32
    %mul3A_11 = arith.muli %arg0, %mul3A_10 : i32
    %add3A_12 = arith.addi %mul3A_11, %mul3A_2 : i32
    "tpu.region"() ({
      %run_scoped3A = tpu.sem_alloc : memref<!tpu.dma_semaphore, #tpu.memory_space<semaphore_mem>>
      %dma_start3A = arith.constant 0 : i32
      %dma_start3A_13 = tpu.memref_slice %arg5[%add3A_12, %dma_start3A] : memref<20480x128xf32, #tpu.memory_space<hbm>> -> memref<640x128xf32, #tpu.memory_space<hbm>>
      %dma_start3A_14 = arith.constant 0 : i32
      %dma_start3A_15 = tpu.memref_slice %arg8[%mul3A_2, %dma_start3A_14] : memref<10240x128xf32, #tpu.memory_space<vmem_shared>> -> memref<640x128xf32, #tpu.memory_space<vmem_shared>>
      tpu.enqueue_dma source(%dma_start3A_15 : memref<640x128xf32, #tpu.memory_space<vmem_shared>>) target(%dma_start3A_13 : memref<640x128xf32, #tpu.memory_space<hbm>>) target_semaphore(%run_scoped3A : memref<!tpu.dma_semaphore, #tpu.memory_space<semaphore_mem>>)
      %dma_wait3A = arith.constant 0 : i32
      %dma_wait3A_16 = tpu.memref_slice %arg5[%add3A_12, %dma_wait3A] : memref<20480x128xf32, #tpu.memory_space<hbm>> -> memref<640x128xf32, #tpu.memory_space<hbm>>
      %dma_wait3A_17 = arith.constant 0 : i32
      %dma_wait3A_18 = tpu.memref_slice %arg8[%mul3A_2, %dma_wait3A_17] : memref<10240x128xf32, #tpu.memory_space<vmem_shared>> -> memref<640x128xf32, #tpu.memory_space<vmem_shared>>
      tpu.wait_dma2 semaphore(%run_scoped3A : memref<!tpu.dma_semaphore, #tpu.memory_space<semaphore_mem>>) src(%dma_wait3A_18 : memref<640x128xf32, #tpu.memory_space<vmem_shared>>) dst(%dma_wait3A_16 : memref<640x128xf32, #tpu.memory_space<hbm>>)
      tpu.yield
    }) : () -> ()
    return
  }
}

#map = affine_map<(d0, d1) -> (0, 0)>
#map1 = affine_map<(d0, d1) -> (0)>
module attributes {stable_mosaic.version = 14 : i64} {
  func.func @agg_kernel(%arg0: i32, %arg1: i32, %arg2: memref<10240x128xf32, #tpu.memory_space<hbm>>, %arg3: memref<323584xi32, #tpu.memory_space<hbm>>, %arg4: memref<323584xi32, #tpu.memory_space<hbm>>, %arg5: memref<10240x128xf32, #tpu.memory_space<hbm>>, %arg6: memref<20480x128xf32, #tpu.memory_space<hbm>>, %arg7: memref<128xi32, #tpu.memory_space<vmem>>, %arg8: memref<128xi32, #tpu.memory_space<vmem>>, %arg9: memref<128x128xf32, #tpu.memory_space<vmem>>, %arg10: memref<10240x128xf32, #tpu.memory_space<vmem_shared>>, %arg11: memref<!tpu.dma_semaphore, #tpu.memory_space<semaphore_mem>>) attributes {dimension_semantics = [#tpu.dimension_semantics<core_parallel>, #tpu.dimension_semantics<subcore_parallel>], iteration_bounds = array<i64: 2, 16>, scalar_prefetch = 0 : i64, scratch_operands = 5 : i64, tpu.core_type = #tpu.core_type<sc_vector_subcore>, window_params = [{transform_indices = #map}, {transform_indices = #map1}, {transform_indices = #map1}, {transform_indices = #map}, {transform_indices = #map}]} {
    %mul3A = arith.constant 640 : i32
    %mul3A_0 = arith.muli %arg1, %mul3A : i32
    "tpu.region"() ({
      %run_scoped3A = tpu.sem_alloc : memref<!tpu.dma_semaphore, #tpu.memory_space<semaphore_mem>>
      %dma_start3A = arith.constant 0 : i32
      %dma_start3A_11 = tpu.memref_slice %arg10[%mul3A_0, %dma_start3A] : memref<10240x128xf32, #tpu.memory_space<vmem_shared>> -> memref<640x128xf32, #tpu.memory_space<vmem_shared>>
      %dma_start3A_12 = arith.constant 0 : i32
      %dma_start3A_13 = tpu.memref_slice %arg5[%mul3A_0, %dma_start3A_12] : memref<10240x128xf32, #tpu.memory_space<hbm>> -> memref<640x128xf32, #tpu.memory_space<hbm>>
      tpu.enqueue_dma source(%dma_start3A_13 : memref<640x128xf32, #tpu.memory_space<hbm>>) target(%dma_start3A_11 : memref<640x128xf32, #tpu.memory_space<vmem_shared>>) target_semaphore(%run_scoped3A : memref<!tpu.dma_semaphore, #tpu.memory_space<semaphore_mem>>)
      %dma_wait3A = arith.constant 0 : i32
      %dma_wait3A_14 = tpu.memref_slice %arg10[%mul3A_0, %dma_wait3A] : memref<10240x128xf32, #tpu.memory_space<vmem_shared>> -> memref<640x128xf32, #tpu.memory_space<vmem_shared>>
      %dma_wait3A_15 = arith.constant 0 : i32
      %dma_wait3A_16 = tpu.memref_slice %arg5[%mul3A_0, %dma_wait3A_15] : memref<10240x128xf32, #tpu.memory_space<hbm>> -> memref<640x128xf32, #tpu.memory_space<hbm>>
      tpu.wait_dma2 semaphore(%run_scoped3A : memref<!tpu.dma_semaphore, #tpu.memory_space<semaphore_mem>>) src(%dma_wait3A_16 : memref<640x128xf32, #tpu.memory_space<hbm>>) dst(%dma_wait3A_14 : memref<640x128xf32, #tpu.memory_space<vmem_shared>>)
      tpu.yield
    }) : () -> ()
    %barrier3A = arith.constant 0 : index
    tpu.barrier barrier_id(%barrier3A)
    %eq3A = arith.constant 0 : i32
    %eq3A_1 = arith.cmpi eq, %arg0, %eq3A : i32
    %convert_element_type3A = arith.extui %eq3A_1 : i1 to i32
    %cond3A = arith.constant 0 : i32
    %cond3A_2 = arith.cmpi ne, %convert_element_type3A, %cond3A : i32
    scf.if %cond3A_2 {
      %scan3A = arith.constant 0 : i32
      %scan3A_11 = arith.constant 106 : i32
      %scan3A_12 = arith.addi %scan3A, %scan3A_11 : i32
      %scan3A_13 = arith.constant 1 : i32
      scf.for %scan3A_15 = %scan3A to %scan3A_12 step %scan3A_13  : i32 {
        %mul3A_16 = arith.constant 1 : i32
        %mul3A_17 = arith.muli %scan3A_15, %mul3A_16 : i32
        %add3A_18 = arith.constant 0 : i32
        %add3A_19 = arith.addi %add3A_18, %mul3A_17 : i32
        %mul3A_20 = arith.constant 106 : i32
        %mul3A_21 = arith.muli %arg1, %mul3A_20 : i32
        %add3A_22 = arith.addi %mul3A_21, %add3A_19 : i32
        %mul3A_23 = arith.constant 128 : i32
        %mul3A_24 = arith.muli %add3A_22, %mul3A_23 : i32
        "tpu.region"() ({
          %run_scoped3A = tpu.sem_alloc : memref<!tpu.dma_semaphore, #tpu.memory_space<semaphore_mem>>
          %dma_start3A_29 = tpu.memref_slice %arg3[%mul3A_24] : memref<323584xi32, #tpu.memory_space<hbm>> -> memref<128xi32, #tpu.memory_space<hbm>>
          %dma_start3A_30 = tpu.memref_slice %arg3[%mul3A_24] : memref<323584xi32, #tpu.memory_space<hbm>> -> memref<128xi32, #tpu.memory_space<hbm>>
          tpu.enqueue_dma source(%dma_start3A_30 : memref<128xi32, #tpu.memory_space<hbm>>) target(%arg7 : memref<128xi32, #tpu.memory_space<vmem>>) target_semaphore(%run_scoped3A : memref<!tpu.dma_semaphore, #tpu.memory_space<semaphore_mem>>)
          %dma_wait3A_31 = tpu.memref_slice %arg3[%mul3A_24] : memref<323584xi32, #tpu.memory_space<hbm>> -> memref<128xi32, #tpu.memory_space<hbm>>
          %dma_wait3A_32 = tpu.memref_slice %arg3[%mul3A_24] : memref<323584xi32, #tpu.memory_space<hbm>> -> memref<128xi32, #tpu.memory_space<hbm>>
          tpu.wait_dma2 semaphore(%run_scoped3A : memref<!tpu.dma_semaphore, #tpu.memory_space<semaphore_mem>>) src(%dma_wait3A_32 : memref<128xi32, #tpu.memory_space<hbm>>) dst(%arg7 : memref<128xi32, #tpu.memory_space<vmem>>)
          tpu.yield
        }) : () -> ()
        "tpu.region"() ({
          %run_scoped3A = tpu.sem_alloc : memref<!tpu.dma_semaphore, #tpu.memory_space<semaphore_mem>>
          %dma_start3A_29 = tpu.memref_slice %arg4[%mul3A_24] : memref<323584xi32, #tpu.memory_space<hbm>> -> memref<128xi32, #tpu.memory_space<hbm>>
          %dma_start3A_30 = tpu.memref_slice %arg4[%mul3A_24] : memref<323584xi32, #tpu.memory_space<hbm>> -> memref<128xi32, #tpu.memory_space<hbm>>
          tpu.enqueue_dma source(%dma_start3A_30 : memref<128xi32, #tpu.memory_space<hbm>>) target(%arg8 : memref<128xi32, #tpu.memory_space<vmem>>) target_semaphore(%run_scoped3A : memref<!tpu.dma_semaphore, #tpu.memory_space<semaphore_mem>>)
          %dma_wait3A_31 = tpu.memref_slice %arg4[%mul3A_24] : memref<323584xi32, #tpu.memory_space<hbm>> -> memref<128xi32, #tpu.memory_space<hbm>>
          %dma_wait3A_32 = tpu.memref_slice %arg4[%mul3A_24] : memref<323584xi32, #tpu.memory_space<hbm>> -> memref<128xi32, #tpu.memory_space<hbm>>
          tpu.wait_dma2 semaphore(%run_scoped3A : memref<!tpu.dma_semaphore, #tpu.memory_space<semaphore_mem>>) src(%dma_wait3A_32 : memref<128xi32, #tpu.memory_space<hbm>>) dst(%arg8 : memref<128xi32, #tpu.memory_space<vmem>>)
          tpu.yield
        }) : () -> ()
        %dma_start3A = arith.constant 0 : i32
        %dma_start3A_25 = arith.constant 0 : i32
        %dma_start3A_26 = tpu.memref_slice %arg2[%dma_start3A, %dma_start3A_25] : memref<10240x128xf32, #tpu.memory_space<hbm>> -> memref<10240x128xf32, #tpu.memory_space<hbm>>
        tpu.enqueue_indirect_dma source(%dma_start3A_26 : memref<10240x128xf32, #tpu.memory_space<hbm>>) target(%arg9 : memref<128x128xf32, #tpu.memory_space<vmem>>) offsets(%arg7 : memref<128xi32, #tpu.memory_space<vmem>>) semaphore(%arg11 : memref<!tpu.dma_semaphore, #tpu.memory_space<semaphore_mem>>)
        %dma_wait3A = arith.constant 0 : i32
        %dma_wait3A_27 = arith.constant 0 : i32
        %dma_wait3A_28 = tpu.memref_slice %arg2[%dma_wait3A, %dma_wait3A_27] : memref<10240x128xf32, #tpu.memory_space<hbm>> -> memref<10240x128xf32, #tpu.memory_space<hbm>>
        tpu.wait_indirect_dma semaphore(%arg11 : memref<!tpu.dma_semaphore, #tpu.memory_space<semaphore_mem>>) src(%dma_wait3A_28 : memref<10240x128xf32, #tpu.memory_space<hbm>>) dst(%arg9 : memref<128x128xf32, #tpu.memory_space<vmem>>)
        "tpu.region"() ({
          %run_scoped3A = tpu.sem_alloc : memref<!tpu.dma_semaphore, #tpu.memory_space<semaphore_mem>>
          %dma_start3A_29 = arith.constant 0 : i32
          %dma_start3A_30 = arith.constant 0 : i32
          %dma_start3A_31 = tpu.memref_slice %arg10[%dma_start3A_29, %dma_start3A_30] : memref<10240x128xf32, #tpu.memory_space<vmem_shared>> -> memref<10240x128xf32, #tpu.memory_space<vmem_shared>>
          tpu.enqueue_indirect_dma source(%arg9 : memref<128x128xf32, #tpu.memory_space<vmem>>) target(%dma_start3A_31 : memref<10240x128xf32, #tpu.memory_space<vmem_shared>>) offsets(%arg8 : memref<128xi32, #tpu.memory_space<vmem>>) semaphore(%run_scoped3A : memref<!tpu.dma_semaphore, #tpu.memory_space<semaphore_mem>>) {add = true}
          %dma_wait3A_32 = arith.constant 0 : i32
          %dma_wait3A_33 = arith.constant 0 : i32
          %dma_wait3A_34 = tpu.memref_slice %arg10[%dma_wait3A_32, %dma_wait3A_33] : memref<10240x128xf32, #tpu.memory_space<vmem_shared>> -> memref<10240x128xf32, #tpu.memory_space<vmem_shared>>
          tpu.wait_indirect_dma semaphore(%run_scoped3A : memref<!tpu.dma_semaphore, #tpu.memory_space<semaphore_mem>>) src(%arg9 : memref<128x128xf32, #tpu.memory_space<vmem>>) dst(%dma_wait3A_34 : memref<10240x128xf32, #tpu.memory_space<vmem_shared>>)
          tpu.yield
        }) : () -> ()
      }
      %scan3A_14 = arith.constant 106 : i32
    } else {
    }
    %eq3A_3 = arith.constant 1 : i32
    %eq3A_4 = arith.cmpi eq, %arg0, %eq3A_3 : i32
    %convert_element_type3A_5 = arith.extui %eq3A_4 : i1 to i32
    %cond3A_6 = arith.constant 0 : i32
    %cond3A_7 = arith.cmpi ne, %convert_element_type3A_5, %cond3A_6 : i32
    scf.if %cond3A_7 {
      %scan3A = arith.constant 0 : i32
      %scan3A_11 = arith.constant 52 : i32
      %scan3A_12 = arith.addi %scan3A, %scan3A_11 : i32
      %scan3A_13 = arith.constant 1 : i32
      scf.for %scan3A_15 = %scan3A to %scan3A_12 step %scan3A_13  : i32 {
        %mul3A_16 = arith.constant 1 : i32
        %mul3A_17 = arith.muli %scan3A_15, %mul3A_16 : i32
        %add3A_18 = arith.constant 0 : i32
        %add3A_19 = arith.addi %add3A_18, %mul3A_17 : i32
        %mul3A_20 = arith.constant 52 : i32
        %mul3A_21 = arith.muli %arg1, %mul3A_20 : i32
        %add3A_22 = arith.constant 1696 : i32
        %add3A_23 = arith.addi %add3A_22, %mul3A_21 : i32
        %add3A_24 = arith.addi %add3A_23, %add3A_19 : i32
        %mul3A_25 = arith.constant 128 : i32
        %mul3A_26 = arith.muli %add3A_24, %mul3A_25 : i32
        "tpu.region"() ({
          %run_scoped3A = tpu.sem_alloc : memref<!tpu.dma_semaphore, #tpu.memory_space<semaphore_mem>>
          %dma_start3A_31 = tpu.memref_slice %arg3[%mul3A_26] : memref<323584xi32, #tpu.memory_space<hbm>> -> memref<128xi32, #tpu.memory_space<hbm>>
          %dma_start3A_32 = tpu.memref_slice %arg3[%mul3A_26] : memref<323584xi32, #tpu.memory_space<hbm>> -> memref<128xi32, #tpu.memory_space<hbm>>
          tpu.enqueue_dma source(%dma_start3A_32 : memref<128xi32, #tpu.memory_space<hbm>>) target(%arg7 : memref<128xi32, #tpu.memory_space<vmem>>) target_semaphore(%run_scoped3A : memref<!tpu.dma_semaphore, #tpu.memory_space<semaphore_mem>>)
          %dma_wait3A_33 = tpu.memref_slice %arg3[%mul3A_26] : memref<323584xi32, #tpu.memory_space<hbm>> -> memref<128xi32, #tpu.memory_space<hbm>>
          %dma_wait3A_34 = tpu.memref_slice %arg3[%mul3A_26] : memref<323584xi32, #tpu.memory_space<hbm>> -> memref<128xi32, #tpu.memory_space<hbm>>
          tpu.wait_dma2 semaphore(%run_scoped3A : memref<!tpu.dma_semaphore, #tpu.memory_space<semaphore_mem>>) src(%dma_wait3A_34 : memref<128xi32, #tpu.memory_space<hbm>>) dst(%arg7 : memref<128xi32, #tpu.memory_space<vmem>>)
          tpu.yield
        }) : () -> ()
        "tpu.region"() ({
          %run_scoped3A = tpu.sem_alloc : memref<!tpu.dma_semaphore, #tpu.memory_space<semaphore_mem>>
          %dma_start3A_31 = tpu.memref_slice %arg4[%mul3A_26] : memref<323584xi32, #tpu.memory_space<hbm>> -> memref<128xi32, #tpu.memory_space<hbm>>
          %dma_start3A_32 = tpu.memref_slice %arg4[%mul3A_26] : memref<323584xi32, #tpu.memory_space<hbm>> -> memref<128xi32, #tpu.memory_space<hbm>>
          tpu.enqueue_dma source(%dma_start3A_32 : memref<128xi32, #tpu.memory_space<hbm>>) target(%arg8 : memref<128xi32, #tpu.memory_space<vmem>>) target_semaphore(%run_scoped3A : memref<!tpu.dma_semaphore, #tpu.memory_space<semaphore_mem>>)
          %dma_wait3A_33 = tpu.memref_slice %arg4[%mul3A_26] : memref<323584xi32, #tpu.memory_space<hbm>> -> memref<128xi32, #tpu.memory_space<hbm>>
          %dma_wait3A_34 = tpu.memref_slice %arg4[%mul3A_26] : memref<323584xi32, #tpu.memory_space<hbm>> -> memref<128xi32, #tpu.memory_space<hbm>>
          tpu.wait_dma2 semaphore(%run_scoped3A : memref<!tpu.dma_semaphore, #tpu.memory_space<semaphore_mem>>) src(%dma_wait3A_34 : memref<128xi32, #tpu.memory_space<hbm>>) dst(%arg8 : memref<128xi32, #tpu.memory_space<vmem>>)
          tpu.yield
        }) : () -> ()
        %dma_start3A = arith.constant 0 : i32
        %dma_start3A_27 = arith.constant 0 : i32
        %dma_start3A_28 = tpu.memref_slice %arg2[%dma_start3A, %dma_start3A_27] : memref<10240x128xf32, #tpu.memory_space<hbm>> -> memref<10240x128xf32, #tpu.memory_space<hbm>>
        tpu.enqueue_indirect_dma source(%dma_start3A_28 : memref<10240x128xf32, #tpu.memory_space<hbm>>) target(%arg9 : memref<128x128xf32, #tpu.memory_space<vmem>>) offsets(%arg7 : memref<128xi32, #tpu.memory_space<vmem>>) semaphore(%arg11 : memref<!tpu.dma_semaphore, #tpu.memory_space<semaphore_mem>>)
        %dma_wait3A = arith.constant 0 : i32
        %dma_wait3A_29 = arith.constant 0 : i32
        %dma_wait3A_30 = tpu.memref_slice %arg2[%dma_wait3A, %dma_wait3A_29] : memref<10240x128xf32, #tpu.memory_space<hbm>> -> memref<10240x128xf32, #tpu.memory_space<hbm>>
        tpu.wait_indirect_dma semaphore(%arg11 : memref<!tpu.dma_semaphore, #tpu.memory_space<semaphore_mem>>) src(%dma_wait3A_30 : memref<10240x128xf32, #tpu.memory_space<hbm>>) dst(%arg9 : memref<128x128xf32, #tpu.memory_space<vmem>>)
        "tpu.region"() ({
          %run_scoped3A = tpu.sem_alloc : memref<!tpu.dma_semaphore, #tpu.memory_space<semaphore_mem>>
          %dma_start3A_31 = arith.constant 0 : i32
          %dma_start3A_32 = arith.constant 0 : i32
          %dma_start3A_33 = tpu.memref_slice %arg10[%dma_start3A_31, %dma_start3A_32] : memref<10240x128xf32, #tpu.memory_space<vmem_shared>> -> memref<10240x128xf32, #tpu.memory_space<vmem_shared>>
          tpu.enqueue_indirect_dma source(%arg9 : memref<128x128xf32, #tpu.memory_space<vmem>>) target(%dma_start3A_33 : memref<10240x128xf32, #tpu.memory_space<vmem_shared>>) offsets(%arg8 : memref<128xi32, #tpu.memory_space<vmem>>) semaphore(%run_scoped3A : memref<!tpu.dma_semaphore, #tpu.memory_space<semaphore_mem>>) {add = true}
          %dma_wait3A_34 = arith.constant 0 : i32
          %dma_wait3A_35 = arith.constant 0 : i32
          %dma_wait3A_36 = tpu.memref_slice %arg10[%dma_wait3A_34, %dma_wait3A_35] : memref<10240x128xf32, #tpu.memory_space<vmem_shared>> -> memref<10240x128xf32, #tpu.memory_space<vmem_shared>>
          tpu.wait_indirect_dma semaphore(%run_scoped3A : memref<!tpu.dma_semaphore, #tpu.memory_space<semaphore_mem>>) src(%arg9 : memref<128x128xf32, #tpu.memory_space<vmem>>) dst(%dma_wait3A_36 : memref<10240x128xf32, #tpu.memory_space<vmem_shared>>)
          tpu.yield
        }) : () -> ()
      }
      %scan3A_14 = arith.constant 52 : i32
    } else {
    }
    %barrier3A_8 = arith.constant 0 : index
    tpu.barrier barrier_id(%barrier3A_8)
    %mul3A_9 = arith.constant 10240 : i32
    %mul3A_10 = arith.muli %arg0, %mul3A_9 : i32
    %add3A = arith.addi %mul3A_10, %mul3A_0 : i32
    "tpu.region"() ({
      %run_scoped3A = tpu.sem_alloc : memref<!tpu.dma_semaphore, #tpu.memory_space<semaphore_mem>>
      %dma_start3A = arith.constant 0 : i32
      %dma_start3A_11 = tpu.memref_slice %arg6[%add3A, %dma_start3A] : memref<20480x128xf32, #tpu.memory_space<hbm>> -> memref<640x128xf32, #tpu.memory_space<hbm>>
      %dma_start3A_12 = arith.constant 0 : i32
      %dma_start3A_13 = tpu.memref_slice %arg10[%mul3A_0, %dma_start3A_12] : memref<10240x128xf32, #tpu.memory_space<vmem_shared>> -> memref<640x128xf32, #tpu.memory_space<vmem_shared>>
      tpu.enqueue_dma source(%dma_start3A_13 : memref<640x128xf32, #tpu.memory_space<vmem_shared>>) target(%dma_start3A_11 : memref<640x128xf32, #tpu.memory_space<hbm>>) target_semaphore(%run_scoped3A : memref<!tpu.dma_semaphore, #tpu.memory_space<semaphore_mem>>)
      %dma_wait3A = arith.constant 0 : i32
      %dma_wait3A_14 = tpu.memref_slice %arg6[%add3A, %dma_wait3A] : memref<20480x128xf32, #tpu.memory_space<hbm>> -> memref<640x128xf32, #tpu.memory_space<hbm>>
      %dma_wait3A_15 = arith.constant 0 : i32
      %dma_wait3A_16 = tpu.memref_slice %arg10[%mul3A_0, %dma_wait3A_15] : memref<10240x128xf32, #tpu.memory_space<vmem_shared>> -> memref<640x128xf32, #tpu.memory_space<vmem_shared>>
      tpu.wait_dma2 semaphore(%run_scoped3A : memref<!tpu.dma_semaphore, #tpu.memory_space<semaphore_mem>>) src(%dma_wait3A_16 : memref<640x128xf32, #tpu.memory_space<vmem_shared>>) dst(%dma_wait3A_14 : memref<640x128xf32, #tpu.memory_space<hbm>>)
      tpu.yield
    }) : () -> ()
    return
  }
}

#map = affine_map<(d0, d1) -> (0)>
#map1 = affine_map<(d0, d1) -> (0, 0)>
module attributes {stable_mosaic.version = 14 : i64} {
  func.func @deg_kernel(%arg0: i32, %arg1: i32, %arg2: memref<323584xi32, #tpu.memory_space<hbm>>, %arg3: memref<128x128xf32, #tpu.memory_space<hbm>>, %arg4: memref<10240x128xf32, #tpu.memory_space<hbm>>, %arg5: memref<20480x128xf32, #tpu.memory_space<hbm>>, %arg6: memref<128xi32, #tpu.memory_space<vmem>>, %arg7: memref<128x128xf32, #tpu.memory_space<vmem>>, %arg8: memref<10240x128xf32, #tpu.memory_space<vmem_shared>>) attributes {dimension_semantics = [#tpu.dimension_semantics<core_parallel>, #tpu.dimension_semantics<subcore_parallel>], iteration_bounds = array<i64: 2, 16>, scalar_prefetch = 0 : i64, scratch_operands = 3 : i64, tpu.core_type = #tpu.core_type<sc_vector_subcore>, window_params = [{transform_indices = #map}, {transform_indices = #map1}, {transform_indices = #map1}, {transform_indices = #map1}]} {
    %mul3A = arith.constant 16 : i32
    %mul3A_0 = arith.muli %arg0, %mul3A : i32
    %add3A = arith.addi %mul3A_0, %arg1 : i32
    %mul3A_1 = arith.constant 640 : i32
    %mul3A_2 = arith.muli %arg1, %mul3A_1 : i32
    "tpu.region"() ({
      %run_scoped3A = tpu.sem_alloc : memref<!tpu.dma_semaphore, #tpu.memory_space<semaphore_mem>>
      %dma_start3A = arith.constant 0 : i32
      %dma_start3A_13 = tpu.memref_slice %arg8[%mul3A_2, %dma_start3A] : memref<10240x128xf32, #tpu.memory_space<vmem_shared>> -> memref<640x128xf32, #tpu.memory_space<vmem_shared>>
      %dma_start3A_14 = arith.constant 0 : i32
      %dma_start3A_15 = tpu.memref_slice %arg4[%mul3A_2, %dma_start3A_14] : memref<10240x128xf32, #tpu.memory_space<hbm>> -> memref<640x128xf32, #tpu.memory_space<hbm>>
      tpu.enqueue_dma source(%dma_start3A_15 : memref<640x128xf32, #tpu.memory_space<hbm>>) target(%dma_start3A_13 : memref<640x128xf32, #tpu.memory_space<vmem_shared>>) target_semaphore(%run_scoped3A : memref<!tpu.dma_semaphore, #tpu.memory_space<semaphore_mem>>)
      %dma_wait3A = arith.constant 0 : i32
      %dma_wait3A_16 = tpu.memref_slice %arg8[%mul3A_2, %dma_wait3A] : memref<10240x128xf32, #tpu.memory_space<vmem_shared>> -> memref<640x128xf32, #tpu.memory_space<vmem_shared>>
      %dma_wait3A_17 = arith.constant 0 : i32
      %dma_wait3A_18 = tpu.memref_slice %arg4[%mul3A_2, %dma_wait3A_17] : memref<10240x128xf32, #tpu.memory_space<hbm>> -> memref<640x128xf32, #tpu.memory_space<hbm>>
      tpu.wait_dma2 semaphore(%run_scoped3A : memref<!tpu.dma_semaphore, #tpu.memory_space<semaphore_mem>>) src(%dma_wait3A_18 : memref<640x128xf32, #tpu.memory_space<hbm>>) dst(%dma_wait3A_16 : memref<640x128xf32, #tpu.memory_space<vmem_shared>>)
      tpu.yield
    }) : () -> ()
    "tpu.region"() ({
      %run_scoped3A = tpu.sem_alloc : memref<!tpu.dma_semaphore, #tpu.memory_space<semaphore_mem>>
      tpu.enqueue_dma source(%arg3 : memref<128x128xf32, #tpu.memory_space<hbm>>) target(%arg7 : memref<128x128xf32, #tpu.memory_space<vmem>>) target_semaphore(%run_scoped3A : memref<!tpu.dma_semaphore, #tpu.memory_space<semaphore_mem>>)
      tpu.wait_dma2 semaphore(%run_scoped3A : memref<!tpu.dma_semaphore, #tpu.memory_space<semaphore_mem>>) src(%arg3 : memref<128x128xf32, #tpu.memory_space<hbm>>) dst(%arg7 : memref<128x128xf32, #tpu.memory_space<vmem>>)
      tpu.yield
    }) : () -> ()
    %barrier3A = arith.constant 0 : index
    tpu.barrier barrier_id(%barrier3A)
    %mul3A_3 = arith.constant 10112 : i32
    %mul3A_4 = arith.muli %add3A, %mul3A_3 : i32
    %scan3A = arith.constant 0 : i32
    %scan3A_5 = arith.constant 79 : i32
    %scan3A_6 = arith.addi %scan3A, %scan3A_5 : i32
    %scan3A_7 = arith.constant 1 : i32
    scf.for %scan3A_13 = %scan3A to %scan3A_6 step %scan3A_7  : i32 {
      %mul3A_14 = arith.constant 1 : i32
      %mul3A_15 = arith.muli %scan3A_13, %mul3A_14 : i32
      %add3A_16 = arith.constant 0 : i32
      %add3A_17 = arith.addi %add3A_16, %mul3A_15 : i32
      %mul3A_18 = arith.constant 128 : i32
      %mul3A_19 = arith.muli %add3A_17, %mul3A_18 : i32
      %add3A_20 = arith.addi %mul3A_4, %mul3A_19 : i32
      "tpu.region"() ({
        %run_scoped3A = tpu.sem_alloc : memref<!tpu.dma_semaphore, #tpu.memory_space<semaphore_mem>>
        %dma_start3A = tpu.memref_slice %arg2[%add3A_20] : memref<323584xi32, #tpu.memory_space<hbm>> -> memref<128xi32, #tpu.memory_space<hbm>>
        %dma_start3A_21 = tpu.memref_slice %arg2[%add3A_20] : memref<323584xi32, #tpu.memory_space<hbm>> -> memref<128xi32, #tpu.memory_space<hbm>>
        tpu.enqueue_dma source(%dma_start3A_21 : memref<128xi32, #tpu.memory_space<hbm>>) target(%arg6 : memref<128xi32, #tpu.memory_space<vmem>>) target_semaphore(%run_scoped3A : memref<!tpu.dma_semaphore, #tpu.memory_space<semaphore_mem>>)
        %dma_wait3A = tpu.memref_slice %arg2[%add3A_20] : memref<323584xi32, #tpu.memory_space<hbm>> -> memref<128xi32, #tpu.memory_space<hbm>>
        %dma_wait3A_22 = tpu.memref_slice %arg2[%add3A_20] : memref<323584xi32, #tpu.memory_space<hbm>> -> memref<128xi32, #tpu.memory_space<hbm>>
        tpu.wait_dma2 semaphore(%run_scoped3A : memref<!tpu.dma_semaphore, #tpu.memory_space<semaphore_mem>>) src(%dma_wait3A_22 : memref<128xi32, #tpu.memory_space<hbm>>) dst(%arg6 : memref<128xi32, #tpu.memory_space<vmem>>)
        tpu.yield
      }) : () -> ()
      "tpu.region"() ({
        %run_scoped3A = tpu.sem_alloc : memref<!tpu.dma_semaphore, #tpu.memory_space<semaphore_mem>>
        %dma_start3A = arith.constant 0 : i32
        %dma_start3A_21 = arith.constant 0 : i32
        %dma_start3A_22 = tpu.memref_slice %arg8[%dma_start3A, %dma_start3A_21] : memref<10240x128xf32, #tpu.memory_space<vmem_shared>> -> memref<10240x128xf32, #tpu.memory_space<vmem_shared>>
        tpu.enqueue_indirect_dma source(%arg7 : memref<128x128xf32, #tpu.memory_space<vmem>>) target(%dma_start3A_22 : memref<10240x128xf32, #tpu.memory_space<vmem_shared>>) offsets(%arg6 : memref<128xi32, #tpu.memory_space<vmem>>) semaphore(%run_scoped3A : memref<!tpu.dma_semaphore, #tpu.memory_space<semaphore_mem>>) {add = true}
        %dma_wait3A = arith.constant 0 : i32
        %dma_wait3A_23 = arith.constant 0 : i32
        %dma_wait3A_24 = tpu.memref_slice %arg8[%dma_wait3A, %dma_wait3A_23] : memref<10240x128xf32, #tpu.memory_space<vmem_shared>> -> memref<10240x128xf32, #tpu.memory_space<vmem_shared>>
        tpu.wait_indirect_dma semaphore(%run_scoped3A : memref<!tpu.dma_semaphore, #tpu.memory_space<semaphore_mem>>) src(%arg7 : memref<128x128xf32, #tpu.memory_space<vmem>>) dst(%dma_wait3A_24 : memref<10240x128xf32, #tpu.memory_space<vmem_shared>>)
        tpu.yield
      }) : () -> ()
    }
    %scan3A_8 = arith.constant 79 : i32
    %barrier3A_9 = arith.constant 0 : index
    tpu.barrier barrier_id(%barrier3A_9)
    %mul3A_10 = arith.constant 10240 : i32
    %mul3A_11 = arith.muli %arg0, %mul3A_10 : i32
    %add3A_12 = arith.addi %mul3A_11, %mul3A_2 : i32
    "tpu.region"() ({
      %run_scoped3A = tpu.sem_alloc : memref<!tpu.dma_semaphore, #tpu.memory_space<semaphore_mem>>
      %dma_start3A = arith.constant 0 : i32
      %dma_start3A_13 = tpu.memref_slice %arg5[%add3A_12, %dma_start3A] : memref<20480x128xf32, #tpu.memory_space<hbm>> -> memref<640x128xf32, #tpu.memory_space<hbm>>
      %dma_start3A_14 = arith.constant 0 : i32
      %dma_start3A_15 = tpu.memref_slice %arg8[%mul3A_2, %dma_start3A_14] : memref<10240x128xf32, #tpu.memory_space<vmem_shared>> -> memref<640x128xf32, #tpu.memory_space<vmem_shared>>
      tpu.enqueue_dma source(%dma_start3A_15 : memref<640x128xf32, #tpu.memory_space<vmem_shared>>) target(%dma_start3A_13 : memref<640x128xf32, #tpu.memory_space<hbm>>) target_semaphore(%run_scoped3A : memref<!tpu.dma_semaphore, #tpu.memory_space<semaphore_mem>>)
      %dma_wait3A = arith.constant 0 : i32
      %dma_wait3A_16 = tpu.memref_slice %arg5[%add3A_12, %dma_wait3A] : memref<20480x128xf32, #tpu.memory_space<hbm>> -> memref<640x128xf32, #tpu.memory_space<hbm>>
      %dma_wait3A_17 = arith.constant 0 : i32
      %dma_wait3A_18 = tpu.memref_slice %arg8[%mul3A_2, %dma_wait3A_17] : memref<10240x128xf32, #tpu.memory_space<vmem_shared>> -> memref<640x128xf32, #tpu.memory_space<vmem_shared>>
      tpu.wait_dma2 semaphore(%run_scoped3A : memref<!tpu.dma_semaphore, #tpu.memory_space<semaphore_mem>>) src(%dma_wait3A_18 : memref<640x128xf32, #tpu.memory_space<vmem_shared>>) dst(%dma_wait3A_16 : memref<640x128xf32, #tpu.memory_space<hbm>>)
      tpu.yield
    }) : () -> ()
    return
  }
}

#map = affine_map<(d0, d1) -> (0, 0)>
#map1 = affine_map<(d0, d1) -> (0)>
module attributes {stable_mosaic.version = 14 : i64} {
  func.func @agg_kernel(%arg0: i32, %arg1: i32, %arg2: memref<10240x128xf32, #tpu.memory_space<hbm>>, %arg3: memref<323584xi32, #tpu.memory_space<hbm>>, %arg4: memref<323584xi32, #tpu.memory_space<hbm>>, %arg5: memref<10240x128xf32, #tpu.memory_space<hbm>>, %arg6: memref<20480x128xf32, #tpu.memory_space<hbm>>, %arg7: memref<128xi32, #tpu.memory_space<vmem>>, %arg8: memref<128xi32, #tpu.memory_space<vmem>>, %arg9: memref<128x128xf32, #tpu.memory_space<vmem>>, %arg10: memref<10240x128xf32, #tpu.memory_space<vmem_shared>>, %arg11: memref<!tpu.dma_semaphore, #tpu.memory_space<semaphore_mem>>) attributes {dimension_semantics = [#tpu.dimension_semantics<core_parallel>, #tpu.dimension_semantics<subcore_parallel>], iteration_bounds = array<i64: 2, 16>, scalar_prefetch = 0 : i64, scratch_operands = 5 : i64, tpu.core_type = #tpu.core_type<sc_vector_subcore>, window_params = [{transform_indices = #map}, {transform_indices = #map1}, {transform_indices = #map1}, {transform_indices = #map}, {transform_indices = #map}]} {
    %mul3A = arith.constant 640 : i32
    %mul3A_0 = arith.muli %arg1, %mul3A : i32
    "tpu.region"() ({
      %run_scoped3A = tpu.sem_alloc : memref<!tpu.dma_semaphore, #tpu.memory_space<semaphore_mem>>
      %dma_start3A = arith.constant 0 : i32
      %dma_start3A_11 = tpu.memref_slice %arg10[%mul3A_0, %dma_start3A] : memref<10240x128xf32, #tpu.memory_space<vmem_shared>> -> memref<640x128xf32, #tpu.memory_space<vmem_shared>>
      %dma_start3A_12 = arith.constant 0 : i32
      %dma_start3A_13 = tpu.memref_slice %arg5[%mul3A_0, %dma_start3A_12] : memref<10240x128xf32, #tpu.memory_space<hbm>> -> memref<640x128xf32, #tpu.memory_space<hbm>>
      tpu.enqueue_dma source(%dma_start3A_13 : memref<640x128xf32, #tpu.memory_space<hbm>>) target(%dma_start3A_11 : memref<640x128xf32, #tpu.memory_space<vmem_shared>>) target_semaphore(%run_scoped3A : memref<!tpu.dma_semaphore, #tpu.memory_space<semaphore_mem>>)
      %dma_wait3A = arith.constant 0 : i32
      %dma_wait3A_14 = tpu.memref_slice %arg10[%mul3A_0, %dma_wait3A] : memref<10240x128xf32, #tpu.memory_space<vmem_shared>> -> memref<640x128xf32, #tpu.memory_space<vmem_shared>>
      %dma_wait3A_15 = arith.constant 0 : i32
      %dma_wait3A_16 = tpu.memref_slice %arg5[%mul3A_0, %dma_wait3A_15] : memref<10240x128xf32, #tpu.memory_space<hbm>> -> memref<640x128xf32, #tpu.memory_space<hbm>>
      tpu.wait_dma2 semaphore(%run_scoped3A : memref<!tpu.dma_semaphore, #tpu.memory_space<semaphore_mem>>) src(%dma_wait3A_16 : memref<640x128xf32, #tpu.memory_space<hbm>>) dst(%dma_wait3A_14 : memref<640x128xf32, #tpu.memory_space<vmem_shared>>)
      tpu.yield
    }) : () -> ()
    %barrier3A = arith.constant 0 : index
    tpu.barrier barrier_id(%barrier3A)
    %eq3A = arith.constant 0 : i32
    %eq3A_1 = arith.cmpi eq, %arg0, %eq3A : i32
    %convert_element_type3A = arith.extui %eq3A_1 : i1 to i32
    %cond3A = arith.constant 0 : i32
    %cond3A_2 = arith.cmpi ne, %convert_element_type3A, %cond3A : i32
    scf.if %cond3A_2 {
      %scan3A = arith.constant 0 : i32
      %scan3A_11 = arith.constant 106 : i32
      %scan3A_12 = arith.addi %scan3A, %scan3A_11 : i32
      %scan3A_13 = arith.constant 1 : i32
      scf.for %scan3A_15 = %scan3A to %scan3A_12 step %scan3A_13  : i32 {
        %mul3A_16 = arith.constant 1 : i32
        %mul3A_17 = arith.muli %scan3A_15, %mul3A_16 : i32
        %add3A_18 = arith.constant 0 : i32
        %add3A_19 = arith.addi %add3A_18, %mul3A_17 : i32
        %mul3A_20 = arith.constant 106 : i32
        %mul3A_21 = arith.muli %arg1, %mul3A_20 : i32
        %add3A_22 = arith.addi %mul3A_21, %add3A_19 : i32
        %mul3A_23 = arith.constant 128 : i32
        %mul3A_24 = arith.muli %add3A_22, %mul3A_23 : i32
        "tpu.region"() ({
          %run_scoped3A = tpu.sem_alloc : memref<!tpu.dma_semaphore, #tpu.memory_space<semaphore_mem>>
          %dma_start3A_29 = tpu.memref_slice %arg3[%mul3A_24] : memref<323584xi32, #tpu.memory_space<hbm>> -> memref<128xi32, #tpu.memory_space<hbm>>
          %dma_start3A_30 = tpu.memref_slice %arg3[%mul3A_24] : memref<323584xi32, #tpu.memory_space<hbm>> -> memref<128xi32, #tpu.memory_space<hbm>>
          tpu.enqueue_dma source(%dma_start3A_30 : memref<128xi32, #tpu.memory_space<hbm>>) target(%arg7 : memref<128xi32, #tpu.memory_space<vmem>>) target_semaphore(%run_scoped3A : memref<!tpu.dma_semaphore, #tpu.memory_space<semaphore_mem>>)
          %dma_wait3A_31 = tpu.memref_slice %arg3[%mul3A_24] : memref<323584xi32, #tpu.memory_space<hbm>> -> memref<128xi32, #tpu.memory_space<hbm>>
          %dma_wait3A_32 = tpu.memref_slice %arg3[%mul3A_24] : memref<323584xi32, #tpu.memory_space<hbm>> -> memref<128xi32, #tpu.memory_space<hbm>>
          tpu.wait_dma2 semaphore(%run_scoped3A : memref<!tpu.dma_semaphore, #tpu.memory_space<semaphore_mem>>) src(%dma_wait3A_32 : memref<128xi32, #tpu.memory_space<hbm>>) dst(%arg7 : memref<128xi32, #tpu.memory_space<vmem>>)
          tpu.yield
        }) : () -> ()
        "tpu.region"() ({
          %run_scoped3A = tpu.sem_alloc : memref<!tpu.dma_semaphore, #tpu.memory_space<semaphore_mem>>
          %dma_start3A_29 = tpu.memref_slice %arg4[%mul3A_24] : memref<323584xi32, #tpu.memory_space<hbm>> -> memref<128xi32, #tpu.memory_space<hbm>>
          %dma_start3A_30 = tpu.memref_slice %arg4[%mul3A_24] : memref<323584xi32, #tpu.memory_space<hbm>> -> memref<128xi32, #tpu.memory_space<hbm>>
          tpu.enqueue_dma source(%dma_start3A_30 : memref<128xi32, #tpu.memory_space<hbm>>) target(%arg8 : memref<128xi32, #tpu.memory_space<vmem>>) target_semaphore(%run_scoped3A : memref<!tpu.dma_semaphore, #tpu.memory_space<semaphore_mem>>)
          %dma_wait3A_31 = tpu.memref_slice %arg4[%mul3A_24] : memref<323584xi32, #tpu.memory_space<hbm>> -> memref<128xi32, #tpu.memory_space<hbm>>
          %dma_wait3A_32 = tpu.memref_slice %arg4[%mul3A_24] : memref<323584xi32, #tpu.memory_space<hbm>> -> memref<128xi32, #tpu.memory_space<hbm>>
          tpu.wait_dma2 semaphore(%run_scoped3A : memref<!tpu.dma_semaphore, #tpu.memory_space<semaphore_mem>>) src(%dma_wait3A_32 : memref<128xi32, #tpu.memory_space<hbm>>) dst(%arg8 : memref<128xi32, #tpu.memory_space<vmem>>)
          tpu.yield
        }) : () -> ()
        %dma_start3A = arith.constant 0 : i32
        %dma_start3A_25 = arith.constant 0 : i32
        %dma_start3A_26 = tpu.memref_slice %arg2[%dma_start3A, %dma_start3A_25] : memref<10240x128xf32, #tpu.memory_space<hbm>> -> memref<10240x128xf32, #tpu.memory_space<hbm>>
        tpu.enqueue_indirect_dma source(%dma_start3A_26 : memref<10240x128xf32, #tpu.memory_space<hbm>>) target(%arg9 : memref<128x128xf32, #tpu.memory_space<vmem>>) offsets(%arg7 : memref<128xi32, #tpu.memory_space<vmem>>) semaphore(%arg11 : memref<!tpu.dma_semaphore, #tpu.memory_space<semaphore_mem>>)
        %dma_wait3A = arith.constant 0 : i32
        %dma_wait3A_27 = arith.constant 0 : i32
        %dma_wait3A_28 = tpu.memref_slice %arg2[%dma_wait3A, %dma_wait3A_27] : memref<10240x128xf32, #tpu.memory_space<hbm>> -> memref<10240x128xf32, #tpu.memory_space<hbm>>
        tpu.wait_indirect_dma semaphore(%arg11 : memref<!tpu.dma_semaphore, #tpu.memory_space<semaphore_mem>>) src(%dma_wait3A_28 : memref<10240x128xf32, #tpu.memory_space<hbm>>) dst(%arg9 : memref<128x128xf32, #tpu.memory_space<vmem>>)
        "tpu.region"() ({
          %run_scoped3A = tpu.sem_alloc : memref<!tpu.dma_semaphore, #tpu.memory_space<semaphore_mem>>
          %dma_start3A_29 = arith.constant 0 : i32
          %dma_start3A_30 = arith.constant 0 : i32
          %dma_start3A_31 = tpu.memref_slice %arg10[%dma_start3A_29, %dma_start3A_30] : memref<10240x128xf32, #tpu.memory_space<vmem_shared>> -> memref<10240x128xf32, #tpu.memory_space<vmem_shared>>
          tpu.enqueue_indirect_dma source(%arg9 : memref<128x128xf32, #tpu.memory_space<vmem>>) target(%dma_start3A_31 : memref<10240x128xf32, #tpu.memory_space<vmem_shared>>) offsets(%arg8 : memref<128xi32, #tpu.memory_space<vmem>>) semaphore(%run_scoped3A : memref<!tpu.dma_semaphore, #tpu.memory_space<semaphore_mem>>) {add = true}
          %dma_wait3A_32 = arith.constant 0 : i32
          %dma_wait3A_33 = arith.constant 0 : i32
          %dma_wait3A_34 = tpu.memref_slice %arg10[%dma_wait3A_32, %dma_wait3A_33] : memref<10240x128xf32, #tpu.memory_space<vmem_shared>> -> memref<10240x128xf32, #tpu.memory_space<vmem_shared>>
          tpu.wait_indirect_dma semaphore(%run_scoped3A : memref<!tpu.dma_semaphore, #tpu.memory_space<semaphore_mem>>) src(%arg9 : memref<128x128xf32, #tpu.memory_space<vmem>>) dst(%dma_wait3A_34 : memref<10240x128xf32, #tpu.memory_space<vmem_shared>>)
          tpu.yield
        }) : () -> ()
      }
      %scan3A_14 = arith.constant 106 : i32
    } else {
    }
    %eq3A_3 = arith.constant 1 : i32
    %eq3A_4 = arith.cmpi eq, %arg0, %eq3A_3 : i32
    %convert_element_type3A_5 = arith.extui %eq3A_4 : i1 to i32
    %cond3A_6 = arith.constant 0 : i32
    %cond3A_7 = arith.cmpi ne, %convert_element_type3A_5, %cond3A_6 : i32
    scf.if %cond3A_7 {
      %scan3A = arith.constant 0 : i32
      %scan3A_11 = arith.constant 52 : i32
      %scan3A_12 = arith.addi %scan3A, %scan3A_11 : i32
      %scan3A_13 = arith.constant 1 : i32
      scf.for %scan3A_15 = %scan3A to %scan3A_12 step %scan3A_13  : i32 {
        %mul3A_16 = arith.constant 1 : i32
        %mul3A_17 = arith.muli %scan3A_15, %mul3A_16 : i32
        %add3A_18 = arith.constant 0 : i32
        %add3A_19 = arith.addi %add3A_18, %mul3A_17 : i32
        %mul3A_20 = arith.constant 52 : i32
        %mul3A_21 = arith.muli %arg1, %mul3A_20 : i32
        %add3A_22 = arith.constant 1696 : i32
        %add3A_23 = arith.addi %add3A_22, %mul3A_21 : i32
        %add3A_24 = arith.addi %add3A_23, %add3A_19 : i32
        %mul3A_25 = arith.constant 128 : i32
        %mul3A_26 = arith.muli %add3A_24, %mul3A_25 : i32
        "tpu.region"() ({
          %run_scoped3A = tpu.sem_alloc : memref<!tpu.dma_semaphore, #tpu.memory_space<semaphore_mem>>
          %dma_start3A_31 = tpu.memref_slice %arg3[%mul3A_26] : memref<323584xi32, #tpu.memory_space<hbm>> -> memref<128xi32, #tpu.memory_space<hbm>>
          %dma_start3A_32 = tpu.memref_slice %arg3[%mul3A_26] : memref<323584xi32, #tpu.memory_space<hbm>> -> memref<128xi32, #tpu.memory_space<hbm>>
          tpu.enqueue_dma source(%dma_start3A_32 : memref<128xi32, #tpu.memory_space<hbm>>) target(%arg7 : memref<128xi32, #tpu.memory_space<vmem>>) target_semaphore(%run_scoped3A : memref<!tpu.dma_semaphore, #tpu.memory_space<semaphore_mem>>)
          %dma_wait3A_33 = tpu.memref_slice %arg3[%mul3A_26] : memref<323584xi32, #tpu.memory_space<hbm>> -> memref<128xi32, #tpu.memory_space<hbm>>
          %dma_wait3A_34 = tpu.memref_slice %arg3[%mul3A_26] : memref<323584xi32, #tpu.memory_space<hbm>> -> memref<128xi32, #tpu.memory_space<hbm>>
          tpu.wait_dma2 semaphore(%run_scoped3A : memref<!tpu.dma_semaphore, #tpu.memory_space<semaphore_mem>>) src(%dma_wait3A_34 : memref<128xi32, #tpu.memory_space<hbm>>) dst(%arg7 : memref<128xi32, #tpu.memory_space<vmem>>)
          tpu.yield
        }) : () -> ()
        "tpu.region"() ({
          %run_scoped3A = tpu.sem_alloc : memref<!tpu.dma_semaphore, #tpu.memory_space<semaphore_mem>>
          %dma_start3A_31 = tpu.memref_slice %arg4[%mul3A_26] : memref<323584xi32, #tpu.memory_space<hbm>> -> memref<128xi32, #tpu.memory_space<hbm>>
          %dma_start3A_32 = tpu.memref_slice %arg4[%mul3A_26] : memref<323584xi32, #tpu.memory_space<hbm>> -> memref<128xi32, #tpu.memory_space<hbm>>
          tpu.enqueue_dma source(%dma_start3A_32 : memref<128xi32, #tpu.memory_space<hbm>>) target(%arg8 : memref<128xi32, #tpu.memory_space<vmem>>) target_semaphore(%run_scoped3A : memref<!tpu.dma_semaphore, #tpu.memory_space<semaphore_mem>>)
          %dma_wait3A_33 = tpu.memref_slice %arg4[%mul3A_26] : memref<323584xi32, #tpu.memory_space<hbm>> -> memref<128xi32, #tpu.memory_space<hbm>>
          %dma_wait3A_34 = tpu.memref_slice %arg4[%mul3A_26] : memref<323584xi32, #tpu.memory_space<hbm>> -> memref<128xi32, #tpu.memory_space<hbm>>
          tpu.wait_dma2 semaphore(%run_scoped3A : memref<!tpu.dma_semaphore, #tpu.memory_space<semaphore_mem>>) src(%dma_wait3A_34 : memref<128xi32, #tpu.memory_space<hbm>>) dst(%arg8 : memref<128xi32, #tpu.memory_space<vmem>>)
          tpu.yield
        }) : () -> ()
        %dma_start3A = arith.constant 0 : i32
        %dma_start3A_27 = arith.constant 0 : i32
        %dma_start3A_28 = tpu.memref_slice %arg2[%dma_start3A, %dma_start3A_27] : memref<10240x128xf32, #tpu.memory_space<hbm>> -> memref<10240x128xf32, #tpu.memory_space<hbm>>
        tpu.enqueue_indirect_dma source(%dma_start3A_28 : memref<10240x128xf32, #tpu.memory_space<hbm>>) target(%arg9 : memref<128x128xf32, #tpu.memory_space<vmem>>) offsets(%arg7 : memref<128xi32, #tpu.memory_space<vmem>>) semaphore(%arg11 : memref<!tpu.dma_semaphore, #tpu.memory_space<semaphore_mem>>)
        %dma_wait3A = arith.constant 0 : i32
        %dma_wait3A_29 = arith.constant 0 : i32
        %dma_wait3A_30 = tpu.memref_slice %arg2[%dma_wait3A, %dma_wait3A_29] : memref<10240x128xf32, #tpu.memory_space<hbm>> -> memref<10240x128xf32, #tpu.memory_space<hbm>>
        tpu.wait_indirect_dma semaphore(%arg11 : memref<!tpu.dma_semaphore, #tpu.memory_space<semaphore_mem>>) src(%dma_wait3A_30 : memref<10240x128xf32, #tpu.memory_space<hbm>>) dst(%arg9 : memref<128x128xf32, #tpu.memory_space<vmem>>)
        "tpu.region"() ({
          %run_scoped3A = tpu.sem_alloc : memref<!tpu.dma_semaphore, #tpu.memory_space<semaphore_mem>>
          %dma_start3A_31 = arith.constant 0 : i32
          %dma_start3A_32 = arith.constant 0 : i32
          %dma_start3A_33 = tpu.memref_slice %arg10[%dma_start3A_31, %dma_start3A_32] : memref<10240x128xf32, #tpu.memory_space<vmem_shared>> -> memref<10240x128xf32, #tpu.memory_space<vmem_shared>>
          tpu.enqueue_indirect_dma source(%arg9 : memref<128x128xf32, #tpu.memory_space<vmem>>) target(%dma_start3A_33 : memref<10240x128xf32, #tpu.memory_space<vmem_shared>>) offsets(%arg8 : memref<128xi32, #tpu.memory_space<vmem>>) semaphore(%run_scoped3A : memref<!tpu.dma_semaphore, #tpu.memory_space<semaphore_mem>>) {add = true}
          %dma_wait3A_34 = arith.constant 0 : i32
          %dma_wait3A_35 = arith.constant 0 : i32
          %dma_wait3A_36 = tpu.memref_slice %arg10[%dma_wait3A_34, %dma_wait3A_35] : memref<10240x128xf32, #tpu.memory_space<vmem_shared>> -> memref<10240x128xf32, #tpu.memory_space<vmem_shared>>
          tpu.wait_indirect_dma semaphore(%run_scoped3A : memref<!tpu.dma_semaphore, #tpu.memory_space<semaphore_mem>>) src(%arg9 : memref<128x128xf32, #tpu.memory_space<vmem>>) dst(%dma_wait3A_36 : memref<10240x128xf32, #tpu.memory_space<vmem_shared>>)
          tpu.yield
        }) : () -> ()
      }
      %scan3A_14 = arith.constant 52 : i32
    } else {
    }
    %barrier3A_8 = arith.constant 0 : index
    tpu.barrier barrier_id(%barrier3A_8)
    %mul3A_9 = arith.constant 10240 : i32
    %mul3A_10 = arith.muli %arg0, %mul3A_9 : i32
    %add3A = arith.addi %mul3A_10, %mul3A_0 : i32
    "tpu.region"() ({
      %run_scoped3A = tpu.sem_alloc : memref<!tpu.dma_semaphore, #tpu.memory_space<semaphore_mem>>
      %dma_start3A = arith.constant 0 : i32
      %dma_start3A_11 = tpu.memref_slice %arg6[%add3A, %dma_start3A] : memref<20480x128xf32, #tpu.memory_space<hbm>> -> memref<640x128xf32, #tpu.memory_space<hbm>>
      %dma_start3A_12 = arith.constant 0 : i32
      %dma_start3A_13 = tpu.memref_slice %arg10[%mul3A_0, %dma_start3A_12] : memref<10240x128xf32, #tpu.memory_space<vmem_shared>> -> memref<640x128xf32, #tpu.memory_space<vmem_shared>>
      tpu.enqueue_dma source(%dma_start3A_13 : memref<640x128xf32, #tpu.memory_space<vmem_shared>>) target(%dma_start3A_11 : memref<640x128xf32, #tpu.memory_space<hbm>>) target_semaphore(%run_scoped3A : memref<!tpu.dma_semaphore, #tpu.memory_space<semaphore_mem>>)
      %dma_wait3A = arith.constant 0 : i32
      %dma_wait3A_14 = tpu.memref_slice %arg6[%add3A, %dma_wait3A] : memref<20480x128xf32, #tpu.memory_space<hbm>> -> memref<640x128xf32, #tpu.memory_space<hbm>>
      %dma_wait3A_15 = arith.constant 0 : i32
      %dma_wait3A_16 = tpu.memref_slice %arg10[%mul3A_0, %dma_wait3A_15] : memref<10240x128xf32, #tpu.memory_space<vmem_shared>> -> memref<640x128xf32, #tpu.memory_space<vmem_shared>>
      tpu.wait_dma2 semaphore(%run_scoped3A : memref<!tpu.dma_semaphore, #tpu.memory_space<semaphore_mem>>) src(%dma_wait3A_16 : memref<640x128xf32, #tpu.memory_space<vmem_shared>>) dst(%dma_wait3A_14 : memref<640x128xf32, #tpu.memory_space<hbm>>)
      tpu.yield
    }) : () -> ()
    return
  }
}

#map = affine_map<(d0, d1) -> (0, 0)>
#map1 = affine_map<(d0, d1) -> (0)>
module attributes {stable_mosaic.version = 14 : i64} {
  func.func @agg_kernel(%arg0: i32, %arg1: i32, %arg2: memref<10240x128xf32, #tpu.memory_space<hbm>>, %arg3: memref<323584xi32, #tpu.memory_space<hbm>>, %arg4: memref<323584xi32, #tpu.memory_space<hbm>>, %arg5: memref<10240x128xf32, #tpu.memory_space<hbm>>, %arg6: memref<20480x128xf32, #tpu.memory_space<hbm>>, %arg7: memref<128xi32, #tpu.memory_space<vmem>>, %arg8: memref<128xi32, #tpu.memory_space<vmem>>, %arg9: memref<128x128xf32, #tpu.memory_space<vmem>>, %arg10: memref<10240x128xf32, #tpu.memory_space<vmem_shared>>, %arg11: memref<!tpu.dma_semaphore, #tpu.memory_space<semaphore_mem>>) attributes {dimension_semantics = [#tpu.dimension_semantics<core_parallel>, #tpu.dimension_semantics<subcore_parallel>], iteration_bounds = array<i64: 2, 16>, scalar_prefetch = 0 : i64, scratch_operands = 5 : i64, tpu.core_type = #tpu.core_type<sc_vector_subcore>, window_params = [{transform_indices = #map}, {transform_indices = #map1}, {transform_indices = #map1}, {transform_indices = #map}, {transform_indices = #map}]} {
    %mul3A = arith.constant 640 : i32
    %mul3A_0 = arith.muli %arg1, %mul3A : i32
    "tpu.region"() ({
      %run_scoped3A = tpu.sem_alloc : memref<!tpu.dma_semaphore, #tpu.memory_space<semaphore_mem>>
      %dma_start3A = arith.constant 0 : i32
      %dma_start3A_11 = tpu.memref_slice %arg10[%mul3A_0, %dma_start3A] : memref<10240x128xf32, #tpu.memory_space<vmem_shared>> -> memref<640x128xf32, #tpu.memory_space<vmem_shared>>
      %dma_start3A_12 = arith.constant 0 : i32
      %dma_start3A_13 = tpu.memref_slice %arg5[%mul3A_0, %dma_start3A_12] : memref<10240x128xf32, #tpu.memory_space<hbm>> -> memref<640x128xf32, #tpu.memory_space<hbm>>
      tpu.enqueue_dma source(%dma_start3A_13 : memref<640x128xf32, #tpu.memory_space<hbm>>) target(%dma_start3A_11 : memref<640x128xf32, #tpu.memory_space<vmem_shared>>) target_semaphore(%run_scoped3A : memref<!tpu.dma_semaphore, #tpu.memory_space<semaphore_mem>>)
      %dma_wait3A = arith.constant 0 : i32
      %dma_wait3A_14 = tpu.memref_slice %arg10[%mul3A_0, %dma_wait3A] : memref<10240x128xf32, #tpu.memory_space<vmem_shared>> -> memref<640x128xf32, #tpu.memory_space<vmem_shared>>
      %dma_wait3A_15 = arith.constant 0 : i32
      %dma_wait3A_16 = tpu.memref_slice %arg5[%mul3A_0, %dma_wait3A_15] : memref<10240x128xf32, #tpu.memory_space<hbm>> -> memref<640x128xf32, #tpu.memory_space<hbm>>
      tpu.wait_dma2 semaphore(%run_scoped3A : memref<!tpu.dma_semaphore, #tpu.memory_space<semaphore_mem>>) src(%dma_wait3A_16 : memref<640x128xf32, #tpu.memory_space<hbm>>) dst(%dma_wait3A_14 : memref<640x128xf32, #tpu.memory_space<vmem_shared>>)
      tpu.yield
    }) : () -> ()
    %barrier3A = arith.constant 0 : index
    tpu.barrier barrier_id(%barrier3A)
    %eq3A = arith.constant 0 : i32
    %eq3A_1 = arith.cmpi eq, %arg0, %eq3A : i32
    %convert_element_type3A = arith.extui %eq3A_1 : i1 to i32
    %cond3A = arith.constant 0 : i32
    %cond3A_2 = arith.cmpi ne, %convert_element_type3A, %cond3A : i32
    scf.if %cond3A_2 {
      %scan3A = arith.constant 0 : i32
      %scan3A_11 = arith.constant 106 : i32
      %scan3A_12 = arith.addi %scan3A, %scan3A_11 : i32
      %scan3A_13 = arith.constant 1 : i32
      scf.for %scan3A_15 = %scan3A to %scan3A_12 step %scan3A_13  : i32 {
        %mul3A_16 = arith.constant 1 : i32
        %mul3A_17 = arith.muli %scan3A_15, %mul3A_16 : i32
        %add3A_18 = arith.constant 0 : i32
        %add3A_19 = arith.addi %add3A_18, %mul3A_17 : i32
        %mul3A_20 = arith.constant 106 : i32
        %mul3A_21 = arith.muli %arg1, %mul3A_20 : i32
        %add3A_22 = arith.addi %mul3A_21, %add3A_19 : i32
        %mul3A_23 = arith.constant 128 : i32
        %mul3A_24 = arith.muli %add3A_22, %mul3A_23 : i32
        "tpu.region"() ({
          %run_scoped3A = tpu.sem_alloc : memref<!tpu.dma_semaphore, #tpu.memory_space<semaphore_mem>>
          %dma_start3A_29 = tpu.memref_slice %arg3[%mul3A_24] : memref<323584xi32, #tpu.memory_space<hbm>> -> memref<128xi32, #tpu.memory_space<hbm>>
          %dma_start3A_30 = tpu.memref_slice %arg3[%mul3A_24] : memref<323584xi32, #tpu.memory_space<hbm>> -> memref<128xi32, #tpu.memory_space<hbm>>
          tpu.enqueue_dma source(%dma_start3A_30 : memref<128xi32, #tpu.memory_space<hbm>>) target(%arg7 : memref<128xi32, #tpu.memory_space<vmem>>) target_semaphore(%run_scoped3A : memref<!tpu.dma_semaphore, #tpu.memory_space<semaphore_mem>>)
          %dma_wait3A_31 = tpu.memref_slice %arg3[%mul3A_24] : memref<323584xi32, #tpu.memory_space<hbm>> -> memref<128xi32, #tpu.memory_space<hbm>>
          %dma_wait3A_32 = tpu.memref_slice %arg3[%mul3A_24] : memref<323584xi32, #tpu.memory_space<hbm>> -> memref<128xi32, #tpu.memory_space<hbm>>
          tpu.wait_dma2 semaphore(%run_scoped3A : memref<!tpu.dma_semaphore, #tpu.memory_space<semaphore_mem>>) src(%dma_wait3A_32 : memref<128xi32, #tpu.memory_space<hbm>>) dst(%arg7 : memref<128xi32, #tpu.memory_space<vmem>>)
          tpu.yield
        }) : () -> ()
        "tpu.region"() ({
          %run_scoped3A = tpu.sem_alloc : memref<!tpu.dma_semaphore, #tpu.memory_space<semaphore_mem>>
          %dma_start3A_29 = tpu.memref_slice %arg4[%mul3A_24] : memref<323584xi32, #tpu.memory_space<hbm>> -> memref<128xi32, #tpu.memory_space<hbm>>
          %dma_start3A_30 = tpu.memref_slice %arg4[%mul3A_24] : memref<323584xi32, #tpu.memory_space<hbm>> -> memref<128xi32, #tpu.memory_space<hbm>>
          tpu.enqueue_dma source(%dma_start3A_30 : memref<128xi32, #tpu.memory_space<hbm>>) target(%arg8 : memref<128xi32, #tpu.memory_space<vmem>>) target_semaphore(%run_scoped3A : memref<!tpu.dma_semaphore, #tpu.memory_space<semaphore_mem>>)
          %dma_wait3A_31 = tpu.memref_slice %arg4[%mul3A_24] : memref<323584xi32, #tpu.memory_space<hbm>> -> memref<128xi32, #tpu.memory_space<hbm>>
          %dma_wait3A_32 = tpu.memref_slice %arg4[%mul3A_24] : memref<323584xi32, #tpu.memory_space<hbm>> -> memref<128xi32, #tpu.memory_space<hbm>>
          tpu.wait_dma2 semaphore(%run_scoped3A : memref<!tpu.dma_semaphore, #tpu.memory_space<semaphore_mem>>) src(%dma_wait3A_32 : memref<128xi32, #tpu.memory_space<hbm>>) dst(%arg8 : memref<128xi32, #tpu.memory_space<vmem>>)
          tpu.yield
        }) : () -> ()
        %dma_start3A = arith.constant 0 : i32
        %dma_start3A_25 = arith.constant 0 : i32
        %dma_start3A_26 = tpu.memref_slice %arg2[%dma_start3A, %dma_start3A_25] : memref<10240x128xf32, #tpu.memory_space<hbm>> -> memref<10240x128xf32, #tpu.memory_space<hbm>>
        tpu.enqueue_indirect_dma source(%dma_start3A_26 : memref<10240x128xf32, #tpu.memory_space<hbm>>) target(%arg9 : memref<128x128xf32, #tpu.memory_space<vmem>>) offsets(%arg7 : memref<128xi32, #tpu.memory_space<vmem>>) semaphore(%arg11 : memref<!tpu.dma_semaphore, #tpu.memory_space<semaphore_mem>>)
        %dma_wait3A = arith.constant 0 : i32
        %dma_wait3A_27 = arith.constant 0 : i32
        %dma_wait3A_28 = tpu.memref_slice %arg2[%dma_wait3A, %dma_wait3A_27] : memref<10240x128xf32, #tpu.memory_space<hbm>> -> memref<10240x128xf32, #tpu.memory_space<hbm>>
        tpu.wait_indirect_dma semaphore(%arg11 : memref<!tpu.dma_semaphore, #tpu.memory_space<semaphore_mem>>) src(%dma_wait3A_28 : memref<10240x128xf32, #tpu.memory_space<hbm>>) dst(%arg9 : memref<128x128xf32, #tpu.memory_space<vmem>>)
        "tpu.region"() ({
          %run_scoped3A = tpu.sem_alloc : memref<!tpu.dma_semaphore, #tpu.memory_space<semaphore_mem>>
          %dma_start3A_29 = arith.constant 0 : i32
          %dma_start3A_30 = arith.constant 0 : i32
          %dma_start3A_31 = tpu.memref_slice %arg10[%dma_start3A_29, %dma_start3A_30] : memref<10240x128xf32, #tpu.memory_space<vmem_shared>> -> memref<10240x128xf32, #tpu.memory_space<vmem_shared>>
          tpu.enqueue_indirect_dma source(%arg9 : memref<128x128xf32, #tpu.memory_space<vmem>>) target(%dma_start3A_31 : memref<10240x128xf32, #tpu.memory_space<vmem_shared>>) offsets(%arg8 : memref<128xi32, #tpu.memory_space<vmem>>) semaphore(%run_scoped3A : memref<!tpu.dma_semaphore, #tpu.memory_space<semaphore_mem>>) {add = true}
          %dma_wait3A_32 = arith.constant 0 : i32
          %dma_wait3A_33 = arith.constant 0 : i32
          %dma_wait3A_34 = tpu.memref_slice %arg10[%dma_wait3A_32, %dma_wait3A_33] : memref<10240x128xf32, #tpu.memory_space<vmem_shared>> -> memref<10240x128xf32, #tpu.memory_space<vmem_shared>>
          tpu.wait_indirect_dma semaphore(%run_scoped3A : memref<!tpu.dma_semaphore, #tpu.memory_space<semaphore_mem>>) src(%arg9 : memref<128x128xf32, #tpu.memory_space<vmem>>) dst(%dma_wait3A_34 : memref<10240x128xf32, #tpu.memory_space<vmem_shared>>)
          tpu.yield
        }) : () -> ()
      }
      %scan3A_14 = arith.constant 106 : i32
    } else {
    }
    %eq3A_3 = arith.constant 1 : i32
    %eq3A_4 = arith.cmpi eq, %arg0, %eq3A_3 : i32
    %convert_element_type3A_5 = arith.extui %eq3A_4 : i1 to i32
    %cond3A_6 = arith.constant 0 : i32
    %cond3A_7 = arith.cmpi ne, %convert_element_type3A_5, %cond3A_6 : i32
    scf.if %cond3A_7 {
      %scan3A = arith.constant 0 : i32
      %scan3A_11 = arith.constant 52 : i32
      %scan3A_12 = arith.addi %scan3A, %scan3A_11 : i32
      %scan3A_13 = arith.constant 1 : i32
      scf.for %scan3A_15 = %scan3A to %scan3A_12 step %scan3A_13  : i32 {
        %mul3A_16 = arith.constant 1 : i32
        %mul3A_17 = arith.muli %scan3A_15, %mul3A_16 : i32
        %add3A_18 = arith.constant 0 : i32
        %add3A_19 = arith.addi %add3A_18, %mul3A_17 : i32
        %mul3A_20 = arith.constant 52 : i32
        %mul3A_21 = arith.muli %arg1, %mul3A_20 : i32
        %add3A_22 = arith.constant 1696 : i32
        %add3A_23 = arith.addi %add3A_22, %mul3A_21 : i32
        %add3A_24 = arith.addi %add3A_23, %add3A_19 : i32
        %mul3A_25 = arith.constant 128 : i32
        %mul3A_26 = arith.muli %add3A_24, %mul3A_25 : i32
        "tpu.region"() ({
          %run_scoped3A = tpu.sem_alloc : memref<!tpu.dma_semaphore, #tpu.memory_space<semaphore_mem>>
          %dma_start3A_31 = tpu.memref_slice %arg3[%mul3A_26] : memref<323584xi32, #tpu.memory_space<hbm>> -> memref<128xi32, #tpu.memory_space<hbm>>
          %dma_start3A_32 = tpu.memref_slice %arg3[%mul3A_26] : memref<323584xi32, #tpu.memory_space<hbm>> -> memref<128xi32, #tpu.memory_space<hbm>>
          tpu.enqueue_dma source(%dma_start3A_32 : memref<128xi32, #tpu.memory_space<hbm>>) target(%arg7 : memref<128xi32, #tpu.memory_space<vmem>>) target_semaphore(%run_scoped3A : memref<!tpu.dma_semaphore, #tpu.memory_space<semaphore_mem>>)
          %dma_wait3A_33 = tpu.memref_slice %arg3[%mul3A_26] : memref<323584xi32, #tpu.memory_space<hbm>> -> memref<128xi32, #tpu.memory_space<hbm>>
          %dma_wait3A_34 = tpu.memref_slice %arg3[%mul3A_26] : memref<323584xi32, #tpu.memory_space<hbm>> -> memref<128xi32, #tpu.memory_space<hbm>>
          tpu.wait_dma2 semaphore(%run_scoped3A : memref<!tpu.dma_semaphore, #tpu.memory_space<semaphore_mem>>) src(%dma_wait3A_34 : memref<128xi32, #tpu.memory_space<hbm>>) dst(%arg7 : memref<128xi32, #tpu.memory_space<vmem>>)
          tpu.yield
        }) : () -> ()
        "tpu.region"() ({
          %run_scoped3A = tpu.sem_alloc : memref<!tpu.dma_semaphore, #tpu.memory_space<semaphore_mem>>
          %dma_start3A_31 = tpu.memref_slice %arg4[%mul3A_26] : memref<323584xi32, #tpu.memory_space<hbm>> -> memref<128xi32, #tpu.memory_space<hbm>>
          %dma_start3A_32 = tpu.memref_slice %arg4[%mul3A_26] : memref<323584xi32, #tpu.memory_space<hbm>> -> memref<128xi32, #tpu.memory_space<hbm>>
          tpu.enqueue_dma source(%dma_start3A_32 : memref<128xi32, #tpu.memory_space<hbm>>) target(%arg8 : memref<128xi32, #tpu.memory_space<vmem>>) target_semaphore(%run_scoped3A : memref<!tpu.dma_semaphore, #tpu.memory_space<semaphore_mem>>)
          %dma_wait3A_33 = tpu.memref_slice %arg4[%mul3A_26] : memref<323584xi32, #tpu.memory_space<hbm>> -> memref<128xi32, #tpu.memory_space<hbm>>
          %dma_wait3A_34 = tpu.memref_slice %arg4[%mul3A_26] : memref<323584xi32, #tpu.memory_space<hbm>> -> memref<128xi32, #tpu.memory_space<hbm>>
          tpu.wait_dma2 semaphore(%run_scoped3A : memref<!tpu.dma_semaphore, #tpu.memory_space<semaphore_mem>>) src(%dma_wait3A_34 : memref<128xi32, #tpu.memory_space<hbm>>) dst(%arg8 : memref<128xi32, #tpu.memory_space<vmem>>)
          tpu.yield
        }) : () -> ()
        %dma_start3A = arith.constant 0 : i32
        %dma_start3A_27 = arith.constant 0 : i32
        %dma_start3A_28 = tpu.memref_slice %arg2[%dma_start3A, %dma_start3A_27] : memref<10240x128xf32, #tpu.memory_space<hbm>> -> memref<10240x128xf32, #tpu.memory_space<hbm>>
        tpu.enqueue_indirect_dma source(%dma_start3A_28 : memref<10240x128xf32, #tpu.memory_space<hbm>>) target(%arg9 : memref<128x128xf32, #tpu.memory_space<vmem>>) offsets(%arg7 : memref<128xi32, #tpu.memory_space<vmem>>) semaphore(%arg11 : memref<!tpu.dma_semaphore, #tpu.memory_space<semaphore_mem>>)
        %dma_wait3A = arith.constant 0 : i32
        %dma_wait3A_29 = arith.constant 0 : i32
        %dma_wait3A_30 = tpu.memref_slice %arg2[%dma_wait3A, %dma_wait3A_29] : memref<10240x128xf32, #tpu.memory_space<hbm>> -> memref<10240x128xf32, #tpu.memory_space<hbm>>
        tpu.wait_indirect_dma semaphore(%arg11 : memref<!tpu.dma_semaphore, #tpu.memory_space<semaphore_mem>>) src(%dma_wait3A_30 : memref<10240x128xf32, #tpu.memory_space<hbm>>) dst(%arg9 : memref<128x128xf32, #tpu.memory_space<vmem>>)
        "tpu.region"() ({
          %run_scoped3A = tpu.sem_alloc : memref<!tpu.dma_semaphore, #tpu.memory_space<semaphore_mem>>
          %dma_start3A_31 = arith.constant 0 : i32
          %dma_start3A_32 = arith.constant 0 : i32
          %dma_start3A_33 = tpu.memref_slice %arg10[%dma_start3A_31, %dma_start3A_32] : memref<10240x128xf32, #tpu.memory_space<vmem_shared>> -> memref<10240x128xf32, #tpu.memory_space<vmem_shared>>
          tpu.enqueue_indirect_dma source(%arg9 : memref<128x128xf32, #tpu.memory_space<vmem>>) target(%dma_start3A_33 : memref<10240x128xf32, #tpu.memory_space<vmem_shared>>) offsets(%arg8 : memref<128xi32, #tpu.memory_space<vmem>>) semaphore(%run_scoped3A : memref<!tpu.dma_semaphore, #tpu.memory_space<semaphore_mem>>) {add = true}
          %dma_wait3A_34 = arith.constant 0 : i32
          %dma_wait3A_35 = arith.constant 0 : i32
          %dma_wait3A_36 = tpu.memref_slice %arg10[%dma_wait3A_34, %dma_wait3A_35] : memref<10240x128xf32, #tpu.memory_space<vmem_shared>> -> memref<10240x128xf32, #tpu.memory_space<vmem_shared>>
          tpu.wait_indirect_dma semaphore(%run_scoped3A : memref<!tpu.dma_semaphore, #tpu.memory_space<semaphore_mem>>) src(%arg9 : memref<128x128xf32, #tpu.memory_space<vmem>>) dst(%dma_wait3A_36 : memref<10240x128xf32, #tpu.memory_space<vmem_shared>>)
          tpu.yield
        }) : () -> ()
      }
      %scan3A_14 = arith.constant 52 : i32
    } else {
    }
    %barrier3A_8 = arith.constant 0 : index
    tpu.barrier barrier_id(%barrier3A_8)
    %mul3A_9 = arith.constant 10240 : i32
    %mul3A_10 = arith.muli %arg0, %mul3A_9 : i32
    %add3A = arith.addi %mul3A_10, %mul3A_0 : i32
    "tpu.region"() ({
      %run_scoped3A = tpu.sem_alloc : memref<!tpu.dma_semaphore, #tpu.memory_space<semaphore_mem>>
      %dma_start3A = arith.constant 0 : i32
      %dma_start3A_11 = tpu.memref_slice %arg6[%add3A, %dma_start3A] : memref<20480x128xf32, #tpu.memory_space<hbm>> -> memref<640x128xf32, #tpu.memory_space<hbm>>
      %dma_start3A_12 = arith.constant 0 : i32
      %dma_start3A_13 = tpu.memref_slice %arg10[%mul3A_0, %dma_start3A_12] : memref<10240x128xf32, #tpu.memory_space<vmem_shared>> -> memref<640x128xf32, #tpu.memory_space<vmem_shared>>
      tpu.enqueue_dma source(%dma_start3A_13 : memref<640x128xf32, #tpu.memory_space<vmem_shared>>) target(%dma_start3A_11 : memref<640x128xf32, #tpu.memory_space<hbm>>) target_semaphore(%run_scoped3A : memref<!tpu.dma_semaphore, #tpu.memory_space<semaphore_mem>>)
      %dma_wait3A = arith.constant 0 : i32
      %dma_wait3A_14 = tpu.memref_slice %arg6[%add3A, %dma_wait3A] : memref<20480x128xf32, #tpu.memory_space<hbm>> -> memref<640x128xf32, #tpu.memory_space<hbm>>
      %dma_wait3A_15 = arith.constant 0 : i32
      %dma_wait3A_16 = tpu.memref_slice %arg10[%mul3A_0, %dma_wait3A_15] : memref<10240x128xf32, #tpu.memory_space<vmem_shared>> -> memref<640x128xf32, #tpu.memory_space<vmem_shared>>
      tpu.wait_dma2 semaphore(%run_scoped3A : memref<!tpu.dma_semaphore, #tpu.memory_space<semaphore_mem>>) src(%dma_wait3A_16 : memref<640x128xf32, #tpu.memory_space<vmem_shared>>) dst(%dma_wait3A_14 : memref<640x128xf32, #tpu.memory_space<hbm>>)
      tpu.yield
    }) : () -> ()
    return
  }
}

module attributes {stable_mosaic.version = 14 : i64} {
  func.func @_prep_body(%arg0: i32, %arg1: memref<1024x128xf32, #tpu.memory_space<vmem>>, %arg2: memref<2x1024x128xf32, #tpu.memory_space<vmem>>, %arg3: memref<1024x128xf32, #tpu.memory_space<vmem>>) attributes {dimension_semantics = [#tpu.dimension_semantics<arbitrary>], iteration_bounds = array<i64: 10>, scalar_prefetch = 0 : i64, scratch_operands = 0 : i64, tpu.core_type = #tpu.core_type<tc>, window_params = [{transform_indices = @transform_0, window_bounds = array<i64: 1024, 128>}, {transform_indices = @transform_1, window_bounds = array<i64: 2, 1024, 128>}, {transform_indices = @transform_2, window_bounds = array<i64: 1024, 128>}]} {
    %get3A = arith.constant 0 : index
    %get3A_0 = arith.constant 0 : index
    %get3A_1 = vector.load %arg1[%get3A, %get3A_0] : memref<1024x128xf32, #tpu.memory_space<vmem>>, vector<1024x128xf32>
    %get3A_2 = arith.constant 0 : index
    %get3A_3 = arith.constant 0 : index
    %get3A_4 = arith.constant 0 : index
    %get3A_5 = vector.load %arg2[%get3A_2, %get3A_3, %get3A_4] : memref<2x1024x128xf32, #tpu.memory_space<vmem>>, vector<1x1024x128xf32>
    %get3A_6 = vector.shape_cast %get3A_5 : vector<1x1024x128xf32> to vector<1024x128xf32>
    %get3A_7 = arith.constant 1 : index
    %get3A_8 = arith.constant 0 : index
    %get3A_9 = arith.constant 0 : index
    %get3A_10 = vector.load %arg2[%get3A_7, %get3A_8, %get3A_9] : memref<2x1024x128xf32, #tpu.memory_space<vmem>>, vector<1x1024x128xf32>
    %get3A_11 = vector.shape_cast %get3A_10 : vector<1x1024x128xf32> to vector<1024x128xf32>
    %add3A = arith.addf %get3A_6, %get3A_11 : vector<1024x128xf32>
    %gt3A = arith.constant 0.000000e+00 : f32
    %gt3A_12 = vector.broadcast %gt3A : f32 to vector<1024x128xf32>
    %gt3A_13 = arith.cmpf ogt, %add3A, %gt3A_12 : vector<1024x128xf32>
    %max3A = arith.constant 1.000000e+00 : f32
    %max3A_14 = vector.broadcast %max3A : f32 to vector<1024x128xf32>
    %max3A_15 = arith.maximumf %add3A, %max3A_14 : vector<1024x128xf32>
    %sqrt3A = math.sqrt %max3A_15 : vector<1024x128xf32>
    %div3A = arith.constant 1.000000e+00 : f32
    %div3A_16 = vector.broadcast %div3A : f32 to vector<1024x128xf32>
    %div3A_17 = arith.divf %div3A_16, %sqrt3A : vector<1024x128xf32>
    %jit3A = arith.constant 0.000000e+00 : f32
    %broadcast_in_dim3A = vector.broadcast %jit3A : f32 to vector<1024x128xf32>
    %select_n3A = arith.select %gt3A_13, %div3A_17, %broadcast_in_dim3A : vector<1024x128xi1>, vector<1024x128xf32>
    %slice3A = vector.extract_strided_slice %select_n3A {offsets = [0, 0], sizes = [1024, 1], strides = [1, 1]} : vector<1024x128xf32> to vector<1024x1xf32>
    %mul3A = vector.broadcast %slice3A : vector<1024x1xf32> to vector<1024x128xf32>
    %mul3A_18 = arith.mulf %get3A_1, %mul3A : vector<1024x128xf32>
    %swap3A = arith.constant 0 : index
    %swap3A_19 = arith.constant 0 : index
    %swap3A_20 = vector.load %arg3[%swap3A, %swap3A_19] : memref<1024x128xf32, #tpu.memory_space<vmem>>, vector<1024x128xf32>
    tpu.vector_store %arg3[%swap3A, %swap3A_19], %mul3A_18 {strides = array<i32>} : memref<1024x128xf32, #tpu.memory_space<vmem>>, vector<1024x128xf32>,
    return
  }
  func.func @transform_0(%arg0: i32) -> (i32, i32) {
    %c0_i32 = arith.constant 0 : i32
    %c0_i32_0 = arith.constant 0 : i32
    return %arg0, %c0_i32 : i32, i32
  }
  func.func @transform_1(%arg0: i32) -> (i32, i32, i32) {
    %c0_i32 = arith.constant 0 : i32
    %c0_i32_0 = arith.constant 0 : i32
    %c0_i32_1 = arith.constant 0 : i32
    return %c0_i32, %arg0, %c0_i32_0 : i32, i32, i32
  }
  func.func @transform_2(%arg0: i32) -> (i32, i32) {
    %c0_i32 = arith.constant 0 : i32
    %c0_i32_0 = arith.constant 0 : i32
    return %arg0, %c0_i32 : i32, i32
  }
}

module attributes {stable_mosaic.version = 14 : i64} {
  func.func @_l0_body(%arg0: i32, %arg1: memref<2x1024x128xf32, #tpu.memory_space<vmem>>, %arg2: memref<2x1024x128xf32, #tpu.memory_space<vmem>>, %arg3: memref<2x1024x128xf32, #tpu.memory_space<vmem>>, %arg4: memref<128x256xf32, #tpu.memory_space<vmem>>, %arg5: memref<1x256xf32, #tpu.memory_space<vmem>>, %arg6: memref<2x1024x128xf32, #tpu.memory_space<vmem>>) attributes {dimension_semantics = [#tpu.dimension_semantics<arbitrary>], iteration_bounds = array<i64: 10>, scalar_prefetch = 0 : i64, scratch_operands = 0 : i64, tpu.core_type = #tpu.core_type<tc>, window_params = [{transform_indices = @transform_0, window_bounds = array<i64: 2, 1024, 128>}, {transform_indices = @transform_1, window_bounds = array<i64: 2, 1024, 128>}, {transform_indices = @transform_2, window_bounds = array<i64: 2, 1024, 128>}, {pipeline_mode = #tpu.pipeline_mode<synchronous>, transform_indices = @transform_3, window_bounds = array<i64: 128, 256>}, {pipeline_mode = #tpu.pipeline_mode<synchronous>, transform_indices = @transform_4, window_bounds = array<i64: 1, 256>}, {transform_indices = @transform_5, window_bounds = array<i64: 2, 1024, 128>}]} {
    %get3A = arith.constant 0 : index
    %get3A_0 = arith.constant 0 : index
    %get3A_1 = arith.constant 0 : index
    %get3A_2 = vector.load %arg1[%get3A, %get3A_0, %get3A_1] : memref<2x1024x128xf32, #tpu.memory_space<vmem>>, vector<1x1024x128xf32>
    %get3A_3 = vector.shape_cast %get3A_2 : vector<1x1024x128xf32> to vector<1024x128xf32>
    %get3A_4 = arith.constant 1 : index
    %get3A_5 = arith.constant 0 : index
    %get3A_6 = arith.constant 0 : index
    %get3A_7 = vector.load %arg1[%get3A_4, %get3A_5, %get3A_6] : memref<2x1024x128xf32, #tpu.memory_space<vmem>>, vector<1x1024x128xf32>
    %get3A_8 = vector.shape_cast %get3A_7 : vector<1x1024x128xf32> to vector<1024x128xf32>
    %add3A = arith.addf %get3A_3, %get3A_8 : vector<1024x128xf32>
    %get3A_9 = arith.constant 0 : index
    %get3A_10 = arith.constant 0 : index
    %get3A_11 = arith.constant 0 : index
    %get3A_12 = vector.load %arg2[%get3A_9, %get3A_10, %get3A_11] : memref<2x1024x128xf32, #tpu.memory_space<vmem>>, vector<1x1024x128xf32>
    %get3A_13 = vector.shape_cast %get3A_12 : vector<1x1024x128xf32> to vector<1024x128xf32>
    %get3A_14 = arith.constant 1 : index
    %get3A_15 = arith.constant 0 : index
    %get3A_16 = arith.constant 0 : index
    %get3A_17 = vector.load %arg2[%get3A_14, %get3A_15, %get3A_16] : memref<2x1024x128xf32, #tpu.memory_space<vmem>>, vector<1x1024x128xf32>
    %get3A_18 = vector.shape_cast %get3A_17 : vector<1x1024x128xf32> to vector<1024x128xf32>
    %add3A_19 = arith.addf %get3A_13, %get3A_18 : vector<1024x128xf32>
    %gt3A = arith.constant 0.000000e+00 : f32
    %gt3A_20 = vector.broadcast %gt3A : f32 to vector<1024x128xf32>
    %gt3A_21 = arith.cmpf ogt, %add3A_19, %gt3A_20 : vector<1024x128xf32>
    %max3A = arith.constant 1.000000e+00 : f32
    %max3A_22 = vector.broadcast %max3A : f32 to vector<1024x128xf32>
    %max3A_23 = arith.maximumf %add3A_19, %max3A_22 : vector<1024x128xf32>
    %sqrt3A = math.sqrt %max3A_23 : vector<1024x128xf32>
    %div3A = arith.constant 1.000000e+00 : f32
    %div3A_24 = vector.broadcast %div3A : f32 to vector<1024x128xf32>
    %div3A_25 = arith.divf %div3A_24, %sqrt3A : vector<1024x128xf32>
    %jit3A = arith.constant 0.000000e+00 : f32
    %broadcast_in_dim3A = vector.broadcast %jit3A : f32 to vector<1024x128xf32>
    %select_n3A = arith.select %gt3A_21, %div3A_25, %broadcast_in_dim3A : vector<1024x128xi1>, vector<1024x128xf32>
    %slice3A = vector.extract_strided_slice %select_n3A {offsets = [0, 0], sizes = [1024, 1], strides = [1, 1]} : vector<1024x128xf32> to vector<1024x1xf32>
    %mul3A = vector.broadcast %slice3A : vector<1024x1xf32> to vector<1024x128xf32>
    %mul3A_26 = arith.mulf %add3A, %mul3A : vector<1024x128xf32>
    %get3A_27 = arith.constant 0 : index
    %get3A_28 = arith.constant 0 : index
    %get3A_29 = vector.load %arg4[%get3A_27, %get3A_28] : memref<128x256xf32, #tpu.memory_space<vmem>>, vector<128x256xf32>
    %dot_general3A = arith.constant dense<0.000000e+00> : vector<1024x256xf32>
    %dot_general3A_30 = tpu.matmul %mul3A_26, %get3A_29, %dot_general3A {dimension_numbers = #tpu.dot_dimension_numbers<[1], [0], [0], [1], [0, 0, 1, 1], [], []>, precision = #tpu.contract_precision<fp32>, transpose_lhs_hint = false} : vector<1024x128xf32>, vector<128x256xf32>, vector<1024x256xf32> -> vector<1024x256xf32>
    %get3A_31 = arith.constant 0 : index
    %get3A_32 = arith.constant 0 : index
    %get3A_33 = vector.load %arg5[%get3A_31, %get3A_32] : memref<1x256xf32, #tpu.memory_space<vmem>>, vector<1x256xf32>
    %add3A_34 = vector.broadcast %get3A_33 : vector<1x256xf32> to vector<1024x256xf32>
    %add3A_35 = arith.addf %dot_general3A_30, %add3A_34 : vector<1024x256xf32>
    %max3A_36 = arith.constant 0.000000e+00 : f32
    %max3A_37 = vector.broadcast %max3A_36 : f32 to vector<1024x256xf32>
    %max3A_38 = arith.maximumf %add3A_35, %max3A_37 : vector<1024x256xf32>
    %get3A_39 = arith.constant 0 : index
    %get3A_40 = arith.constant 0 : index
    %get3A_41 = arith.constant 0 : index
    %get3A_42 = vector.load %arg3[%get3A_39, %get3A_40, %get3A_41] : memref<2x1024x128xf32, #tpu.memory_space<vmem>>, vector<1x1024x128xf32>
    %get3A_43 = vector.shape_cast %get3A_42 : vector<1x1024x128xf32> to vector<1024x128xf32>
    %get3A_44 = arith.constant 1 : index
    %get3A_45 = arith.constant 0 : index
    %get3A_46 = arith.constant 0 : index
    %get3A_47 = vector.load %arg3[%get3A_44, %get3A_45, %get3A_46] : memref<2x1024x128xf32, #tpu.memory_space<vmem>>, vector<1x1024x128xf32>
    %get3A_48 = vector.shape_cast %get3A_47 : vector<1x1024x128xf32> to vector<1024x128xf32>
    %add3A_49 = arith.addf %get3A_43, %get3A_48 : vector<1024x128xf32>
    %gt3A_50 = arith.constant 0.000000e+00 : f32
    %gt3A_51 = vector.broadcast %gt3A_50 : f32 to vector<1024x128xf32>
    %gt3A_52 = arith.cmpf ogt, %add3A_49, %gt3A_51 : vector<1024x128xf32>
    %max3A_53 = arith.constant 1.000000e+00 : f32
    %max3A_54 = vector.broadcast %max3A_53 : f32 to vector<1024x128xf32>
    %max3A_55 = arith.maximumf %add3A_49, %max3A_54 : vector<1024x128xf32>
    %sqrt3A_56 = math.sqrt %max3A_55 : vector<1024x128xf32>
    %div3A_57 = arith.constant 1.000000e+00 : f32
    %div3A_58 = vector.broadcast %div3A_57 : f32 to vector<1024x128xf32>
    %div3A_59 = arith.divf %div3A_58, %sqrt3A_56 : vector<1024x128xf32>
    %jit3A_60 = arith.constant 0.000000e+00 : f32
    %broadcast_in_dim3A_61 = vector.broadcast %jit3A_60 : f32 to vector<1024x128xf32>
    %select_n3A_62 = arith.select %gt3A_52, %div3A_59, %broadcast_in_dim3A_61 : vector<1024x128xi1>, vector<1024x128xf32>
    %slice3A_63 = vector.extract_strided_slice %select_n3A_62 {offsets = [0, 0], sizes = [1024, 1], strides = [1, 1]} : vector<1024x128xf32> to vector<1024x1xf32>
    %mul3A_64 = vector.broadcast %slice3A_63 : vector<1024x1xf32> to vector<1024x256xf32>
    %mul3A_65 = arith.mulf %max3A_38, %mul3A_64 : vector<1024x256xf32>
    %slice3A_66 = vector.extract_strided_slice %mul3A_65 {offsets = [0, 0], sizes = [1024, 128], strides = [1, 1]} : vector<1024x256xf32> to vector<1024x128xf32>
    %swap3A = arith.constant 0 : index
    %swap3A_67 = arith.constant 0 : index
    %swap3A_68 = arith.constant 0 : index
    %swap3A_69 = vector.load %arg6[%swap3A, %swap3A_67, %swap3A_68] : memref<2x1024x128xf32, #tpu.memory_space<vmem>>, vector<1x1024x128xf32>
    %swap3A_70 = vector.shape_cast %swap3A_69 : vector<1x1024x128xf32> to vector<1024x128xf32>
    %swap3A_71 = vector.shape_cast %slice3A_66 : vector<1024x128xf32> to vector<1x1024x128xf32>
    tpu.vector_store %arg6[%swap3A, %swap3A_67, %swap3A_68], %swap3A_71 {strides = array<i32>} : memref<2x1024x128xf32, #tpu.memory_space<vmem>>, vector<1x1024x128xf32>,
    %slice3A_72 = vector.extract_strided_slice %mul3A_65 {offsets = [0, 128], sizes = [1024, 128], strides = [1, 1]} : vector<1024x256xf32> to vector<1024x128xf32>
    %swap3A_73 = arith.constant 1 : index
    %swap3A_74 = arith.constant 0 : index
    %swap3A_75 = arith.constant 0 : index
    %swap3A_76 = vector.load %arg6[%swap3A_73, %swap3A_74, %swap3A_75] : memref<2x1024x128xf32, #tpu.memory_space<vmem>>, vector<1x1024x128xf32>
    %swap3A_77 = vector.shape_cast %swap3A_76 : vector<1x1024x128xf32> to vector<1024x128xf32>
    %swap3A_78 = vector.shape_cast %slice3A_72 : vector<1024x128xf32> to vector<1x1024x128xf32>
    tpu.vector_store %arg6[%swap3A_73, %swap3A_74, %swap3A_75], %swap3A_78 {strides = array<i32>} : memref<2x1024x128xf32, #tpu.memory_space<vmem>>, vector<1x1024x128xf32>,
    return
  }
  func.func @transform_0(%arg0: i32) -> (i32, i32, i32) {
    %c0_i32 = arith.constant 0 : i32
    %c0_i32_0 = arith.constant 0 : i32
    %c0_i32_1 = arith.constant 0 : i32
    return %c0_i32, %arg0, %c0_i32_0 : i32, i32, i32
  }
  func.func @transform_1(%arg0: i32) -> (i32, i32, i32) {
    %c0_i32 = arith.constant 0 : i32
    %c0_i32_0 = arith.constant 0 : i32
    %c0_i32_1 = arith.constant 0 : i32
    return %c0_i32, %arg0, %c0_i32_0 : i32, i32, i32
  }
  func.func @transform_2(%arg0: i32) -> (i32, i32, i32) {
    %c0_i32 = arith.constant 0 : i32
    %c0_i32_0 = arith.constant 0 : i32
    %c0_i32_1 = arith.constant 0 : i32
    return %c0_i32, %arg0, %c0_i32_0 : i32, i32, i32
  }
  func.func @transform_3(%arg0: i32) -> (i32, i32) {
    %c0_i32 = arith.constant 0 : i32
    %c0_i32_0 = arith.constant 0 : i32
    %c0_i32_1 = arith.constant 0 : i32
    return %c0_i32, %c0_i32_0 : i32, i32
  }
  func.func @transform_4(%arg0: i32) -> (i32, i32) {
    %c0_i32 = arith.constant 0 : i32
    %c0_i32_0 = arith.constant 0 : i32
    %c0_i32_1 = arith.constant 0 : i32
    return %c0_i32, %c0_i32_0 : i32, i32
  }
  func.func @transform_5(%arg0: i32) -> (i32, i32, i32) {
    %c0_i32 = arith.constant 0 : i32
    %c0_i32_0 = arith.constant 0 : i32
    %c0_i32_1 = arith.constant 0 : i32
    return %c0_i32, %arg0, %c0_i32_0 : i32, i32, i32
  }
}

module attributes {stable_mosaic.version = 14 : i64} {
  func.func @_l1_body(%arg0: i32, %arg1: memref<2x1024x128xf32, #tpu.memory_space<vmem>>, %arg2: memref<2x1024x128xf32, #tpu.memory_space<vmem>>, %arg3: memref<2x1024x128xf32, #tpu.memory_space<vmem>>, %arg4: memref<2x1024x128xf32, #tpu.memory_space<vmem>>, %arg5: memref<256x256xf32, #tpu.memory_space<vmem>>, %arg6: memref<1x256xf32, #tpu.memory_space<vmem>>, %arg7: memref<256x128xf32, #tpu.memory_space<vmem>>, %arg8: memref<1024x128xf32, #tpu.memory_space<vmem>>) attributes {dimension_semantics = [#tpu.dimension_semantics<arbitrary>], iteration_bounds = array<i64: 10>, scalar_prefetch = 0 : i64, scratch_operands = 0 : i64, tpu.core_type = #tpu.core_type<tc>, window_params = [{transform_indices = @transform_0, window_bounds = array<i64: 2, 1024, 128>}, {transform_indices = @transform_1, window_bounds = array<i64: 2, 1024, 128>}, {transform_indices = @transform_2, window_bounds = array<i64: 2, 1024, 128>}, {transform_indices = @transform_3, window_bounds = array<i64: 2, 1024, 128>}, {pipeline_mode = #tpu.pipeline_mode<synchronous>, transform_indices = @transform_4, window_bounds = array<i64: 256, 256>}, {pipeline_mode = #tpu.pipeline_mode<synchronous>, transform_indices = @transform_5, window_bounds = array<i64: 1, 256>}, {pipeline_mode = #tpu.pipeline_mode<synchronous>, transform_indices = @transform_6, window_bounds = array<i64: 256, 128>}, {transform_indices = @transform_7, window_bounds = array<i64: 1024, 128>}]} {
    %get3A = arith.constant 0 : index
    %get3A_0 = arith.constant 0 : index
    %get3A_1 = arith.constant 0 : index
    %get3A_2 = vector.load %arg3[%get3A, %get3A_0, %get3A_1] : memref<2x1024x128xf32, #tpu.memory_space<vmem>>, vector<1x1024x128xf32>
    %get3A_3 = vector.shape_cast %get3A_2 : vector<1x1024x128xf32> to vector<1024x128xf32>
    %get3A_4 = arith.constant 1 : index
    %get3A_5 = arith.constant 0 : index
    %get3A_6 = arith.constant 0 : index
    %get3A_7 = vector.load %arg3[%get3A_4, %get3A_5, %get3A_6] : memref<2x1024x128xf32, #tpu.memory_space<vmem>>, vector<1x1024x128xf32>
    %get3A_8 = vector.shape_cast %get3A_7 : vector<1x1024x128xf32> to vector<1024x128xf32>
    %add3A = arith.addf %get3A_3, %get3A_8 : vector<1024x128xf32>
    %gt3A = arith.constant 0.000000e+00 : f32
    %gt3A_9 = vector.broadcast %gt3A : f32 to vector<1024x128xf32>
    %gt3A_10 = arith.cmpf ogt, %add3A, %gt3A_9 : vector<1024x128xf32>
    %max3A = arith.constant 1.000000e+00 : f32
    %max3A_11 = vector.broadcast %max3A : f32 to vector<1024x128xf32>
    %max3A_12 = arith.maximumf %add3A, %max3A_11 : vector<1024x128xf32>
    %sqrt3A = math.sqrt %max3A_12 : vector<1024x128xf32>
    %div3A = arith.constant 1.000000e+00 : f32
    %div3A_13 = vector.broadcast %div3A : f32 to vector<1024x128xf32>
    %div3A_14 = arith.divf %div3A_13, %sqrt3A : vector<1024x128xf32>
    %jit3A = arith.constant 0.000000e+00 : f32
    %broadcast_in_dim3A = vector.broadcast %jit3A : f32 to vector<1024x128xf32>
    %select_n3A = arith.select %gt3A_10, %div3A_14, %broadcast_in_dim3A : vector<1024x128xi1>, vector<1024x128xf32>
    %slice3A = vector.extract_strided_slice %select_n3A {offsets = [0, 0], sizes = [1024, 1], strides = [1, 1]} : vector<1024x128xf32> to vector<1024x1xf32>
    %get3A_15 = arith.constant 0 : index
    %get3A_16 = arith.constant 0 : index
    %get3A_17 = arith.constant 0 : index
    %get3A_18 = vector.load %arg1[%get3A_15, %get3A_16, %get3A_17] : memref<2x1024x128xf32, #tpu.memory_space<vmem>>, vector<1x1024x128xf32>
    %get3A_19 = vector.shape_cast %get3A_18 : vector<1x1024x128xf32> to vector<1024x128xf32>
    %get3A_20 = arith.constant 1 : index
    %get3A_21 = arith.constant 0 : index
    %get3A_22 = arith.constant 0 : index
    %get3A_23 = vector.load %arg1[%get3A_20, %get3A_21, %get3A_22] : memref<2x1024x128xf32, #tpu.memory_space<vmem>>, vector<1x1024x128xf32>
    %get3A_24 = vector.shape_cast %get3A_23 : vector<1x1024x128xf32> to vector<1024x128xf32>
    %add3A_25 = arith.addf %get3A_19, %get3A_24 : vector<1024x128xf32>
    %mul3A = vector.broadcast %slice3A : vector<1024x1xf32> to vector<1024x128xf32>
    %mul3A_26 = arith.mulf %add3A_25, %mul3A : vector<1024x128xf32>
    %get3A_27 = arith.constant 0 : index
    %get3A_28 = arith.constant 0 : index
    %get3A_29 = arith.constant 0 : index
    %get3A_30 = vector.load %arg2[%get3A_27, %get3A_28, %get3A_29] : memref<2x1024x128xf32, #tpu.memory_space<vmem>>, vector<1x1024x128xf32>
    %get3A_31 = vector.shape_cast %get3A_30 : vector<1x1024x128xf32> to vector<1024x128xf32>
    %get3A_32 = arith.constant 1 : index
    %get3A_33 = arith.constant 0 : index
    %get3A_34 = arith.constant 0 : index
    %get3A_35 = vector.load %arg2[%get3A_32, %get3A_33, %get3A_34] : memref<2x1024x128xf32, #tpu.memory_space<vmem>>, vector<1x1024x128xf32>
    %get3A_36 = vector.shape_cast %get3A_35 : vector<1x1024x128xf32> to vector<1024x128xf32>
    %add3A_37 = arith.addf %get3A_31, %get3A_36 : vector<1024x128xf32>
    %mul3A_38 = vector.broadcast %slice3A : vector<1024x1xf32> to vector<1024x128xf32>
    %mul3A_39 = arith.mulf %add3A_37, %mul3A_38 : vector<1024x128xf32>
    %concatenate3A = tpu.concatenate %mul3A_26, %mul3A_39 in 1 : vector<1024x128xf32>, vector<1024x128xf32> -> vector<1024x256xf32>
    %get3A_40 = arith.constant 0 : index
    %get3A_41 = arith.constant 0 : index
    %get3A_42 = vector.load %arg5[%get3A_40, %get3A_41] : memref<256x256xf32, #tpu.memory_space<vmem>>, vector<256x256xf32>
    %dot_general3A = arith.constant dense<0.000000e+00> : vector<1024x256xf32>
    %dot_general3A_43 = tpu.matmul %concatenate3A, %get3A_42, %dot_general3A {dimension_numbers = #tpu.dot_dimension_numbers<[1], [0], [0], [1], [0, 0, 1, 1], [], []>, precision = #tpu.contract_precision<fp32>, transpose_lhs_hint = false} : vector<1024x256xf32>, vector<256x256xf32>, vector<1024x256xf32> -> vector<1024x256xf32>
    %get3A_44 = arith.constant 0 : index
    %get3A_45 = arith.constant 0 : index
    %get3A_46 = vector.load %arg6[%get3A_44, %get3A_45] : memref<1x256xf32, #tpu.memory_space<vmem>>, vector<1x256xf32>
    %add3A_47 = vector.broadcast %get3A_46 : vector<1x256xf32> to vector<1024x256xf32>
    %add3A_48 = arith.addf %dot_general3A_43, %add3A_47 : vector<1024x256xf32>
    %max3A_49 = arith.constant 0.000000e+00 : f32
    %max3A_50 = vector.broadcast %max3A_49 : f32 to vector<1024x256xf32>
    %max3A_51 = arith.maximumf %add3A_48, %max3A_50 : vector<1024x256xf32>
    %get3A_52 = arith.constant 0 : index
    %get3A_53 = arith.constant 0 : index
    %get3A_54 = arith.constant 0 : index
    %get3A_55 = vector.load %arg4[%get3A_52, %get3A_53, %get3A_54] : memref<2x1024x128xf32, #tpu.memory_space<vmem>>, vector<1x1024x128xf32>
    %get3A_56 = vector.shape_cast %get3A_55 : vector<1x1024x128xf32> to vector<1024x128xf32>
    %get3A_57 = arith.constant 1 : index
    %get3A_58 = arith.constant 0 : index
    %get3A_59 = arith.constant 0 : index
    %get3A_60 = vector.load %arg4[%get3A_57, %get3A_58, %get3A_59] : memref<2x1024x128xf32, #tpu.memory_space<vmem>>, vector<1x1024x128xf32>
    %get3A_61 = vector.shape_cast %get3A_60 : vector<1x1024x128xf32> to vector<1024x128xf32>
    %add3A_62 = arith.addf %get3A_56, %get3A_61 : vector<1024x128xf32>
    %gt3A_63 = arith.constant 0.000000e+00 : f32
    %gt3A_64 = vector.broadcast %gt3A_63 : f32 to vector<1024x128xf32>
    %gt3A_65 = arith.cmpf ogt, %add3A_62, %gt3A_64 : vector<1024x128xf32>
    %max3A_66 = arith.constant 1.000000e+00 : f32
    %max3A_67 = vector.broadcast %max3A_66 : f32 to vector<1024x128xf32>
    %max3A_68 = arith.maximumf %add3A_62, %max3A_67 : vector<1024x128xf32>
    %sqrt3A_69 = math.sqrt %max3A_68 : vector<1024x128xf32>
    %div3A_70 = arith.constant 1.000000e+00 : f32
    %div3A_71 = vector.broadcast %div3A_70 : f32 to vector<1024x128xf32>
    %div3A_72 = arith.divf %div3A_71, %sqrt3A_69 : vector<1024x128xf32>
    %jit3A_73 = arith.constant 0.000000e+00 : f32
    %broadcast_in_dim3A_74 = vector.broadcast %jit3A_73 : f32 to vector<1024x128xf32>
    %select_n3A_75 = arith.select %gt3A_65, %div3A_72, %broadcast_in_dim3A_74 : vector<1024x128xi1>, vector<1024x128xf32>
    %slice3A_76 = vector.extract_strided_slice %select_n3A_75 {offsets = [0, 0], sizes = [1024, 1], strides = [1, 1]} : vector<1024x128xf32> to vector<1024x1xf32>
    %mul3A_77 = vector.broadcast %slice3A_76 : vector<1024x1xf32> to vector<1024x256xf32>
    %mul3A_78 = arith.mulf %max3A_51, %mul3A_77 : vector<1024x256xf32>
    %get3A_79 = arith.constant 0 : index
    %get3A_80 = arith.constant 0 : index
    %get3A_81 = vector.load %arg7[%get3A_79, %get3A_80] : memref<256x128xf32, #tpu.memory_space<vmem>>, vector<256x128xf32>
    %dot_general3A_82 = arith.constant dense<0.000000e+00> : vector<1024x128xf32>
    %dot_general3A_83 = tpu.matmul %mul3A_78, %get3A_81, %dot_general3A_82 {dimension_numbers = #tpu.dot_dimension_numbers<[1], [0], [0], [1], [0, 0, 1, 1], [], []>, precision = #tpu.contract_precision<fp32>, transpose_lhs_hint = false} : vector<1024x256xf32>, vector<256x128xf32>, vector<1024x128xf32> -> vector<1024x128xf32>
    %swap3A = arith.constant 0 : index
    %swap3A_84 = arith.constant 0 : index
    %swap3A_85 = vector.load %arg8[%swap3A, %swap3A_84] : memref<1024x128xf32, #tpu.memory_space<vmem>>, vector<1024x128xf32>
    tpu.vector_store %arg8[%swap3A, %swap3A_84], %dot_general3A_83 {strides = array<i32>} : memref<1024x128xf32, #tpu.memory_space<vmem>>, vector<1024x128xf32>,
    return
  }
  func.func @transform_0(%arg0: i32) -> (i32, i32, i32) {
    %c0_i32 = arith.constant 0 : i32
    %c0_i32_0 = arith.constant 0 : i32
    %c0_i32_1 = arith.constant 0 : i32
    return %c0_i32, %arg0, %c0_i32_0 : i32, i32, i32
  }
  func.func @transform_1(%arg0: i32) -> (i32, i32, i32) {
    %c0_i32 = arith.constant 0 : i32
    %c0_i32_0 = arith.constant 0 : i32
    %c0_i32_1 = arith.constant 0 : i32
    return %c0_i32, %arg0, %c0_i32_0 : i32, i32, i32
  }
  func.func @transform_2(%arg0: i32) -> (i32, i32, i32) {
    %c0_i32 = arith.constant 0 : i32
    %c0_i32_0 = arith.constant 0 : i32
    %c0_i32_1 = arith.constant 0 : i32
    return %c0_i32, %arg0, %c0_i32_0 : i32, i32, i32
  }
  func.func @transform_3(%arg0: i32) -> (i32, i32, i32) {
    %c0_i32 = arith.constant 0 : i32
    %c0_i32_0 = arith.constant 0 : i32
    %c0_i32_1 = arith.constant 0 : i32
    return %c0_i32, %arg0, %c0_i32_0 : i32, i32, i32
  }
  func.func @transform_4(%arg0: i32) -> (i32, i32) {
    %c0_i32 = arith.constant 0 : i32
    %c0_i32_0 = arith.constant 0 : i32
    %c0_i32_1 = arith.constant 0 : i32
    return %c0_i32, %c0_i32_0 : i32, i32
  }
  func.func @transform_5(%arg0: i32) -> (i32, i32) {
    %c0_i32 = arith.constant 0 : i32
    %c0_i32_0 = arith.constant 0 : i32
    %c0_i32_1 = arith.constant 0 : i32
    return %c0_i32, %c0_i32_0 : i32, i32
  }
  func.func @transform_6(%arg0: i32) -> (i32, i32) {
    %c0_i32 = arith.constant 0 : i32
    %c0_i32_0 = arith.constant 0 : i32
    %c0_i32_1 = arith.constant 0 : i32
    return %c0_i32, %c0_i32_0 : i32, i32
  }
  func.func @transform_7(%arg0: i32) -> (i32, i32) {
    %c0_i32 = arith.constant 0 : i32
    %c0_i32_0 = arith.constant 0 : i32
    return %arg0, %c0_i32 : i32, i32
  }
}

module attributes {stable_mosaic.version = 14 : i64} {
  func.func @_fin_body(%arg0: i32, %arg1: memref<2x1024x128xf32, #tpu.memory_space<vmem>>, %arg2: memref<2x1024x128xf32, #tpu.memory_space<vmem>>, %arg3: memref<1x128xf32, #tpu.memory_space<vmem>>, %arg4: memref<1024x128xf32, #tpu.memory_space<vmem>>) attributes {dimension_semantics = [#tpu.dimension_semantics<arbitrary>], iteration_bounds = array<i64: 10>, scalar_prefetch = 0 : i64, scratch_operands = 0 : i64, tpu.core_type = #tpu.core_type<tc>, window_params = [{transform_indices = @transform_0, window_bounds = array<i64: 2, 1024, 128>}, {transform_indices = @transform_1, window_bounds = array<i64: 2, 1024, 128>}, {pipeline_mode = #tpu.pipeline_mode<synchronous>, transform_indices = @transform_2, window_bounds = array<i64: 1, 128>}, {transform_indices = @transform_3, window_bounds = array<i64: 1024, 128>}]} {
    %get3A = arith.constant 0 : index
    %get3A_0 = arith.constant 0 : index
    %get3A_1 = arith.constant 0 : index
    %get3A_2 = vector.load %arg1[%get3A, %get3A_0, %get3A_1] : memref<2x1024x128xf32, #tpu.memory_space<vmem>>, vector<1x1024x128xf32>
    %get3A_3 = vector.shape_cast %get3A_2 : vector<1x1024x128xf32> to vector<1024x128xf32>
    %get3A_4 = arith.constant 1 : index
    %get3A_5 = arith.constant 0 : index
    %get3A_6 = arith.constant 0 : index
    %get3A_7 = vector.load %arg1[%get3A_4, %get3A_5, %get3A_6] : memref<2x1024x128xf32, #tpu.memory_space<vmem>>, vector<1x1024x128xf32>
    %get3A_8 = vector.shape_cast %get3A_7 : vector<1x1024x128xf32> to vector<1024x128xf32>
    %add3A = arith.addf %get3A_3, %get3A_8 : vector<1024x128xf32>
    %get3A_9 = arith.constant 0 : index
    %get3A_10 = arith.constant 0 : index
    %get3A_11 = arith.constant 0 : index
    %get3A_12 = vector.load %arg2[%get3A_9, %get3A_10, %get3A_11] : memref<2x1024x128xf32, #tpu.memory_space<vmem>>, vector<1x1024x128xf32>
    %get3A_13 = vector.shape_cast %get3A_12 : vector<1x1024x128xf32> to vector<1024x128xf32>
    %get3A_14 = arith.constant 1 : index
    %get3A_15 = arith.constant 0 : index
    %get3A_16 = arith.constant 0 : index
    %get3A_17 = vector.load %arg2[%get3A_14, %get3A_15, %get3A_16] : memref<2x1024x128xf32, #tpu.memory_space<vmem>>, vector<1x1024x128xf32>
    %get3A_18 = vector.shape_cast %get3A_17 : vector<1x1024x128xf32> to vector<1024x128xf32>
    %add3A_19 = arith.addf %get3A_13, %get3A_18 : vector<1024x128xf32>
    %gt3A = arith.constant 0.000000e+00 : f32
    %gt3A_20 = vector.broadcast %gt3A : f32 to vector<1024x128xf32>
    %gt3A_21 = arith.cmpf ogt, %add3A_19, %gt3A_20 : vector<1024x128xf32>
    %max3A = arith.constant 1.000000e+00 : f32
    %max3A_22 = vector.broadcast %max3A : f32 to vector<1024x128xf32>
    %max3A_23 = arith.maximumf %add3A_19, %max3A_22 : vector<1024x128xf32>
    %sqrt3A = math.sqrt %max3A_23 : vector<1024x128xf32>
    %div3A = arith.constant 1.000000e+00 : f32
    %div3A_24 = vector.broadcast %div3A : f32 to vector<1024x128xf32>
    %div3A_25 = arith.divf %div3A_24, %sqrt3A : vector<1024x128xf32>
    %jit3A = arith.constant 0.000000e+00 : f32
    %broadcast_in_dim3A = vector.broadcast %jit3A : f32 to vector<1024x128xf32>
    %select_n3A = arith.select %gt3A_21, %div3A_25, %broadcast_in_dim3A : vector<1024x128xi1>, vector<1024x128xf32>
    %slice3A = vector.extract_strided_slice %select_n3A {offsets = [0, 0], sizes = [1024, 1], strides = [1, 1]} : vector<1024x128xf32> to vector<1024x1xf32>
    %mul3A = vector.broadcast %slice3A : vector<1024x1xf32> to vector<1024x128xf32>
    %mul3A_26 = arith.mulf %add3A, %mul3A : vector<1024x128xf32>
    %get3A_27 = arith.constant 0 : index
    %get3A_28 = arith.constant 0 : index
    %get3A_29 = vector.load %arg3[%get3A_27, %get3A_28] : memref<1x128xf32, #tpu.memory_space<vmem>>, vector<1x128xf32>
    %add3A_30 = vector.broadcast %get3A_29 : vector<1x128xf32> to vector<1024x128xf32>
    %add3A_31 = arith.addf %mul3A_26, %add3A_30 : vector<1024x128xf32>
    %swap3A = arith.constant 0 : index
    %swap3A_32 = arith.constant 0 : index
    %swap3A_33 = vector.load %arg4[%swap3A, %swap3A_32] : memref<1024x128xf32, #tpu.memory_space<vmem>>, vector<1024x128xf32>
    tpu.vector_store %arg4[%swap3A, %swap3A_32], %add3A_31 {strides = array<i32>} : memref<1024x128xf32, #tpu.memory_space<vmem>>, vector<1024x128xf32>,
    return
  }
  func.func @transform_0(%arg0: i32) -> (i32, i32, i32) {
    %c0_i32 = arith.constant 0 : i32
    %c0_i32_0 = arith.constant 0 : i32
    %c0_i32_1 = arith.constant 0 : i32
    return %c0_i32, %arg0, %c0_i32_0 : i32, i32, i32
  }
  func.func @transform_1(%arg0: i32) -> (i32, i32, i32) {
    %c0_i32 = arith.constant 0 : i32
    %c0_i32_0 = arith.constant 0 : i32
    %c0_i32_1 = arith.constant 0 : i32
    return %c0_i32, %arg0, %c0_i32_0 : i32, i32, i32
  }
  func.func @transform_2(%arg0: i32) -> (i32, i32) {
    %c0_i32 = arith.constant 0 : i32
    %c0_i32_0 = arith.constant 0 : i32
    %c0_i32_1 = arith.constant 0 : i32
    return %c0_i32, %c0_i32_0 : i32, i32
  }
  func.func @transform_3(%arg0: i32) -> (i32, i32) {
    %c0_i32 = arith.constant 0 : i32
    %c0_i32_0 = arith.constant 0 : i32
    return %arg0, %c0_i32 : i32, i32
  }
}

</mosaic_0001>

<sc_bundles>
// kernel: kernel.12.cloned.1.call-start
scs
__scs_entry_jumppad:
0x0: {  	(pc) =	sbr.rel $0x88, $3  }
0x1: {  	(tag) =	ssettag $0x0;
	lr =	simm.s32 $0x1  }
0x2: {  	[smem:$0x3F99] =	sst lr;
	_ =	strace $0xD0000000  }
0x3: {  	_ = 	snop  }
0x4: {  	_ = 	snop  }
0x5: {  	_ = 	snop  }
0x6: {  	_ = 	snop  }
0x7: {  	_ = 	snop  }
__scs_overlays_trampoline_lowered:
0x8: {  	[smem:$0x3FA8] =	sst s0  }
0x9: {  	[smem:$0x3FA9] =	sst s1  }
0xa: {  	[smem:$0x3FAA] =	sst s2  }
0xb: {  	[smem:$0x3FAB] =	sst s3  }
0xc: {  	[smem:$0x3FAC] =	sst s4  }
0xd: {  	[smem:$0x3FAD] =	sst s5  }
0xe: {  	[smem:$0x3FAE] =	sst s6  }
0xf: {  	[smem:$0x3FAF] =	sst s7  }
0x10: {  	[smem:$0x3FB0] =	sst s8  }
0x11: {  	[smem:$0x3FB1] =	sst s9;
	s0 =	simm.s32 @!p0 $0x0  }
0x12: {  	s1 =	sld [smem:$0x3F97];
	s0 =	simm.s32 @p0 $0x1  }
0x13: {  	[smem:$0x3FB2] =	sst s0;
	s0 =	simm.s32 @!p1 $0x0  }
0x14: {  	s2 =	sld [smem:$0x3F96];
	s0 =	simm.s32 @p1 $0x1  }
0x15: {  	[smem:$0x3FB3] =	sst s0;
	s0 =	simm.s32 @!p2 $0x0  }
0x16: {  	s3 =	sld [smem:$0x3FDB];
	s0 =	simm.s32 @p2 $0x1  }
0x17: {  	s4 =	simm.s32 $0x1BF5;
	[smem:$0x3FB5] =	sst s0  }
0x18: {  	s0 =	sld [smem:$0x3F98];
	_ =	swait.ge [sflag:s4], $0x0  }
0x19: {  	s7 =	sld [smem:$0x3F99]  }
0x1a: {  	s8 =	sadd.s32 $0xFFFFE003, lr  }
0x1b: {  	s9 =	sadd.s32 $0xFFFFFEF7, lr;
	s5 =	simm.s32 $0xFFFFFFFF;
	p2 =	slt.u32 s8, $0xFFFFF086  }
0x1c: {  	p1 =	slt.u32 s9, $0xF7A;
	s5 =	simm.s32 @!p2 $0x0  }
0x1d: {  	s5 =	simm.s32 @p1 $0x1;
	p0 =	seq.s32 s7, s2  }
0x1e: {  	s7 =	smul.u32 @!p0 $0xF7A, s2;
	p2 =	seq.s32 @!p0 s5, $0x0  }
0x1f: {  	s9 =	smul.u32 $0xF7A, s1;
	s8 =	simm.s32 @!p0 $0x1BF5;
	p2 =	por !p2, p0  }
0x20: {  	[sflag:s8] =	ssyncset.s32 @!p0 $0xFFFFF086;
	s6 =	sadd.s32 @!p0 s3, s7;
	s7 =	simm.s32 @!p0 $0x108  }
0x21: {  	s3 =	sadd.s32 s3, s9;
	s6 =	sadd.s32 @!p0 $0x88, s6;
	s7 =	simm.s32 @p2 $0x1082  }
0x22: {  	[simem:s7], [sflag:s8] =	dma.local @!p0 [hbm:s6], $0xF7A  }
0x23: {  	s9 =	sor.u32 $0xD0000000, s2;
	s6 =	simm.s32 $0x108;
	_ =	swait.ge @!p0 [sflag:s8], $0x0  }
0x24: {  	s3 =	sadd.s32 $0x88, s3;
	s6 =	simm.s32 @!p1 $0x1082;
	[sflag:s4] =	ssyncset.s32 $0xFFFFF086  }
0x25: {  	[simem:s6], [sflag:s4] =	dma.local [hbm:s3], $0xF7A  }
0x26: {  	[smem:$0x3F99] =	sst s1;
	(tag) =	ssettag s2;
	_ =	strace s9  }
0x27: {  	s1 =	sld [smem:$0x3FA9]  }
0x28: {  	s2 =	sld [smem:$0x3FAA]  }
0x29: {  	s4 =	sld [smem:$0x3FAC]  }
0x2a: {  	p0 =	seq.s32 s5, $0x0;
	s5 =	sld [smem:$0x3FAD]  }
0x2b: {  	s6 =	sld [smem:$0x3FAE]  }
0x2c: {  	s7 =	sld [smem:$0x3FAF]  }
0x2d: {  	s3 =	simm.s32 $0x108;
	s8 =	sld [smem:$0x3FB0]  }
0x2e: {  	s3 =	simm.s32 @!p0 $0x1082;
	s9 =	sld [smem:$0x3FB1]  }
0x2f: {  	lr =	sadd.s32 s0, s3;
	s0 =	sld [smem:$0x3FA8]  }
0x30: {  	s3 =	sld [smem:$0x3FAB]  }
0x31: {  	[smem:$0x3FB4] =	sst s10  }
0x32: {  	s10 =	sld [smem:$0x3FB2];
	_ =	sdelay $0x3  }
0x33: {  	p0 =	seq.s32 s10, $0x1;
	s10 =	sld [smem:$0x3FB4];
	_ =	sdelay $0x3  }
0x34: {  	[smem:$0x3FB4] =	sst s10  }
0x35: {  	s10 =	sld [smem:$0x3FB3];
	_ =	sdelay $0x3  }
0x36: {  	p1 =	seq.s32 s10, $0x1;
	s10 =	sld [smem:$0x3FB4];
	_ =	sdelay $0x3  }
0x37: {  	[smem:$0x3FB4] =	sst s10  }
0x38: {  	s10 =	sld [smem:$0x3FB5]  }
0x39: {  	_ = 	snop;
	(pc) =	sbr.ind lr, $3  }
0x3a: {  	_ = 	snop  }
0x3b: {  	_ = 	snop  }
0x3c: {  	p2 =	seq.s32 s10, $0x1;
	s10 =	sld [smem:$0x3FB4]  }
0x3d: {  	_ =	shalt  }
0x3e: {  	_ =	shalt  }
0x3f: {  	_ =	shalt  }
0x40: {  	_ =	shalt  }
0x41: {  	_ =	shalt  }
0x42: {  	_ =	shalt  }
0x43: {  	_ =	shalt  }
0x44: {  	_ =	shalt  }
0x45: {  	_ =	shalt  }
0x46: {  	_ =	shalt  }
0x47: {  	_ =	shalt  }
0x48: {  	_ =	shalt  }
0x49: {  	_ =	shalt  }
0x4a: {  	_ =	shalt  }
0x4b: {  	_ =	shalt  }
0x4c: {  	_ =	shalt  }
0x4d: {  	_ =	shalt  }
0x4e: {  	_ =	shalt  }
0x4f: {  	_ =	shalt  }
0x50: {  	_ =	shalt  }
0x51: {  	_ =	shalt  }
0x52: {  	_ =	shalt  }
0x53: {  	_ =	shalt  }
0x54: {  	_ =	shalt  }
0x55: {  	_ =	shalt  }
0x56: {  	_ =	shalt  }
0x57: {  	_ =	shalt  }
0x58: {  	_ =	shalt  }
0x59: {  	_ =	shalt  }
0x5a: {  	_ =	shalt  }
0x5b: {  	_ =	shalt  }
0x5c: {  	_ =	shalt  }
0x5d: {  	_ =	shalt  }
0x5e: {  	_ =	shalt  }
0x5f: {  	_ =	shalt  }
0x60: {  	_ =	shalt  }
0x61: {  	_ =	shalt  }
0x62: {  	_ =	shalt  }
0x63: {  	_ =	shalt  }
0x64: {  	_ =	shalt  }
0x65: {  	_ =	shalt  }
0x66: {  	_ =	shalt  }
0x67: {  	_ =	shalt  }
0x68: {  	_ =	shalt  }
0x69: {  	_ =	shalt  }
0x6a: {  	_ =	shalt  }
0x6b: {  	_ =	shalt  }
0x6c: {  	_ =	shalt  }
0x6d: {  	_ =	shalt  }
0x6e: {  	_ =	shalt  }
0x6f: {  	_ =	shalt  }
0x70: {  	_ =	shalt  }
0x71: {  	_ =	shalt  }
0x72: {  	_ =	shalt  }
0x73: {  	_ =	shalt  }
0x74: {  	_ =	shalt  }
0x75: {  	_ =	shalt  }
0x76: {  	_ =	shalt  }
0x77: {  	_ =	shalt  }
0x78: {  	_ =	shalt  }
0x79: {  	_ =	shalt  }
0x7a: {  	_ =	shalt  }
0x7b: {  	_ =	shalt  }
0x7c: {  	_ =	shalt  }
0x7d: {  	_ =	shalt  }
0x7e: {  	_ =	shalt  }
0x7f: {  	_ =	shalt  }
0x80: {  	_ =	shalt  }
0x81: {  	_ =	shalt  }
0x82: {  	_ =	shalt  }
0x83: {  	_ =	shalt  }
0x84: {  	_ =	shalt  }
0x85: {  	_ =	shalt  }
0x86: {  	_ =	shalt  }
0x87: {  	_ =	shalt  }
.Lfunc_end0:
.L_simem_size_0:
called_computation_lowered:
.L_overlay_start_0:
0x88: {  	s2 =	sld [smem:$0x3FD9]  }
0x89: {  	s3 =	sld [smem:$0x3FFE];
	_ =	sdelay $0x1  }
0x8a: {  	s1 =	srdreg.scid  }
0x8b: {  	s0 =	sand.u32 $0x1, s1  }
0x8c: {  	s17 =	sshll.u32 s0, $0xA;
	s2 =	sadd.s32 s3, s2  }
0x8d: {  	s2 =	sadd.s32 s2, s17  }
0x8e: {  	[smem:$0x3FC0] =	sst s2  }
0x8f: {  	_ = 	snop  }
0x90: {  	s2 =	sld [smem:$0x3FD0];
	(tm) =	ssettm $0x1  }
0x91: {  	s18 =	sld [smem:$0x3FFB];
	_ =	sdelay $0x3  }
0x92: {  	_ =	strace s18  }
0x93: {  	s3 =	sld [smem:$0x3FFC];
	_ =	sdelay $0x3  }
0x94: {  	_ =	strace s3  }
0x95: {  	s3 =	sld [smem:$0x3FFD];
	_ =	sdelay $0x3  }
0x96: {  	_ =	strace s3  }
0x97: {  	_ =	strace $0x8FFFFFFF  }
0x98: {  	s19 =	sld [smem:$0x3FDB];
	_ =	sdelay $0x1  }
0x99: {  	s4 =	simm.s32 $_scs_section_size  }
0x9a: {  	s5 =	simm.s32 $_size__tile_overlayer_lowered;
	s6 =	simm.s32 $_tile_overlayer_lowered  }
0x9b: {  	s22 =	simm.s32 $0x1BFF;
	s21 =	sshll.u32 s6, $0x1;
	s3 =	sadd.s32 s4, s19  }
0x9c: {  	s7 =	simm.s32 $0x0;
	s20 =	sshll.u32 s5, $0x1;
	s5 =	sadd.s32 s21, s3  }
0x9d: {  	[timem:s7], [sflag:s22] =	dma.local [hbm:s5], s20  }
0x9e: {  	_ =	swait.ge [sflag:s22], s20  }
0x9f: {  	s4 =	ssub.s32 $0x0, s20;
	[sflag:s22] =	ssyncset.done $0x0  }
0xa0: {  	[sflag:s22] =	ssyncadd.s32 s4;
	_ =	sdelay $0x1  }
0xa1: {  	s23 =	simm.s32 $0x1B8B  }
0xa2: {  	_ =	swait.ge [sflag:s23], $0x1  }
0xa3: {  	[sflag:s23] =	ssyncset.done $0x0  }
0xa4: {  	s25 =	simm.s32 $0x1B8E;
	s24 =	sld [smem:$0x3FFE];
	[sflag:s23] =	ssyncadd.s32 $0xFFFFFFFF  }
0xa5: {  	s26 =	simm.s32 $execute0_lowered;
	[smem:$0x3FD2] =	sst s25  }
0xa6: {  	s5 =	sshll.u32 s26, $0x1;
	_ =	strace $0x80000046;
	[dreg:$0x1] =	wrdreg $0xFFFFFFFF  }
0xa7: {  	s28 =	simm.s32 $_size_execute0_lowered;
	s3 =	sadd.s32 s3, s5;
	[dreg:$0x0] =	wrdreg $0x0  }
0xa8: {  	s5 =	sshll.u32 s28, $0x1;
	[dreg:$0x2] =	wrdreg s3  }
0xa9: {  	[dreg:$0x3] =	wrdreg s5  }
0xaa: {  	[dreg:$0x4] =	wrdreg $0xC0  }
0xab: {  	_ =	task [dreg:s7], $0x5FFFF  }
0xac: {  	[dreg:$0x1] =	wrdreg $0xFFFFFFFF  }
0xad: {  	[dreg:$0x0] =	wrdreg $0x60  }
0xae: {  	[dreg:$0x2] =	wrdreg s2  }
0xaf: {  	[dreg:$0x3] =	wrdreg s24  }
0xb0: {  	[dreg:$0x4] =	wrdreg $0x40800  }
0xb1: {  	[dreg:$0x5] =	wrdreg $0xA  }
0xb2: {  	_ =	task.clear_ibuf [dreg:s7], $0x6FFFF;
	_ =	strace $0x90000046  }
0xb3: {  	s29 =	simm.s32 $0xA;
	_ =	strace $0x80000048  }
0xb4: {  	_ =	swait.ge [sflag:s29], $0x1  }
0xb5: {  	[sflag:s29] =	ssyncadd.s32 $0xFFFFFFFF  }
0xb6: {  	_ =	strace $0x90000048  }
0xb7: {  	_ =	sfence  }
0xb8: {  	s30 =	sld [smem:$0x0];
	_ =	sdelay $0x2  }
0xb9: {  	s31 =	sshll.u32 s1, $0xD;
	s1 =	sshrl.u32 s1, $0x2  }
0xba: {  	s3 =	sand.u32 $0x4000, s31;
	s1 =	sadd.s32 s1, s30  }
0xbb: {  	s0 =	sor.u32 s3, s0;
	s1 =	sshll.u32 s1, $0x11  }
0xbc: {  	s0 =	sor.u32 s1, s0  }
0xbd: {  	s0 =	sadd.s32 $0x8F2B, s0  }
0xbe: {  	[sflag:s0] =	ssyncadd.remote.s32 $0x1  }
0xbf: {  	_ =	sfence.sel $0xFFFF  }
0xc0: {  	[dreg:$0x0] =	wrdreg $0xFFFFFFFF;
	(pc) =	sbr.abs _section_cstart, $3  }
0xc1: {  	[dreg:$0x1] =	wrdreg $0xFFFFFFFF  }
0xc2: {  	_ =	task.clear_ibuf [dreg:s7], $0x2FFFF;
	_ =	strace $0x9FFFFFFF  }
0xc3: {  	(tm) =	ssettm $0x7FFFFFFF  }
tec
execute0_lowered:
.L_overlay_start_1:
0x0: {  	(tag) =	ssettag $0x1  }
0x1: {  	s8 =	rddreg [dreg:$0x0]  }
0x2: {  	s5 =	rddreg [dreg:$0x1]  }
0x3: {  	s2 =	rddreg [dreg:$0x2]  }
0x4: {  	s0 =	rddreg [dreg:$0x3];
	s1 =	stileid.u32  }
0x5: {  	s4 =	srdreg.scid;
	s3 =	simm.s32 $0x0;
	s6 =	smul.u32 $0x2800, s1  }
0x6: {  	s7 =	sand.u32 $0x1, s4;
	[smem:$0x7FF] =	sst s3;
	s10 =	smul.u32 $0x50000, s1  }
0x7: {  	s4 =	sadd.s32 $0x2B200, s5;
	s29 =	sshll.u32 s1, $0x6;
	s30 =	smul.u32 $0x4F0, s1  }
0x8: {  	s9 =	smul.u32 $0x28000, s7;
	_ =	strace $0x80000047;
	s25 =	ssub.s32 $0x2, s7  }
0x9: {  	s13 =	smul.u32 $0x4F00, s7;
	s11 =	sadd.s32 s6, s5;
	s26 =	sshrl.u32 s25, $0x1  }
0xa: {  	s28 =	sshrl.u32 s10, $0x2;
	s6 =	sadd.s32 s6, s9;
	s9 =	ssub.s32 s25, s26  }
0xb: {  	s10 =	sadd.s32 s28, s2;
	s31 =	sadd.s32 s13, s8;
	s13 =	simm.s32 $0x0  }
0xc: {  	s12 =	sadd.s32 s6, s5;
	s5 =	sadd.s32 $0x3200, s11;
	s6 =	sor.u32 $0x1C01, s29  }
0xd: {  	s8 =	smax.u32 s9, $0x1;
	s9 =	sadd.s32 s30, s31;
	s10 =	sshrl.u32 s10, $0x3  }
0xe: {  	s11 =	simm.s32 $0x1;
	s7 =	sadd.s32 $0x2BA00, s12;
	s12 =	simm.s32 $0x80  }
.LBB2_1:
0xf: {  	[spmem:s10], [sflag:s6] =	dma.local [hbm:s5], $0x2800  }
0x10: {  	_ =	swait.ge [sflag:s11], $0x2800  }
0x11: {  	[sflag:s11] =	ssyncset.done $0x0  }
0x12: {  	[sflag:s11] =	ssyncadd.s32 $0xFFFFD800  }
0x13: {  	[tilespmem:s12], [sflag:$0x1] =	stream.linear.gather [hbm4b:s4+s3], $0x4000, $0x38;
	[tilespmem:$0x18080] =	vst v63  }
0x14: {  	_ =	swait.ge [sflag:s11], $0x4000  }
0x15: {  	[sflag:s11] =	ssyncset.done $0x0  }
0x16: {  	[sflag:s11] =	ssyncadd.s32 $0xFFFFC000  }
0x17: {  	s14 =	sadd.s32 $0x0, s9;
	[bflag:$0x0] =	sbarrier.arrive $0xFFFF  }
0x18: {  	[tilespmem:s3], [sflag:$0x1] =	stream.linear.gather [hbm4b:s14+s3], $0x80, $0x38;
	[tilespmem:$0x18080] =	vst v63  }
0x19: {  	_ =	swait.ge [sflag:s11], $0x80  }
0x1a: {  	[sflag:s11] =	ssyncset.done $0x0  }
0x1b: {  	[sflag:s11] =	ssyncadd.s32 $0xFFFFFF80  }
0x1c: {  	[spmem:s2] =	stream.indirect.scatter.add.f32 [tilespmem:s12], [sflag:$0x1], $0x80, s3, s12, $0xb8;
	[tilespmem:$0x18080] =	vst v63  }
0x1d: {  	_ =	swait.ge [sflag:s11], $0x4000  }
0x1e: {  	s15 =	simm.s32 $0x20;
	s14 =	simm.s32 $0x10;
	[sflag:s11] =	ssyncset.done $0x0  }
.LBB2_2:
0x1f: {  	s16 =	sadd.s32 s14, s9  }
0x20: {  	[sflag:s11] =	ssyncadd.s32 $0xFFFFC000;
	s14 =	smov.u32 s15;
	s17 =	sadd.s32 $0x10, s15  }
0x21: {  	[tilespmem:s3], [sflag:$0x1] =	stream.linear.gather [hbm4b:s16+s3], $0x80, $0x38;
	[tilespmem:$0x18080] =	vst v63  }
0x22: {  	p0 =	sne.s32 s15, $0x4E0;
	_ =	swait.ge [sflag:s11], $0x80  }
.Ltmp0:
0x23: {  	[sflag:s11] =	ssyncset.done $0x0;
	(pc) =	sbr.rel @p0 .LBB2_2-.Ltmp0, $4  }
0x24: {  	[sflag:s11] =	ssyncadd.s32 $0xFFFFFF80  }
0x25: {  	[spmem:s2] =	stream.indirect.scatter.add.f32 [tilespmem:s12], [sflag:$0x1], $0x80, s3, s12, $0xb8;
	[tilespmem:$0x18080] =	vst v63  }
0x26: {  	_ =	swait.ge [sflag:s11], $0x4000  }
0x27: {  	s15 =	smov.u32 s17;
	[sflag:s11] =	ssyncset.done $0x0  }
0x28: {  	s14 =	sadd.s32 s14, s9;
	[sflag:s11] =	ssyncadd.s32 $0xFFFFC000  }
0x29: {  	[tilespmem:s3], [sflag:$0x1] =	stream.linear.gather [hbm4b:s14+s3], $0x80, $0x38;
	[tilespmem:$0x18080] =	vst v63  }
0x2a: {  	_ =	swait.ge [sflag:s11], $0x80  }
0x2b: {  	[sflag:s11] =	ssyncset.done $0x0  }
0x2c: {  	[sflag:s11] =	ssyncadd.s32 $0xFFFFFF80  }
0x2d: {  	[spmem:s2] =	stream.indirect.scatter.add.f32 [tilespmem:s12], [sflag:$0x1], $0x80, s3, s12, $0xb8;
	[tilespmem:$0x18080] =	vst v63  }
0x2e: {  	_ =	swait.ge [sflag:s11], $0x4000  }
0x2f: {  	s13 =	sadd.s32 $0x1, s13;
	[sflag:s11] =	ssyncset.done $0x0  }
0x30: {  	p0 =	sne.s32 s13, s8;
	[sflag:s11] =	ssyncadd.s32 $0xFFFFC000  }
.Ltmp1:
0x31: {  	[bflag:$0x0] =	sbarrier.arrive $0xFFFF;
	(pc) =	sbr.rel @p0 .LBB2_1-.Ltmp1, $4  }
0x32: {  	[hbm:s7], [sflag:s6] =	dma.local [spmem:s10], $0x2800  }
0x33: {  	_ =	swait.ge [sflag:s11], $0x2800  }
0x34: {  	[sflag:s11] =	ssyncset.done $0x0  }
0x35: {  	[sflag:s11] =	ssyncadd.s32 $0xFFFFD800  }
0x36: {  	_ =	sfence.sel $0x180000  }
0x37: {  	[bflag:$0x0] =	sbarrier.arrive $0xFFFF  }
0x38: {  	p0 =	sne.s32 s1, $0x0;
	_ =	strace $0x90000047  }
0x39: {  	s0 =	sadd.s32 @!p0 $0x100000, s0;
	[bflag:$0x2] =	sbarrier.arrive $0xFFFF  }
0x3a: {  	[sflag:s0] =	ssyncadd.tile.s32 @!p0 $0x1;
	_ =	shalt  }
.Lfunc_end2:
_tile_overlayer_lowered:
.L_overlay_start_2:
0x3b: {  	(tag) =	ssettag $0x2  }
0x3c: {  	s0 =	rddreg [dreg:$0x0];
	s2 =	stileid.u32  }
0x3d: {  	s1 =	rddreg [dreg:$0x1];
	p0 =	sne.s32 s2, $0x0  }
0x3e: {  	s3 =	rddreg [dreg:$0x2];
	[bflag:$0x3] =	sbarrier.arrive $0xFFFF;
	s2 =	simm.s32 @!p0 $0x1C01  }
0x3f: {  	[timem:s3], [sflag:s2] =	dma.local @!p0 [hbm:s0], s1  }
0x40: {  	s0 =	simm.s32 @!p0 $0x1  }
0x41: {  	_ =	swait.ge @!p0 [sflag:s0], s1  }
0x42: {  	s1 =	ssub.s32 @!p0 $0x0, s1;
	[sflag:s0] =	ssyncset.done @!p0 $0x0  }
0x43: {  	[sflag:s0] =	ssyncadd.s32 @!p0 s1  }
0x44: {  	[bflag:$0x3] =	sbarrier.arrive $0xFFFF  }
0x45: {  	_ =	shalt  }

// kernel: kernel.15.cloned.1.call-start
scs
__scs_entry_jumppad:
0x0: {  	(pc) =	sbr.rel $0x88, $3  }
0x1: {  	(tag) =	ssettag $0x0;
	lr =	simm.s32 $0x1  }
0x2: {  	[smem:$0x3F99] =	sst lr;
	_ =	strace $0xD0000000  }
0x3: {  	_ = 	snop  }
0x4: {  	_ = 	snop  }
0x5: {  	_ = 	snop  }
0x6: {  	_ = 	snop  }
0x7: {  	_ = 	snop  }
__scs_overlays_trampoline_lowered:
0x8: {  	[smem:$0x3FA8] =	sst s0  }
0x9: {  	[smem:$0x3FA9] =	sst s1  }
0xa: {  	[smem:$0x3FAA] =	sst s2  }
0xb: {  	[smem:$0x3FAB] =	sst s3  }
0xc: {  	[smem:$0x3FAC] =	sst s4  }
0xd: {  	[smem:$0x3FAD] =	sst s5  }
0xe: {  	[smem:$0x3FAE] =	sst s6  }
0xf: {  	[smem:$0x3FAF] =	sst s7  }
0x10: {  	[smem:$0x3FB0] =	sst s8  }
0x11: {  	[smem:$0x3FB1] =	sst s9;
	s0 =	simm.s32 @!p0 $0x0  }
0x12: {  	s1 =	sld [smem:$0x3F97];
	s0 =	simm.s32 @p0 $0x1  }
0x13: {  	[smem:$0x3FB2] =	sst s0;
	s0 =	simm.s32 @!p1 $0x0  }
0x14: {  	s2 =	sld [smem:$0x3F96];
	s0 =	simm.s32 @p1 $0x1  }
0x15: {  	[smem:$0x3FB3] =	sst s0;
	s0 =	simm.s32 @!p2 $0x0  }
0x16: {  	s3 =	sld [smem:$0x3FDB];
	s0 =	simm.s32 @p2 $0x1  }
0x17: {  	s4 =	simm.s32 $0x1BF5;
	[smem:$0x3FB5] =	sst s0  }
0x18: {  	s0 =	sld [smem:$0x3F98];
	_ =	swait.ge [sflag:s4], $0x0  }
0x19: {  	s7 =	sld [smem:$0x3F99]  }
0x1a: {  	s8 =	sadd.s32 $0xFFFFE003, lr  }
0x1b: {  	s9 =	sadd.s32 $0xFFFFFEF7, lr;
	s5 =	simm.s32 $0xFFFFFFFF;
	p2 =	slt.u32 s8, $0xFFFFF086  }
0x1c: {  	p1 =	slt.u32 s9, $0xF7A;
	s5 =	simm.s32 @!p2 $0x0  }
0x1d: {  	s5 =	simm.s32 @p1 $0x1;
	p0 =	seq.s32 s7, s2  }
0x1e: {  	s7 =	smul.u32 @!p0 $0xF7A, s2;
	p2 =	seq.s32 @!p0 s5, $0x0  }
0x1f: {  	s9 =	smul.u32 $0xF7A, s1;
	s8 =	simm.s32 @!p0 $0x1BF5;
	p2 =	por !p2, p0  }
0x20: {  	[sflag:s8] =	ssyncset.s32 @!p0 $0xFFFFF086;
	s6 =	sadd.s32 @!p0 s3, s7;
	s7 =	simm.s32 @!p0 $0x108  }
0x21: {  	s3 =	sadd.s32 s3, s9;
	s6 =	sadd.s32 @!p0 $0x88, s6;
	s7 =	simm.s32 @p2 $0x1082  }
0x22: {  	[simem:s7], [sflag:s8] =	dma.local @!p0 [hbm:s6], $0xF7A  }
0x23: {  	s9 =	sor.u32 $0xD0000000, s2;
	s6 =	simm.s32 $0x108;
	_ =	swait.ge @!p0 [sflag:s8], $0x0  }
0x24: {  	s3 =	sadd.s32 $0x88, s3;
	s6 =	simm.s32 @!p1 $0x1082;
	[sflag:s4] =	ssyncset.s32 $0xFFFFF086  }
0x25: {  	[simem:s6], [sflag:s4] =	dma.local [hbm:s3], $0xF7A  }
0x26: {  	[smem:$0x3F99] =	sst s1;
	(tag) =	ssettag s2;
	_ =	strace s9  }
0x27: {  	s1 =	sld [smem:$0x3FA9]  }
0x28: {  	s2 =	sld [smem:$0x3FAA]  }
0x29: {  	s4 =	sld [smem:$0x3FAC]  }
0x2a: {  	p0 =	seq.s32 s5, $0x0;
	s5 =	sld [smem:$0x3FAD]  }
0x2b: {  	s6 =	sld [smem:$0x3FAE]  }
0x2c: {  	s7 =	sld [smem:$0x3FAF]  }
0x2d: {  	s3 =	simm.s32 $0x108;
	s8 =	sld [smem:$0x3FB0]  }
0x2e: {  	s3 =	simm.s32 @!p0 $0x1082;
	s9 =	sld [smem:$0x3FB1]  }
0x2f: {  	lr =	sadd.s32 s0, s3;
	s0 =	sld [smem:$0x3FA8]  }
0x30: {  	s3 =	sld [smem:$0x3FAB]  }
0x31: {  	[smem:$0x3FB4] =	sst s10  }
0x32: {  	s10 =	sld [smem:$0x3FB2];
	_ =	sdelay $0x3  }
0x33: {  	p0 =	seq.s32 s10, $0x1;
	s10 =	sld [smem:$0x3FB4];
	_ =	sdelay $0x3  }
0x34: {  	[smem:$0x3FB4] =	sst s10  }
0x35: {  	s10 =	sld [smem:$0x3FB3];
	_ =	sdelay $0x3  }
0x36: {  	p1 =	seq.s32 s10, $0x1;
	s10 =	sld [smem:$0x3FB4];
	_ =	sdelay $0x3  }
0x37: {  	[smem:$0x3FB4] =	sst s10  }
0x38: {  	s10 =	sld [smem:$0x3FB5]  }
0x39: {  	_ = 	snop;
	(pc) =	sbr.ind lr, $3  }
0x3a: {  	_ = 	snop  }
0x3b: {  	_ = 	snop  }
0x3c: {  	p2 =	seq.s32 s10, $0x1;
	s10 =	sld [smem:$0x3FB4]  }
0x3d: {  	_ =	shalt  }
0x3e: {  	_ =	shalt  }
0x3f: {  	_ =	shalt  }
0x40: {  	_ =	shalt  }
0x41: {  	_ =	shalt  }
0x42: {  	_ =	shalt  }
0x43: {  	_ =	shalt  }
0x44: {  	_ =	shalt  }
0x45: {  	_ =	shalt  }
0x46: {  	_ =	shalt  }
0x47: {  	_ =	shalt  }
0x48: {  	_ =	shalt  }
0x49: {  	_ =	shalt  }
0x4a: {  	_ =	shalt  }
0x4b: {  	_ =	shalt  }
0x4c: {  	_ =	shalt  }
0x4d: {  	_ =	shalt  }
0x4e: {  	_ =	shalt  }
0x4f: {  	_ =	shalt  }
0x50: {  	_ =	shalt  }
0x51: {  	_ =	shalt  }
0x52: {  	_ =	shalt  }
0x53: {  	_ =	shalt  }
0x54: {  	_ =	shalt  }
0x55: {  	_ =	shalt  }
0x56: {  	_ =	shalt  }
0x57: {  	_ =	shalt  }
0x58: {  	_ =	shalt  }
0x59: {  	_ =	shalt  }
0x5a: {  	_ =	shalt  }
0x5b: {  	_ =	shalt  }
0x5c: {  	_ =	shalt  }
0x5d: {  	_ =	shalt  }
0x5e: {  	_ =	shalt  }
0x5f: {  	_ =	shalt  }
0x60: {  	_ =	shalt  }
0x61: {  	_ =	shalt  }
0x62: {  	_ =	shalt  }
0x63: {  	_ =	shalt  }
0x64: {  	_ =	shalt  }
0x65: {  	_ =	shalt  }
0x66: {  	_ =	shalt  }
0x67: {  	_ =	shalt  }
0x68: {  	_ =	shalt  }
0x69: {  	_ =	shalt  }
0x6a: {  	_ =	shalt  }
0x6b: {  	_ =	shalt  }
0x6c: {  	_ =	shalt  }
0x6d: {  	_ =	shalt  }
0x6e: {  	_ =	shalt  }
0x6f: {  	_ =	shalt  }
0x70: {  	_ =	shalt  }
0x71: {  	_ =	shalt  }
0x72: {  	_ =	shalt  }
0x73: {  	_ =	shalt  }
0x74: {  	_ =	shalt  }
0x75: {  	_ =	shalt  }
0x76: {  	_ =	shalt  }
0x77: {  	_ =	shalt  }
0x78: {  	_ =	shalt  }
0x79: {  	_ =	shalt  }
0x7a: {  	_ =	shalt  }
0x7b: {  	_ =	shalt  }
0x7c: {  	_ =	shalt  }
0x7d: {  	_ =	shalt  }
0x7e: {  	_ =	shalt  }
0x7f: {  	_ =	shalt  }
0x80: {  	_ =	shalt  }
0x81: {  	_ =	shalt  }
0x82: {  	_ =	shalt  }
0x83: {  	_ =	shalt  }
0x84: {  	_ =	shalt  }
0x85: {  	_ =	shalt  }
0x86: {  	_ =	shalt  }
0x87: {  	_ =	shalt  }
.Lfunc_end0:
.L_simem_size_0:
called_computation.1_lowered:
.L_overlay_start_0:
0x88: {  	s2 =	sld [smem:$0x3FD9]  }
0x89: {  	s3 =	sld [smem:$0x3FFE];
	_ =	sdelay $0x1  }
0x8a: {  	s1 =	srdreg.scid  }
0x8b: {  	s0 =	sand.u32 $0x1, s1  }
0x8c: {  	s17 =	sshll.u32 s0, $0xA;
	s2 =	sadd.s32 s3, s2  }
0x8d: {  	s2 =	sadd.s32 s2, s17  }
0x8e: {  	[smem:$0x3FC0] =	sst s2  }
0x8f: {  	_ = 	snop  }
0x90: {  	(tm) =	ssettm $0x1  }
0x91: {  	s18 =	sld [smem:$0x3FFB];
	_ =	sdelay $0x3  }
0x92: {  	_ =	strace s18  }
0x93: {  	s2 =	sld [smem:$0x3FFC];
	_ =	sdelay $0x3  }
0x94: {  	_ =	strace s2  }
0x95: {  	s2 =	sld [smem:$0x3FFD];
	_ =	sdelay $0x3  }
0x96: {  	_ =	strace s2  }
0x97: {  	_ =	strace $0x8FFFFFFF  }
0x98: {  	s19 =	sld [smem:$0x3FDB];
	_ =	sdelay $0x1  }
0x99: {  	s20 =	simm.s32 $_scs_section_size  }
0x9a: {  	s4 =	simm.s32 $_size__tile_overlayer_lowered;
	s5 =	simm.s32 $_tile_overlayer_lowered  }
0x9b: {  	s6 =	simm.s32 $0x1BFF;
	s21 =	sshll.u32 s5, $0x1;
	s3 =	sadd.s32 s20, s19  }
0x9c: {  	s22 =	simm.s32 $0x0;
	s4 =	sshll.u32 s4, $0x1;
	s5 =	sadd.s32 s21, s3  }
0x9d: {  	[timem:s22], [sflag:s6] =	dma.local [hbm:s5], s4  }
0x9e: {  	_ =	swait.ge [sflag:s6], s4  }
0x9f: {  	s4 =	ssub.s32 $0x0, s4;
	[sflag:s6] =	ssyncset.done $0x0  }
0xa0: {  	[sflag:s6] =	ssyncadd.s32 s4;
	_ =	sdelay $0x1  }
0xa1: {  	s23 =	simm.s32 $0x1B8B  }
0xa2: {  	_ =	swait.ge [sflag:s23], $0x1  }
0xa3: {  	[sflag:s23] =	ssyncset.done $0x0  }
0xa4: {  	[sflag:s23] =	ssyncadd.s32 $0xFFFFFFFF  }
0xa5: {  	s4 =	sld [smem:$0x0]  }
0xa6: {  	s5 =	sand.u32 $0xFFFFFFFE, s1  }
0xa7: {  	p0 =	sne.s32 s1, s5  }
0xa8: {  	s5 =	sshll.u32 @p0 s5, $0xE  }
0xa9: {  	s5 =	sadd.s32 @p0 $0x11B8D, s5;
	s6 =	sshll.u32 @p0 s4, $0x11  }
0xaa: {  	s5 =	sor.u32 @p0 s6, s5  }
0xab: {  	[sflag:s5] =	ssyncadd.remote.s32 @p0 $0x1;
	_ =	sdelay $0x1  }
0xac: {  	s5 =	simm.s32 @p0 $0x1B8D  }
0xad: {  	_ =	swait.eq @p0 [sflag:s5], $0x1  }
0xae: {  	[sflag:s5] =	ssyncadd.s32 @p0 $0xFFFFFFFF  }
0xaf: {  	s6 =	sshll.u32 @!p0 s1, $0xE  }
0xb0: {  	s6 =	sor.u32 @!p0 $0x4000, s6;
	s5 =	simm.s32 @!p0 $0x1B8D  }
0xb1: {  	s4 =	sshll.u32 @!p0 s4, $0x11;
	s6 =	sadd.s32 @!p0 $0x11B8D, s6;
	_ =	swait.eq @!p0 [sflag:s5], $0x1  }
0xb2: {  	s4 =	sor.u32 @!p0 s4, s6;
	[sflag:s5] =	ssyncadd.s32 @!p0 $0xFFFFFFFF  }
0xb3: {  	s25 =	simm.s32 $0x1B8E;
	s24 =	sld [smem:$0x3FFE];
	[sflag:s4] =	ssyncadd.remote.s32 @!p0 $0x1  }
0xb4: {  	s26 =	simm.s32 $execute0_lowered;
	[smem:$0x3FD2] =	sst s25  }
0xb5: {  	s5 =	sshll.u32 s26, $0x1;
	_ =	strace $0x80000049;
	[dreg:$0x1] =	wrdreg $0xFFFFFFFF  }
0xb6: {  	s28 =	simm.s32 $_size_execute0_lowered;
	s3 =	sadd.s32 s3, s5;
	[dreg:$0x0] =	wrdreg $0x0  }
0xb7: {  	s5 =	sshll.u32 s28, $0x1;
	[dreg:$0x2] =	wrdreg s3  }
0xb8: {  	[dreg:$0x3] =	wrdreg s5  }
0xb9: {  	[dreg:$0x4] =	wrdreg $0xC0  }
0xba: {  	_ =	task [dreg:s22], $0x5FFFF  }
0xbb: {  	[dreg:$0x1] =	wrdreg $0xFFFFFFFF  }
0xbc: {  	[dreg:$0x0] =	wrdreg $0x60  }
0xbd: {  	[dreg:$0x2] =	wrdreg s24  }
0xbe: {  	[dreg:$0x3] =	wrdreg $0x40800  }
0xbf: {  	[dreg:$0x4] =	wrdreg $0x9  }
0xc0: {  	_ =	task.clear_ibuf [dreg:s22], $0x5FFFF;
	_ =	strace $0x90000049  }
0xc1: {  	s29 =	simm.s32 $0x9;
	_ =	strace $0x8000004B  }
0xc2: {  	_ =	swait.ge [sflag:s29], $0x1  }
0xc3: {  	[sflag:s29] =	ssyncadd.s32 $0xFFFFFFFF  }
0xc4: {  	_ =	strace $0x9000004B  }
0xc5: {  	_ =	sfence  }
0xc6: {  	s30 =	sld [smem:$0x0];
	_ =	sdelay $0x2  }
0xc7: {  	s31 =	sshll.u32 s1, $0xD;
	s1 =	sshrl.u32 s1, $0x2  }
0xc8: {  	s4 =	sand.u32 $0x4000, s31;
	s1 =	sadd.s32 s1, s30  }
0xc9: {  	s0 =	sor.u32 s4, s0;
	s1 =	sshll.u32 s1, $0x11  }
0xca: {  	s0 =	sor.u32 s1, s0  }
0xcb: {  	s0 =	sadd.s32 $0x8F2B, s0  }
0xcc: {  	[sflag:s0] =	ssyncadd.remote.s32 $0x1  }
0xcd: {  	_ =	sfence.sel $0xFFFF  }
0xce: {  	[dreg:$0x0] =	wrdreg $0xFFFFFFFF;
	(pc) =	sbr.abs _section_cstart, $3  }
0xcf: {  	[dreg:$0x1] =	wrdreg $0xFFFFFFFF  }
0xd0: {  	_ =	task.clear_ibuf [dreg:s22], $0x2FFFF;
	_ =	strace $0x9FFFFFFF  }
0xd1: {  	(tm) =	ssettm $0x7FFFFFFF  }
tec
execute0_lowered:
.L_overlay_start_1:
0x0: {  	(tag) =	ssettag $0x1  }
0x1: {  	s5 =	rddreg [dreg:$0x0]  }
0x2: {  	s0 =	srdreg.scid;
	s1 =	stileid.u32  }
0x3: {  	s2 =	rddreg [dreg:$0x1];
	s7 =	smul.u32 $0x2800, s1  }
0x4: {  	s3 =	simm.s32 $0x0;
	s13 =	simm.s32 $0x0;
	s10 =	smul.u32 $0x50000, s1  }
0x5: {  	s6 =	sand.u32 $0x1, s0;
	s0 =	rddreg [dreg:$0x2];
	s30 =	smul.u32 $0x4F0, s1  }
0x6: {  	[smem:$0x7FF] =	sst s3;
	s31 =	sshll.u32 s1, $0x6;
	s4 =	smul.u32 $0x4F00, s6  }
0x7: {  	s8 =	smul.u32 $0x28000, s6;
	_ =	strace $0x8000004A;
	s6 =	ssub.s32 $0x2, s6  }
0x8: {  	s28 =	sshrl.u32 s6, $0x1;
	s29 =	sshrl.u32 s10, $0x2;
	s9 =	sadd.s32 s4, s5  }
0x9: {  	s4 =	sadd.s32 $0x2B200, s5;
	s8 =	sadd.s32 s7, s8;
	s7 =	sadd.s32 s7, s5  }
0xa: {  	s11 =	ssub.s32 s6, s28;
	s12 =	sadd.s32 s29, s2;
	s6 =	sor.u32 $0x1C01, s31  }
0xb: {  	s8 =	sadd.s32 s8, s5;
	s5 =	sadd.s32 $0x3200, s7;
	s9 =	sadd.s32 s30, s9  }
0xc: {  	s10 =	sshrl.u32 s12, $0x3;
	s12 =	simm.s32 $0x80;
	s7 =	sadd.s32 $0x85800, s8  }
0xd: {  	s8 =	smax.u32 s11, $0x1;
	s9 =	sadd.s32 $0x7BA00, s9;
	s11 =	simm.s32 $0x1  }
.LBB2_1:
0xe: {  	[spmem:s10], [sflag:s6] =	dma.local [hbm:s5], $0x2800  }
0xf: {  	_ =	swait.ge [sflag:s11], $0x2800  }
0x10: {  	[sflag:s11] =	ssyncset.done $0x0  }
0x11: {  	[sflag:s11] =	ssyncadd.s32 $0xFFFFD800  }
0x12: {  	[tilespmem:s12], [sflag:$0x1] =	stream.linear.gather [hbm4b:s4+s3], $0x4000, $0x38;
	[tilespmem:$0x18080] =	vst v63  }
0x13: {  	_ =	swait.ge [sflag:s11], $0x4000  }
0x14: {  	[sflag:s11] =	ssyncset.done $0x0  }
0x15: {  	[sflag:s11] =	ssyncadd.s32 $0xFFFFC000  }
0x16: {  	s14 =	sadd.s32 $0x0, s9;
	[bflag:$0x0] =	sbarrier.arrive $0xFFFF  }
0x17: {  	[tilespmem:s3], [sflag:$0x1] =	stream.linear.gather [hbm4b:s14+s3], $0x80, $0x38;
	[tilespmem:$0x18080] =	vst v63  }
0x18: {  	_ =	swait.ge [sflag:s11], $0x80  }
0x19: {  	[sflag:s11] =	ssyncset.done $0x0  }
0x1a: {  	[sflag:s11] =	ssyncadd.s32 $0xFFFFFF80  }
0x1b: {  	[spmem:s2] =	stream.indirect.scatter.add.f32 [tilespmem:s12], [sflag:$0x1], $0x80, s3, s12, $0xb8;
	[tilespmem:$0x18080] =	vst v63  }
0x1c: {  	_ =	swait.ge [sflag:s11], $0x4000  }
0x1d: {  	s15 =	simm.s32 $0x20;
	s14 =	simm.s32 $0x10;
	[sflag:s11] =	ssyncset.done $0x0  }
.LBB2_2:
0x1e: {  	s16 =	sadd.s32 s14, s9  }
0x1f: {  	[sflag:s11] =	ssyncadd.s32 $0xFFFFC000;
	s14 =	smov.u32 s15;
	s17 =	sadd.s32 $0x10, s15  }
0x20: {  	[tilespmem:s3], [sflag:$0x1] =	stream.linear.gather [hbm4b:s16+s3], $0x80, $0x38;
	[tilespmem:$0x18080] =	vst v63  }
0x21: {  	p0 =	sne.s32 s15, $0x4E0;
	_ =	swait.ge [sflag:s11], $0x80  }
.Ltmp0:
0x22: {  	[sflag:s11] =	ssyncset.done $0x0;
	(pc) =	sbr.rel @p0 .LBB2_2-.Ltmp0, $4  }
0x23: {  	[sflag:s11] =	ssyncadd.s32 $0xFFFFFF80  }
0x24: {  	[spmem:s2] =	stream.indirect.scatter.add.f32 [tilespmem:s12], [sflag:$0x1], $0x80, s3, s12, $0xb8;
	[tilespmem:$0x18080] =	vst v63  }
0x25: {  	_ =	swait.ge [sflag:s11], $0x4000  }
0x26: {  	s15 =	smov.u32 s17;
	[sflag:s11] =	ssyncset.done $0x0  }
0x27: {  	s14 =	sadd.s32 s14, s9;
	[sflag:s11] =	ssyncadd.s32 $0xFFFFC000  }
0x28: {  	[tilespmem:s3], [sflag:$0x1] =	stream.linear.gather [hbm4b:s14+s3], $0x80, $0x38;
	[tilespmem:$0x18080] =	vst v63  }
0x29: {  	_ =	swait.ge [sflag:s11], $0x80  }
0x2a: {  	[sflag:s11] =	ssyncset.done $0x0  }
0x2b: {  	[sflag:s11] =	ssyncadd.s32 $0xFFFFFF80  }
0x2c: {  	[spmem:s2] =	stream.indirect.scatter.add.f32 [tilespmem:s12], [sflag:$0x1], $0x80, s3, s12, $0xb8;
	[tilespmem:$0x18080] =	vst v63  }
0x2d: {  	_ =	swait.ge [sflag:s11], $0x4000  }
0x2e: {  	s13 =	sadd.s32 $0x1, s13;
	[sflag:s11] =	ssyncset.done $0x0  }
0x2f: {  	p0 =	sne.s32 s13, s8;
	[sflag:s11] =	ssyncadd.s32 $0xFFFFC000  }
.Ltmp1:
0x30: {  	[bflag:$0x0] =	sbarrier.arrive $0xFFFF;
	(pc) =	sbr.rel @p0 .LBB2_1-.Ltmp1, $4  }
0x31: {  	[hbm:s7], [sflag:s6] =	dma.local [spmem:s10], $0x2800  }
0x32: {  	_ =	swait.ge [sflag:s11], $0x2800  }
0x33: {  	[sflag:s11] =	ssyncset.done $0x0  }
0x34: {  	[sflag:s11] =	ssyncadd.s32 $0xFFFFD800  }
0x35: {  	_ =	sfence.sel $0x180000  }
0x36: {  	[bflag:$0x0] =	sbarrier.arrive $0xFFFF  }
0x37: {  	p0 =	sne.s32 s1, $0x0;
	_ =	strace $0x9000004A  }
0x38: {  	s0 =	sadd.s32 @!p0 $0x100000, s0;
	[bflag:$0x2] =	sbarrier.arrive $0xFFFF  }
0x39: {  	[sflag:s0] =	ssyncadd.tile.s32 @!p0 $0x1;
	_ =	shalt  }
.Lfunc_end2:
_tile_overlayer_lowered:
.L_overlay_start_2:
0x3a: {  	(tag) =	ssettag $0x2  }
0x3b: {  	s0 =	rddreg [dreg:$0x0];
	s2 =	stileid.u32  }
0x3c: {  	s1 =	rddreg [dreg:$0x1];
	p0 =	sne.s32 s2, $0x0  }
0x3d: {  	s3 =	rddreg [dreg:$0x2];
	[bflag:$0x3] =	sbarrier.arrive $0xFFFF;
	s2 =	simm.s32 @!p0 $0x1C01  }
0x3e: {  	[timem:s3], [sflag:s2] =	dma.local @!p0 [hbm:s0], s1  }
0x3f: {  	s0 =	simm.s32 @!p0 $0x1  }
0x40: {  	_ =	swait.ge @!p0 [sflag:s0], s1  }
0x41: {  	s1 =	ssub.s32 @!p0 $0x0, s1;
	[sflag:s0] =	ssyncset.done @!p0 $0x0  }
0x42: {  	[sflag:s0] =	ssyncadd.s32 @!p0 s1  }
0x43: {  	[bflag:$0x3] =	sbarrier.arrive $0xFFFF  }
0x44: {  	_ =	shalt  }

// kernel: kernel.18.cloned.1.call-start
scs
__scs_entry_jumppad:
0x0: {  	(pc) =	sbr.rel $0x88, $3  }
0x1: {  	(tag) =	ssettag $0x0;
	lr =	simm.s32 $0x1  }
0x2: {  	[smem:$0x3F99] =	sst lr;
	_ =	strace $0xD0000000  }
0x3: {  	_ = 	snop  }
0x4: {  	_ = 	snop  }
0x5: {  	_ = 	snop  }
0x6: {  	_ = 	snop  }
0x7: {  	_ = 	snop  }
__scs_overlays_trampoline_lowered:
0x8: {  	[smem:$0x3FA8] =	sst s0  }
0x9: {  	[smem:$0x3FA9] =	sst s1  }
0xa: {  	[smem:$0x3FAA] =	sst s2  }
0xb: {  	[smem:$0x3FAB] =	sst s3  }
0xc: {  	[smem:$0x3FAC] =	sst s4  }
0xd: {  	[smem:$0x3FAD] =	sst s5  }
0xe: {  	[smem:$0x3FAE] =	sst s6  }
0xf: {  	[smem:$0x3FAF] =	sst s7  }
0x10: {  	[smem:$0x3FB0] =	sst s8  }
0x11: {  	[smem:$0x3FB1] =	sst s9;
	s0 =	simm.s32 @!p0 $0x0  }
0x12: {  	s1 =	sld [smem:$0x3F97];
	s0 =	simm.s32 @p0 $0x1  }
0x13: {  	[smem:$0x3FB2] =	sst s0;
	s0 =	simm.s32 @!p1 $0x0  }
0x14: {  	s2 =	sld [smem:$0x3F96];
	s0 =	simm.s32 @p1 $0x1  }
0x15: {  	[smem:$0x3FB3] =	sst s0;
	s0 =	simm.s32 @!p2 $0x0  }
0x16: {  	s3 =	sld [smem:$0x3FDB];
	s0 =	simm.s32 @p2 $0x1  }
0x17: {  	s4 =	simm.s32 $0x1BF5;
	[smem:$0x3FB5] =	sst s0  }
0x18: {  	s0 =	sld [smem:$0x3F98];
	_ =	swait.ge [sflag:s4], $0x0  }
0x19: {  	s7 =	sld [smem:$0x3F99]  }
0x1a: {  	s8 =	sadd.s32 $0xFFFFE003, lr  }
0x1b: {  	s9 =	sadd.s32 $0xFFFFFEF7, lr;
	s5 =	simm.s32 $0xFFFFFFFF;
	p2 =	slt.u32 s8, $0xFFFFF086  }
0x1c: {  	p1 =	slt.u32 s9, $0xF7A;
	s5 =	simm.s32 @!p2 $0x0  }
0x1d: {  	s5 =	simm.s32 @p1 $0x1;
	p0 =	seq.s32 s7, s2  }
0x1e: {  	s7 =	smul.u32 @!p0 $0xF7A, s2;
	p2 =	seq.s32 @!p0 s5, $0x0  }
0x1f: {  	s9 =	smul.u32 $0xF7A, s1;
	s8 =	simm.s32 @!p0 $0x1BF5;
	p2 =	por !p2, p0  }
0x20: {  	[sflag:s8] =	ssyncset.s32 @!p0 $0xFFFFF086;
	s6 =	sadd.s32 @!p0 s3, s7;
	s7 =	simm.s32 @!p0 $0x108  }
0x21: {  	s3 =	sadd.s32 s3, s9;
	s6 =	sadd.s32 @!p0 $0x88, s6;
	s7 =	simm.s32 @p2 $0x1082  }
0x22: {  	[simem:s7], [sflag:s8] =	dma.local @!p0 [hbm:s6], $0xF7A  }
0x23: {  	s9 =	sor.u32 $0xD0000000, s2;
	s6 =	simm.s32 $0x108;
	_ =	swait.ge @!p0 [sflag:s8], $0x0  }
0x24: {  	s3 =	sadd.s32 $0x88, s3;
	s6 =	simm.s32 @!p1 $0x1082;
	[sflag:s4] =	ssyncset.s32 $0xFFFFF086  }
0x25: {  	[simem:s6], [sflag:s4] =	dma.local [hbm:s3], $0xF7A  }
0x26: {  	[smem:$0x3F99] =	sst s1;
	(tag) =	ssettag s2;
	_ =	strace s9  }
0x27: {  	s1 =	sld [smem:$0x3FA9]  }
0x28: {  	s2 =	sld [smem:$0x3FAA]  }
0x29: {  	s4 =	sld [smem:$0x3FAC]  }
0x2a: {  	p0 =	seq.s32 s5, $0x0;
	s5 =	sld [smem:$0x3FAD]  }
0x2b: {  	s6 =	sld [smem:$0x3FAE]  }
0x2c: {  	s7 =	sld [smem:$0x3FAF]  }
0x2d: {  	s3 =	simm.s32 $0x108;
	s8 =	sld [smem:$0x3FB0]  }
0x2e: {  	s3 =	simm.s32 @!p0 $0x1082;
	s9 =	sld [smem:$0x3FB1]  }
0x2f: {  	lr =	sadd.s32 s0, s3;
	s0 =	sld [smem:$0x3FA8]  }
0x30: {  	s3 =	sld [smem:$0x3FAB]  }
0x31: {  	[smem:$0x3FB4] =	sst s10  }
0x32: {  	s10 =	sld [smem:$0x3FB2];
	_ =	sdelay $0x3  }
0x33: {  	p0 =	seq.s32 s10, $0x1;
	s10 =	sld [smem:$0x3FB4];
	_ =	sdelay $0x3  }
0x34: {  	[smem:$0x3FB4] =	sst s10  }
0x35: {  	s10 =	sld [smem:$0x3FB3];
	_ =	sdelay $0x3  }
0x36: {  	p1 =	seq.s32 s10, $0x1;
	s10 =	sld [smem:$0x3FB4];
	_ =	sdelay $0x3  }
0x37: {  	[smem:$0x3FB4] =	sst s10  }
0x38: {  	s10 =	sld [smem:$0x3FB5]  }
0x39: {  	_ = 	snop;
	(pc) =	sbr.ind lr, $3  }
0x3a: {  	_ = 	snop  }
0x3b: {  	_ = 	snop  }
0x3c: {  	p2 =	seq.s32 s10, $0x1;
	s10 =	sld [smem:$0x3FB4]  }
0x3d: {  	_ =	shalt  }
0x3e: {  	_ =	shalt  }
0x3f: {  	_ =	shalt  }
0x40: {  	_ =	shalt  }
0x41: {  	_ =	shalt  }
0x42: {  	_ =	shalt  }
0x43: {  	_ =	shalt  }
0x44: {  	_ =	shalt  }
0x45: {  	_ =	shalt  }
0x46: {  	_ =	shalt  }
0x47: {  	_ =	shalt  }
0x48: {  	_ =	shalt  }
0x49: {  	_ =	shalt  }
0x4a: {  	_ =	shalt  }
0x4b: {  	_ =	shalt  }
0x4c: {  	_ =	shalt  }
0x4d: {  	_ =	shalt  }
0x4e: {  	_ =	shalt  }
0x4f: {  	_ =	shalt  }
0x50: {  	_ =	shalt  }
0x51: {  	_ =	shalt  }
0x52: {  	_ =	shalt  }
0x53: {  	_ =	shalt  }
0x54: {  	_ =	shalt  }
0x55: {  	_ =	shalt  }
0x56: {  	_ =	shalt  }
0x57: {  	_ =	shalt  }
0x58: {  	_ =	shalt  }
0x59: {  	_ =	shalt  }
0x5a: {  	_ =	shalt  }
0x5b: {  	_ =	shalt  }
0x5c: {  	_ =	shalt  }
0x5d: {  	_ =	shalt  }
0x5e: {  	_ =	shalt  }
0x5f: {  	_ =	shalt  }
0x60: {  	_ =	shalt  }
0x61: {  	_ =	shalt  }
0x62: {  	_ =	shalt  }
0x63: {  	_ =	shalt  }
0x64: {  	_ =	shalt  }
0x65: {  	_ =	shalt  }
0x66: {  	_ =	shalt  }
0x67: {  	_ =	shalt  }
0x68: {  	_ =	shalt  }
0x69: {  	_ =	shalt  }
0x6a: {  	_ =	shalt  }
0x6b: {  	_ =	shalt  }
0x6c: {  	_ =	shalt  }
0x6d: {  	_ =	shalt  }
0x6e: {  	_ =	shalt  }
0x6f: {  	_ =	shalt  }
0x70: {  	_ =	shalt  }
0x71: {  	_ =	shalt  }
0x72: {  	_ =	shalt  }
0x73: {  	_ =	shalt  }
0x74: {  	_ =	shalt  }
0x75: {  	_ =	shalt  }
0x76: {  	_ =	shalt  }
0x77: {  	_ =	shalt  }
0x78: {  	_ =	shalt  }
0x79: {  	_ =	shalt  }
0x7a: {  	_ =	shalt  }
0x7b: {  	_ =	shalt  }
0x7c: {  	_ =	shalt  }
0x7d: {  	_ =	shalt  }
0x7e: {  	_ =	shalt  }
0x7f: {  	_ =	shalt  }
0x80: {  	_ =	shalt  }
0x81: {  	_ =	shalt  }
0x82: {  	_ =	shalt  }
0x83: {  	_ =	shalt  }
0x84: {  	_ =	shalt  }
0x85: {  	_ =	shalt  }
0x86: {  	_ =	shalt  }
0x87: {  	_ =	shalt  }
.Lfunc_end0:
.L_simem_size_0:
called_computation.2_lowered:
.L_overlay_start_0:
0x88: {  	s2 =	sld [smem:$0x3FD9]  }
0x89: {  	s3 =	sld [smem:$0x3FFE];
	_ =	sdelay $0x1  }
0x8a: {  	s1 =	srdreg.scid  }
0x8b: {  	s0 =	sand.u32 $0x1, s1  }
0x8c: {  	s17 =	sshll.u32 s0, $0xA;
	s2 =	sadd.s32 s3, s2  }
0x8d: {  	s2 =	sadd.s32 s2, s17  }
0x8e: {  	[smem:$0x3FC0] =	sst s2  }
0x8f: {  	_ = 	snop  }
0x90: {  	s18 =	sld [smem:$0x3FD0];
	(tm) =	ssettm $0x1  }
0x91: {  	s19 =	sld [smem:$0x3FFB];
	_ =	sdelay $0x3  }
0x92: {  	_ =	strace s19  }
0x93: {  	s2 =	sld [smem:$0x3FFC];
	_ =	sdelay $0x3  }
0x94: {  	_ =	strace s2  }
0x95: {  	s2 =	sld [smem:$0x3FFD];
	_ =	sdelay $0x3  }
0x96: {  	_ =	strace s2  }
0x97: {  	_ =	strace $0x8FFFFFFF  }
0x98: {  	s20 =	sld [smem:$0x3FDB];
	_ =	sdelay $0x1  }
0x99: {  	s4 =	simm.s32 $_scs_section_size  }
0x9a: {  	s5 =	simm.s32 $_size__tile_overlayer_lowered;
	s6 =	simm.s32 $_tile_overlayer_lowered  }
0x9b: {  	s7 =	simm.s32 $0x1BFF;
	s21 =	sshll.u32 s6, $0x1;
	s4 =	sadd.s32 s4, s20  }
0x9c: {  	s22 =	simm.s32 $0x0;
	s5 =	sshll.u32 s5, $0x1;
	s6 =	sadd.s32 s21, s4  }
0x9d: {  	[timem:s22], [sflag:s7] =	dma.local [hbm:s6], s5  }
0x9e: {  	_ =	swait.ge [sflag:s7], s5  }
0x9f: {  	s5 =	ssub.s32 $0x0, s5;
	[sflag:s7] =	ssyncset.done $0x0  }
0xa0: {  	[sflag:s7] =	ssyncadd.s32 s5;
	_ =	sdelay $0x1  }
0xa1: {  	s23 =	simm.s32 $0x1B8B  }
0xa2: {  	_ =	swait.ge [sflag:s23], $0x1  }
0xa3: {  	[sflag:s23] =	ssyncset.done $0x0  }
0xa4: {  	[sflag:s23] =	ssyncadd.s32 $0xFFFFFFFF  }
0xa5: {  	s5 =	sld [smem:$0x0]  }
0xa6: {  	s6 =	sand.u32 $0xFFFFFFFE, s1  }
0xa7: {  	p0 =	sne.s32 s1, s6  }
0xa8: {  	s6 =	sshll.u32 @p0 s6, $0xE  }
0xa9: {  	s6 =	sadd.s32 @p0 $0x11B8D, s6;
	s7 =	sshll.u32 @p0 s5, $0x11  }
0xaa: {  	s6 =	sor.u32 @p0 s7, s6  }
0xab: {  	[sflag:s6] =	ssyncadd.remote.s32 @p0 $0x1;
	_ =	sdelay $0x1  }
0xac: {  	s6 =	simm.s32 @p0 $0x1B8D  }
0xad: {  	_ =	swait.eq @p0 [sflag:s6], $0x1  }
0xae: {  	[sflag:s6] =	ssyncadd.s32 @p0 $0xFFFFFFFF  }
0xaf: {  	s7 =	sshll.u32 @!p0 s1, $0xE  }
0xb0: {  	s7 =	sor.u32 @!p0 $0x4000, s7;
	s6 =	simm.s32 @!p0 $0x1B8D  }
0xb1: {  	s5 =	sshll.u32 @!p0 s5, $0x11;
	s7 =	sadd.s32 @!p0 $0x11B8D, s7;
	_ =	swait.eq @!p0 [sflag:s6], $0x1  }
0xb2: {  	s5 =	sor.u32 @!p0 s5, s7;
	[sflag:s6] =	ssyncadd.s32 @!p0 $0xFFFFFFFF  }
0xb3: {  	s25 =	simm.s32 $0x1B8E;
	s24 =	sld [smem:$0x3FFE];
	[sflag:s5] =	ssyncadd.remote.s32 @!p0 $0x1  }
0xb4: {  	s26 =	simm.s32 $execute0_lowered;
	[smem:$0x3FD2] =	sst s25  }
0xb5: {  	s6 =	sshll.u32 s26, $0x1;
	_ =	strace $0x8000004C;
	[dreg:$0x1] =	wrdreg $0xFFFFFFFF  }
0xb6: {  	s28 =	simm.s32 $_size_execute0_lowered;
	s4 =	sadd.s32 s4, s6;
	[dreg:$0x0] =	wrdreg $0x0  }
0xb7: {  	s6 =	sshll.u32 s28, $0x1;
	[dreg:$0x2] =	wrdreg s4  }
0xb8: {  	[dreg:$0x3] =	wrdreg s6  }
0xb9: {  	[dreg:$0x4] =	wrdreg $0xC0  }
0xba: {  	_ =	task [dreg:s22], $0x5FFFF  }
0xbb: {  	[dreg:$0x1] =	wrdreg $0xFFFFFFFF  }
0xbc: {  	[dreg:$0x0] =	wrdreg $0x60  }
0xbd: {  	[dreg:$0x2] =	wrdreg s24  }
0xbe: {  	[dreg:$0x3] =	wrdreg s18  }
0xbf: {  	[dreg:$0x4] =	wrdreg $0x41000  }
0xc0: {  	[dreg:$0x5] =	wrdreg $0xA  }
0xc1: {  	_ =	task.clear_ibuf [dreg:s22], $0x6FFFF;
	_ =	strace $0x9000004C  }
0xc2: {  	s29 =	simm.s32 $0xA;
	_ =	strace $0x8000004E  }
0xc3: {  	_ =	swait.ge [sflag:s29], $0x1  }
0xc4: {  	[sflag:s29] =	ssyncadd.s32 $0xFFFFFFFF  }
0xc5: {  	_ =	strace $0x9000004E  }
0xc6: {  	_ =	sfence  }
0xc7: {  	s30 =	sld [smem:$0x0];
	_ =	sdelay $0x2  }
0xc8: {  	s31 =	sshll.u32 s1, $0xD;
	s1 =	sshrl.u32 s1, $0x2  }
0xc9: {  	s4 =	sand.u32 $0x4000, s31;
	s1 =	sadd.s32 s1, s30  }
0xca: {  	s0 =	sor.u32 s4, s0;
	s1 =	sshll.u32 s1, $0x11  }
0xcb: {  	s0 =	sor.u32 s1, s0  }
0xcc: {  	s0 =	sadd.s32 $0x8F2B, s0  }
0xcd: {  	[sflag:s0] =	ssyncadd.remote.s32 $0x1  }
0xce: {  	_ =	sfence.sel $0xFFFF  }
0xcf: {  	[dreg:$0x0] =	wrdreg $0xFFFFFFFF;
	(pc) =	sbr.abs _section_cstart, $3  }
0xd0: {  	[dreg:$0x1] =	wrdreg $0xFFFFFFFF  }
0xd1: {  	_ =	task.clear_ibuf [dreg:s22], $0x2FFFF;
	_ =	strace $0x9FFFFFFF  }
0xd2: {  	(tm) =	ssettm $0x7FFFFFFF  }
0xd3: {  	_ =	shalt  }
tec
execute0_lowered:
.L_overlay_start_1:
0x0: {  	(tag) =	ssettag $0x1  }
0x1: {  	s5 =	rddreg [dreg:$0x0]  }
0x2: {  	s10 =	rddreg [dreg:$0x1]  }
0x3: {  	s2 =	rddreg [dreg:$0x2]  }
0x4: {  	s0 =	rddreg [dreg:$0x3];
	s3 =	simm.s32 $0x0  }
0x5: {  	s1 =	stileid.u32;
	s4 =	srdreg.scid;
	s16 =	simm.s32 $0x100  }
0x6: {  	s17 =	simm.s32 $0x1;
	s18 =	simm.s32 $0x0;
	s6 =	smul.u32 $0x2800, s1  }
0x7: {  	[smem:$0x7FF] =	sst s3;
	s7 =	sand.u32 $0x1, s4;
	s12 =	smul.u32 $0x50000, s1  }
0x8: {  	s4 =	sadd.s32 $0xD5800, s5;
	s11 =	sadd.s32 $0x7BA00, s5;
	s30 =	smul.u32 $0x6A0, s1  }
0x9: {  	s29 =	sshll.u32 s1, $0x6;
	s31 =	smul.u32 $0x340, s1;
	_ =	strace $0x8000004D  }
0xa: {  	s8 =	smul.u32 $0x28000, s7;
	s9 =	ssub.s32 $0x2, s7;
	p0 =	seq.s32 s7, $0x1  }
0xb: {  	s13 =	sadd.s32 s6, s5;
	s26 =	sshrl.u32 s9, $0x1;
	s28 =	sshrl.u32 s12, $0x2  }
0xc: {  	s6 =	sadd.s32 s6, s8;
	s8 =	ssub.s32 s9, s26;
	s15 =	sadd.s32 s28, s2  }
.Ltmp0:
0xd: {  	s9 =	sadd.s32 s30, s11;
	s11 =	sadd.s32 s31, s11;
	(pc) =	sbr.rel .LBB2_1-.Ltmp0, $4  }
0xe: {  	s14 =	sadd.s32 s6, s5;
	s5 =	sadd.s32 $0x3200, s13;
	s6 =	sor.u32 $0x1C02, s29  }
0xf: {  	s8 =	smax.u32 s8, $0x1;
	s13 =	sadd.s32 s31, s10;
	s10 =	sadd.s32 s30, s10  }
0x10: {  	s11 =	sadd.s32 $0x6A00, s11;
	s7 =	sadd.s32 $0xFD800, s14;
	s12 =	sadd.s32 $0x6A00, s13  }
0x11: {  	s13 =	sshrl.u32 s15, $0x3;
	s14 =	simm.s32 $0x2;
	s15 =	simm.s32 $0x80  }
.LBB2_7:
0x12: {  	s20 =	sadd.s32 s19, s12;
	[sflag:s14] =	ssyncadd.s32 $0xFFFFC000  }
0x13: {  	[tilespmem:s3], [sflag:$0x2] =	stream.linear.gather [hbm4b:s20+s3], $0x80, $0x38;
	[tilespmem:$0x18100] =	vst v63  }
0x14: {  	_ =	swait.ge [sflag:s14], $0x80  }
0x15: {  	[sflag:s14] =	ssyncset.done $0x0  }
0x16: {  	s31 =	sadd.s32 s19, s11;
	[sflag:s14] =	ssyncadd.s32 $0xFFFFFF80  }
0x17: {  	[tilespmem:s15], [sflag:$0x2] =	stream.linear.gather [hbm4b:s31+s3], $0x80, $0x38;
	[tilespmem:$0x18100] =	vst v63  }
0x18: {  	_ =	swait.ge [sflag:s14], $0x80  }
0x19: {  	[sflag:s14] =	ssyncset.done $0x0  }
0x1a: {  	[sflag:s14] =	ssyncadd.s32 $0xFFFFFF80  }
0x1b: {  	[tilespmem:s16], [sflag:$0x1] =	stream.indirect.gather [hbm4b:s4+s15], $0x80, s3, s15, $0xb8;
	[tilespmem:$0x18100] =	vst v63  }
0x1c: {  	_ =	swait.ge [sflag:s17], $0x4000  }
0x1d: {  	[sflag:s17] =	ssyncset.done $0x0  }
0x1e: {  	[sflag:s17] =	ssyncadd.s32 $0xFFFFC000  }
0x1f: {  	[spmem:s2] =	stream.indirect.scatter.add.f32 [tilespmem:s16], [sflag:$0x2], $0x80, s15, s15, $0xb8;
	[tilespmem:$0x18100] =	vst v63  }
0x20: {  	_ =	swait.ge [sflag:s14], $0x4000  }
0x21: {  	[sflag:s14] =	ssyncset.done $0x0  }
0x22: {  	[sflag:s14] =	ssyncadd.s32 $0xFFFFC000  }
.LBB2_8:
0x23: {  	s18 =	sadd.s32 $0x1, s18  }
0x24: {  	p1 =	sne.s32 s18, s8  }
.Ltmp1:
0x25: {  	[bflag:$0x0] =	sbarrier.arrive $0xFFFF;
	(pc) =	sbr.rel @!p1 .LBB2_9-.Ltmp1, $4  }
0x26: {  	[hbm:s7], [sflag:s6] =	dma.local [spmem:s13], $0x2800  }
0x27: {  	_ =	swait.ge [sflag:s14], $0x2800  }
0x28: {  	[sflag:s14] =	ssyncset.done $0x0  }
0x29: {  	[sflag:s14] =	ssyncadd.s32 $0xFFFFD800  }
.LBB2_1:
0x2a: {  	[spmem:s13], [sflag:s6] =	dma.local [hbm:s5], $0x2800  }
.Ltmp2:
0x2b: {  	_ =	swait.ge [sflag:s14], $0x2800;
	(pc) =	sbr.rel @!p0 .LBB2_2-.Ltmp2, $3  }
0x2c: {  	[sflag:s14] =	ssyncset.done $0x0  }
0x2d: {  	[sflag:s14] =	ssyncadd.s32 $0xFFFFD800  }
0x2e: {  	[bflag:$0x0] =	sbarrier.arrive $0xFFFF;
	_ =	sdelay $0x1  }
0x2f: {  	s19 =	sadd.s32 $0x0, s12  }
0x30: {  	[tilespmem:s3], [sflag:$0x2] =	stream.linear.gather [hbm4b:s19+s3], $0x80, $0x38;
	[tilespmem:$0x18100] =	vst v63  }
0x31: {  	_ =	swait.ge [sflag:s14], $0x80  }
0x32: {  	[sflag:s14] =	ssyncset.done $0x0  }
0x33: {  	s31 =	sadd.s32 $0x0, s11;
	[sflag:s14] =	ssyncadd.s32 $0xFFFFFF80  }
0x34: {  	[tilespmem:s15], [sflag:$0x2] =	stream.linear.gather [hbm4b:s31+s3], $0x80, $0x38;
	[tilespmem:$0x18100] =	vst v63  }
0x35: {  	_ =	swait.ge [sflag:s14], $0x80  }
0x36: {  	[sflag:s14] =	ssyncset.done $0x0  }
0x37: {  	[sflag:s14] =	ssyncadd.s32 $0xFFFFFF80  }
0x38: {  	[tilespmem:s16], [sflag:$0x1] =	stream.indirect.gather [hbm4b:s4+s15], $0x80, s3, s15, $0xb8;
	[tilespmem:$0x18100] =	vst v63  }
0x39: {  	_ =	swait.ge [sflag:s17], $0x4000  }
0x3a: {  	[sflag:s17] =	ssyncset.done $0x0  }
0x3b: {  	[sflag:s17] =	ssyncadd.s32 $0xFFFFC000  }
0x3c: {  	[spmem:s2] =	stream.indirect.scatter.add.f32 [tilespmem:s16], [sflag:$0x2], $0x80, s15, s15, $0xb8;
	[tilespmem:$0x18100] =	vst v63  }
0x3d: {  	_ =	swait.ge [sflag:s14], $0x4000  }
0x3e: {  	s20 =	simm.s32 $0x20;
	s19 =	simm.s32 $0x10;
	[sflag:s14] =	ssyncset.done $0x0  }
.LBB2_6:
0x3f: {  	s21 =	sadd.s32 s19, s12  }
0x40: {  	[sflag:s14] =	ssyncadd.s32 $0xFFFFC000;
	s22 =	smov.u32 s20;
	s23 =	sadd.s32 $0x10, s20  }
0x41: {  	[tilespmem:s3], [sflag:$0x2] =	stream.linear.gather [hbm4b:s21+s3], $0x80, $0x38;
	[tilespmem:$0x18100] =	vst v63  }
0x42: {  	p1 =	sne.s32 s20, $0x330;
	_ =	swait.ge [sflag:s14], $0x80  }
0x43: {  	[sflag:s14] =	ssyncset.done $0x0  }
0x44: {  	s20 =	sadd.s32 s19, s11;
	s19 =	smov.u32 s22;
	[sflag:s14] =	ssyncadd.s32 $0xFFFFFF80  }
0x45: {  	[tilespmem:s15], [sflag:$0x2] =	stream.linear.gather [hbm4b:s20+s3], $0x80, $0x38;
	[tilespmem:$0x18100] =	vst v63  }
0x46: {  	_ =	swait.ge [sflag:s14], $0x80  }
0x47: {  	[sflag:s14] =	ssyncset.done $0x0  }
0x48: {  	[sflag:s14] =	ssyncadd.s32 $0xFFFFFF80  }
0x49: {  	[tilespmem:s16], [sflag:$0x1] =	stream.indirect.gather [hbm4b:s4+s15], $0x80, s3, s15, $0xb8;
	[tilespmem:$0x18100] =	vst v63  }
0x4a: {  	_ =	swait.ge [sflag:s17], $0x4000  }
.Ltmp3:
0x4b: {  	[sflag:s17] =	ssyncset.done $0x0;
	(pc) =	sbr.rel @p1 .LBB2_6-.Ltmp3, $4  }
0x4c: {  	[sflag:s17] =	ssyncadd.s32 $0xFFFFC000  }
0x4d: {  	[spmem:s2] =	stream.indirect.scatter.add.f32 [tilespmem:s16], [sflag:$0x2], $0x80, s15, s15, $0xb8;
	[tilespmem:$0x18100] =	vst v63  }
0x4e: {  	_ =	swait.ge [sflag:s14], $0x4000  }
0x4f: {  	s20 =	smov.u32 s23;
	[sflag:s14] =	ssyncset.done $0x0  }
.Ltmp4:
0x50: {  	_ = 	snop;
	(pc) =	sbr.rel .LBB2_7-.Ltmp4, $1  }
0x51: {  	_ =	sdelay $0x3  }
.LBB2_2:
0x52: {  	s19 =	sadd.s32 $0x0, s10  }
0x53: {  	[tilespmem:s3], [sflag:$0x2] =	stream.linear.gather [hbm4b:s19+s3], $0x80, $0x38;
	[tilespmem:$0x18100] =	vst v63  }
0x54: {  	_ =	swait.ge [sflag:s14], $0x80  }
0x55: {  	[sflag:s14] =	ssyncset.done $0x0  }
0x56: {  	s31 =	sadd.s32 $0x0, s9;
	[sflag:s14] =	ssyncadd.s32 $0xFFFFFF80  }
0x57: {  	[tilespmem:s15], [sflag:$0x2] =	stream.linear.gather [hbm4b:s31+s3], $0x80, $0x38;
	[tilespmem:$0x18100] =	vst v63  }
0x58: {  	_ =	swait.ge [sflag:s14], $0x80  }
0x59: {  	[sflag:s14] =	ssyncset.done $0x0  }
0x5a: {  	[sflag:s14] =	ssyncadd.s32 $0xFFFFFF80  }
0x5b: {  	[tilespmem:s16], [sflag:$0x1] =	stream.indirect.gather [hbm4b:s4+s15], $0x80, s3, s15, $0xb8;
	[tilespmem:$0x18100] =	vst v63  }
0x5c: {  	_ =	swait.ge [sflag:s17], $0x4000  }
0x5d: {  	[sflag:s17] =	ssyncset.done $0x0  }
0x5e: {  	[sflag:s17] =	ssyncadd.s32 $0xFFFFC000  }
0x5f: {  	[spmem:s2] =	stream.indirect.scatter.add.f32 [tilespmem:s16], [sflag:$0x2], $0x80, s15, s15, $0xb8;
	[tilespmem:$0x18100] =	vst v63  }
0x60: {  	_ =	swait.ge [sflag:s14], $0x4000  }
0x61: {  	s20 =	simm.s32 $0x20;
	s19 =	simm.s32 $0x10;
	[sflag:s14] =	ssyncset.done $0x0  }
.LBB2_3:
0x62: {  	s21 =	sadd.s32 s19, s10  }
0x63: {  	[sflag:s14] =	ssyncadd.s32 $0xFFFFC000;
	s22 =	smov.u32 s20;
	s23 =	sadd.s32 $0x10, s20  }
0x64: {  	[tilespmem:s3], [sflag:$0x2] =	stream.linear.gather [hbm4b:s21+s3], $0x80, $0x38;
	[tilespmem:$0x18100] =	vst v63  }
0x65: {  	p1 =	seq.s32 s20, $0x690;
	_ =	swait.ge [sflag:s14], $0x80  }
0x66: {  	[sflag:s14] =	ssyncset.done $0x0  }
0x67: {  	s20 =	sadd.s32 s19, s9;
	s19 =	smov.u32 s22;
	[sflag:s14] =	ssyncadd.s32 $0xFFFFFF80  }
0x68: {  	[tilespmem:s15], [sflag:$0x2] =	stream.linear.gather [hbm4b:s20+s3], $0x80, $0x38;
	[tilespmem:$0x18100] =	vst v63  }
0x69: {  	_ =	swait.ge [sflag:s14], $0x80  }
0x6a: {  	[sflag:s14] =	ssyncset.done $0x0  }
0x6b: {  	[sflag:s14] =	ssyncadd.s32 $0xFFFFFF80  }
0x6c: {  	[tilespmem:s16], [sflag:$0x1] =	stream.indirect.gather [hbm4b:s4+s15], $0x80, s3, s15, $0xb8;
	[tilespmem:$0x18100] =	vst v63  }
0x6d: {  	_ =	swait.ge [sflag:s17], $0x4000  }
.Ltmp5:
0x6e: {  	[sflag:s17] =	ssyncset.done $0x0;
	(pc) =	sbr.rel @!p1 .LBB2_3-.Ltmp5, $4  }
0x6f: {  	[sflag:s17] =	ssyncadd.s32 $0xFFFFC000  }
0x70: {  	[spmem:s2] =	stream.indirect.scatter.add.f32 [tilespmem:s16], [sflag:$0x2], $0x80, s15, s15, $0xb8;
	[tilespmem:$0x18100] =	vst v63  }
0x71: {  	_ =	swait.ge [sflag:s14], $0x4000  }
0x72: {  	s20 =	smov.u32 s23;
	[sflag:s14] =	ssyncset.done $0x0  }
0x73: {  	s20 =	sadd.s32 s19, s10;
	[sflag:s14] =	ssyncadd.s32 $0xFFFFC000  }
0x74: {  	[tilespmem:s3], [sflag:$0x2] =	stream.linear.gather [hbm4b:s20+s3], $0x80, $0x38;
	[tilespmem:$0x18100] =	vst v63  }
0x75: {  	_ =	swait.ge [sflag:s14], $0x80  }
0x76: {  	[sflag:s14] =	ssyncset.done $0x0  }
0x77: {  	s31 =	sadd.s32 s19, s9;
	[sflag:s14] =	ssyncadd.s32 $0xFFFFFF80  }
0x78: {  	[tilespmem:s15], [sflag:$0x2] =	stream.linear.gather [hbm4b:s31+s3], $0x80, $0x38;
	[tilespmem:$0x18100] =	vst v63  }
0x79: {  	_ =	swait.ge [sflag:s14], $0x80  }
0x7a: {  	[sflag:s14] =	ssyncset.done $0x0  }
0x7b: {  	[sflag:s14] =	ssyncadd.s32 $0xFFFFFF80  }
0x7c: {  	[tilespmem:s16], [sflag:$0x1] =	stream.indirect.gather [hbm4b:s4+s15], $0x80, s3, s15, $0xb8;
	[tilespmem:$0x18100] =	vst v63  }
0x7d: {  	_ =	swait.ge [sflag:s17], $0x4000  }
0x7e: {  	[sflag:s17] =	ssyncset.done $0x0  }
.Ltmp6:
0x7f: {  	[sflag:s17] =	ssyncadd.s32 $0xFFFFC000;
	(pc) =	sbr.rel .LBB2_8-.Ltmp6, $4  }
0x80: {  	[spmem:s2] =	stream.indirect.scatter.add.f32 [tilespmem:s16], [sflag:$0x2], $0x80, s15, s15, $0xb8;
	[tilespmem:$0x18100] =	vst v63  }
0x81: {  	_ =	swait.ge [sflag:s14], $0x4000  }
0x82: {  	[sflag:s14] =	ssyncset.done $0x0  }
0x83: {  	[sflag:s14] =	ssyncadd.s32 $0xFFFFC000  }
.LBB2_9:
0x84: {  	_ =	sfence.sel $0x180000  }
0x85: {  	[bflag:$0x0] =	sbarrier.arrive $0xFFFF  }
0x86: {  	p0 =	sne.s32 s1, $0x0;
	_ =	strace $0x9000004D  }
0x87: {  	s0 =	sadd.s32 @!p0 $0x100000, s0;
	[bflag:$0x2] =	sbarrier.arrive $0xFFFF  }
0x88: {  	[sflag:s0] =	ssyncadd.tile.s32 @!p0 $0x1;
	_ =	shalt  }
.Lfunc_end2:
_tile_overlayer_lowered:
.L_overlay_start_2:
0x89: {  	(tag) =	ssettag $0x2  }
0x8a: {  	s0 =	rddreg [dreg:$0x0];
	s2 =	stileid.u32  }
0x8b: {  	s1 =	rddreg [dreg:$0x1];
	p0 =	sne.s32 s2, $0x0  }
0x8c: {  	s3 =	rddreg [dreg:$0x2];
	[bflag:$0x3] =	sbarrier.arrive $0xFFFF;
	s2 =	simm.s32 @!p0 $0x1C02  }
0x8d: {  	[timem:s3], [sflag:s2] =	dma.local @!p0 [hbm:s0], s1  }
0x8e: {  	s0 =	simm.s32 @!p0 $0x2  }
0x8f: {  	_ =	swait.ge @!p0 [sflag:s0], s1  }
0x90: {  	s1 =	ssub.s32 @!p0 $0x0, s1;
	[sflag:s0] =	ssyncset.done @!p0 $0x0  }
0x91: {  	[sflag:s0] =	ssyncadd.s32 @!p0 s1  }
0x92: {  	[bflag:$0x3] =	sbarrier.arrive $0xFFFF  }
0x93: {  	_ =	shalt  }

// kernel: kernel.21.cloned.1.call-start
scs
__scs_entry_jumppad:
0x0: {  	(pc) =	sbr.rel $0x88, $3  }
0x1: {  	(tag) =	ssettag $0x0;
	lr =	simm.s32 $0x1  }
0x2: {  	[smem:$0x3F99] =	sst lr;
	_ =	strace $0xD0000000  }
0x3: {  	_ = 	snop  }
0x4: {  	_ = 	snop  }
0x5: {  	_ = 	snop  }
0x6: {  	_ = 	snop  }
0x7: {  	_ = 	snop  }
__scs_overlays_trampoline_lowered:
0x8: {  	[smem:$0x3FA8] =	sst s0  }
0x9: {  	[smem:$0x3FA9] =	sst s1  }
0xa: {  	[smem:$0x3FAA] =	sst s2  }
0xb: {  	[smem:$0x3FAB] =	sst s3  }
0xc: {  	[smem:$0x3FAC] =	sst s4  }
0xd: {  	[smem:$0x3FAD] =	sst s5  }
0xe: {  	[smem:$0x3FAE] =	sst s6  }
0xf: {  	[smem:$0x3FAF] =	sst s7  }
0x10: {  	[smem:$0x3FB0] =	sst s8  }
0x11: {  	[smem:$0x3FB1] =	sst s9;
	s0 =	simm.s32 @!p0 $0x0  }
0x12: {  	s1 =	sld [smem:$0x3F97];
	s0 =	simm.s32 @p0 $0x1  }
0x13: {  	[smem:$0x3FB2] =	sst s0;
	s0 =	simm.s32 @!p1 $0x0  }
0x14: {  	s2 =	sld [smem:$0x3F96];
	s0 =	simm.s32 @p1 $0x1  }
0x15: {  	[smem:$0x3FB3] =	sst s0;
	s0 =	simm.s32 @!p2 $0x0  }
0x16: {  	s3 =	sld [smem:$0x3FDB];
	s0 =	simm.s32 @p2 $0x1  }
0x17: {  	s4 =	simm.s32 $0x1BF5;
	[smem:$0x3FB5] =	sst s0  }
0x18: {  	s0 =	sld [smem:$0x3F98];
	_ =	swait.ge [sflag:s4], $0x0  }
0x19: {  	s7 =	sld [smem:$0x3F99]  }
0x1a: {  	s8 =	sadd.s32 $0xFFFFE003, lr  }
0x1b: {  	s9 =	sadd.s32 $0xFFFFFEF7, lr;
	s5 =	simm.s32 $0xFFFFFFFF;
	p2 =	slt.u32 s8, $0xFFFFF086  }
0x1c: {  	p1 =	slt.u32 s9, $0xF7A;
	s5 =	simm.s32 @!p2 $0x0  }
0x1d: {  	s5 =	simm.s32 @p1 $0x1;
	p0 =	seq.s32 s7, s2  }
0x1e: {  	s7 =	smul.u32 @!p0 $0xF7A, s2;
	p2 =	seq.s32 @!p0 s5, $0x0  }
0x1f: {  	s9 =	smul.u32 $0xF7A, s1;
	s8 =	simm.s32 @!p0 $0x1BF5;
	p2 =	por !p2, p0  }
0x20: {  	[sflag:s8] =	ssyncset.s32 @!p0 $0xFFFFF086;
	s6 =	sadd.s32 @!p0 s3, s7;
	s7 =	simm.s32 @!p0 $0x108  }
0x21: {  	s3 =	sadd.s32 s3, s9;
	s6 =	sadd.s32 @!p0 $0x88, s6;
	s7 =	simm.s32 @p2 $0x1082  }
0x22: {  	[simem:s7], [sflag:s8] =	dma.local @!p0 [hbm:s6], $0xF7A  }
0x23: {  	s9 =	sor.u32 $0xD0000000, s2;
	s6 =	simm.s32 $0x108;
	_ =	swait.ge @!p0 [sflag:s8], $0x0  }
0x24: {  	s3 =	sadd.s32 $0x88, s3;
	s6 =	simm.s32 @!p1 $0x1082;
	[sflag:s4] =	ssyncset.s32 $0xFFFFF086  }
0x25: {  	[simem:s6], [sflag:s4] =	dma.local [hbm:s3], $0xF7A  }
0x26: {  	[smem:$0x3F99] =	sst s1;
	(tag) =	ssettag s2;
	_ =	strace s9  }
0x27: {  	s1 =	sld [smem:$0x3FA9]  }
0x28: {  	s2 =	sld [smem:$0x3FAA]  }
0x29: {  	s4 =	sld [smem:$0x3FAC]  }
0x2a: {  	p0 =	seq.s32 s5, $0x0;
	s5 =	sld [smem:$0x3FAD]  }
0x2b: {  	s6 =	sld [smem:$0x3FAE]  }
0x2c: {  	s7 =	sld [smem:$0x3FAF]  }
0x2d: {  	s3 =	simm.s32 $0x108;
	s8 =	sld [smem:$0x3FB0]  }
0x2e: {  	s3 =	simm.s32 @!p0 $0x1082;
	s9 =	sld [smem:$0x3FB1]  }
0x2f: {  	lr =	sadd.s32 s0, s3;
	s0 =	sld [smem:$0x3FA8]  }
0x30: {  	s3 =	sld [smem:$0x3FAB]  }
0x31: {  	[smem:$0x3FB4] =	sst s10  }
0x32: {  	s10 =	sld [smem:$0x3FB2];
	_ =	sdelay $0x3  }
0x33: {  	p0 =	seq.s32 s10, $0x1;
	s10 =	sld [smem:$0x3FB4];
	_ =	sdelay $0x3  }
0x34: {  	[smem:$0x3FB4] =	sst s10  }
0x35: {  	s10 =	sld [smem:$0x3FB3];
	_ =	sdelay $0x3  }
0x36: {  	p1 =	seq.s32 s10, $0x1;
	s10 =	sld [smem:$0x3FB4];
	_ =	sdelay $0x3  }
0x37: {  	[smem:$0x3FB4] =	sst s10  }
0x38: {  	s10 =	sld [smem:$0x3FB5]  }
0x39: {  	_ = 	snop;
	(pc) =	sbr.ind lr, $3  }
0x3a: {  	_ = 	snop  }
0x3b: {  	_ = 	snop  }
0x3c: {  	p2 =	seq.s32 s10, $0x1;
	s10 =	sld [smem:$0x3FB4]  }
0x3d: {  	_ =	shalt  }
0x3e: {  	_ =	shalt  }
0x3f: {  	_ =	shalt  }
0x40: {  	_ =	shalt  }
0x41: {  	_ =	shalt  }
0x42: {  	_ =	shalt  }
0x43: {  	_ =	shalt  }
0x44: {  	_ =	shalt  }
0x45: {  	_ =	shalt  }
0x46: {  	_ =	shalt  }
0x47: {  	_ =	shalt  }
0x48: {  	_ =	shalt  }
0x49: {  	_ =	shalt  }
0x4a: {  	_ =	shalt  }
0x4b: {  	_ =	shalt  }
0x4c: {  	_ =	shalt  }
0x4d: {  	_ =	shalt  }
0x4e: {  	_ =	shalt  }
0x4f: {  	_ =	shalt  }
0x50: {  	_ =	shalt  }
0x51: {  	_ =	shalt  }
0x52: {  	_ =	shalt  }
0x53: {  	_ =	shalt  }
0x54: {  	_ =	shalt  }
0x55: {  	_ =	shalt  }
0x56: {  	_ =	shalt  }
0x57: {  	_ =	shalt  }
0x58: {  	_ =	shalt  }
0x59: {  	_ =	shalt  }
0x5a: {  	_ =	shalt  }
0x5b: {  	_ =	shalt  }
0x5c: {  	_ =	shalt  }
0x5d: {  	_ =	shalt  }
0x5e: {  	_ =	shalt  }
0x5f: {  	_ =	shalt  }
0x60: {  	_ =	shalt  }
0x61: {  	_ =	shalt  }
0x62: {  	_ =	shalt  }
0x63: {  	_ =	shalt  }
0x64: {  	_ =	shalt  }
0x65: {  	_ =	shalt  }
0x66: {  	_ =	shalt  }
0x67: {  	_ =	shalt  }
0x68: {  	_ =	shalt  }
0x69: {  	_ =	shalt  }
0x6a: {  	_ =	shalt  }
0x6b: {  	_ =	shalt  }
0x6c: {  	_ =	shalt  }
0x6d: {  	_ =	shalt  }
0x6e: {  	_ =	shalt  }
0x6f: {  	_ =	shalt  }
0x70: {  	_ =	shalt  }
0x71: {  	_ =	shalt  }
0x72: {  	_ =	shalt  }
0x73: {  	_ =	shalt  }
0x74: {  	_ =	shalt  }
0x75: {  	_ =	shalt  }
0x76: {  	_ =	shalt  }
0x77: {  	_ =	shalt  }
0x78: {  	_ =	shalt  }
0x79: {  	_ =	shalt  }
0x7a: {  	_ =	shalt  }
0x7b: {  	_ =	shalt  }
0x7c: {  	_ =	shalt  }
0x7d: {  	_ =	shalt  }
0x7e: {  	_ =	shalt  }
0x7f: {  	_ =	shalt  }
0x80: {  	_ =	shalt  }
0x81: {  	_ =	shalt  }
0x82: {  	_ =	shalt  }
0x83: {  	_ =	shalt  }
0x84: {  	_ =	shalt  }
0x85: {  	_ =	shalt  }
0x86: {  	_ =	shalt  }
0x87: {  	_ =	shalt  }
.Lfunc_end0:
.L_simem_size_0:
called_computation.3_lowered:
.L_overlay_start_0:
0x88: {  	s2 =	sld [smem:$0x3FD9]  }
0x89: {  	s3 =	sld [smem:$0x3FFE];
	_ =	sdelay $0x1  }
0x8a: {  	s1 =	srdreg.scid  }
0x8b: {  	s0 =	sand.u32 $0x1, s1  }
0x8c: {  	s17 =	sshll.u32 s0, $0xA;
	s2 =	sadd.s32 s3, s2  }
0x8d: {  	s2 =	sadd.s32 s2, s17  }
0x8e: {  	[smem:$0x3FC0] =	sst s2  }
0x8f: {  	_ = 	snop  }
0x90: {  	s18 =	sld [smem:$0x3FD0];
	(tm) =	ssettm $0x1  }
0x91: {  	s19 =	sld [smem:$0x3FFB];
	_ =	sdelay $0x3  }
0x92: {  	_ =	strace s19  }
0x93: {  	s2 =	sld [smem:$0x3FFC];
	_ =	sdelay $0x3  }
0x94: {  	_ =	strace s2  }
0x95: {  	s2 =	sld [smem:$0x3FFD];
	_ =	sdelay $0x3  }
0x96: {  	_ =	strace s2  }
0x97: {  	_ =	strace $0x8FFFFFFF  }
0x98: {  	s20 =	sld [smem:$0x3FDB];
	_ =	sdelay $0x1  }
0x99: {  	s4 =	simm.s32 $_scs_section_size  }
0x9a: {  	s5 =	simm.s32 $_size__tile_overlayer_lowered;
	s6 =	simm.s32 $_tile_overlayer_lowered  }
0x9b: {  	s7 =	simm.s32 $0x1BFF;
	s21 =	sshll.u32 s6, $0x1;
	s4 =	sadd.s32 s4, s20  }
0x9c: {  	s22 =	simm.s32 $0x0;
	s5 =	sshll.u32 s5, $0x1;
	s6 =	sadd.s32 s21, s4  }
0x9d: {  	[timem:s22], [sflag:s7] =	dma.local [hbm:s6], s5  }
0x9e: {  	_ =	swait.ge [sflag:s7], s5  }
0x9f: {  	s5 =	ssub.s32 $0x0, s5;
	[sflag:s7] =	ssyncset.done $0x0  }
0xa0: {  	[sflag:s7] =	ssyncadd.s32 s5;
	_ =	sdelay $0x1  }
0xa1: {  	s23 =	simm.s32 $0x1B8B  }
0xa2: {  	_ =	swait.ge [sflag:s23], $0x1  }
0xa3: {  	[sflag:s23] =	ssyncset.done $0x0  }
0xa4: {  	[sflag:s23] =	ssyncadd.s32 $0xFFFFFFFF  }
0xa5: {  	s5 =	sld [smem:$0x0]  }
0xa6: {  	s6 =	sand.u32 $0xFFFFFFFE, s1  }
0xa7: {  	p0 =	sne.s32 s1, s6  }
0xa8: {  	s6 =	sshll.u32 @p0 s6, $0xE  }
0xa9: {  	s6 =	sadd.s32 @p0 $0x11B8D, s6;
	s7 =	sshll.u32 @p0 s5, $0x11  }
0xaa: {  	s6 =	sor.u32 @p0 s7, s6  }
0xab: {  	[sflag:s6] =	ssyncadd.remote.s32 @p0 $0x1;
	_ =	sdelay $0x1  }
0xac: {  	s6 =	simm.s32 @p0 $0x1B8D  }
0xad: {  	_ =	swait.eq @p0 [sflag:s6], $0x1  }
0xae: {  	[sflag:s6] =	ssyncadd.s32 @p0 $0xFFFFFFFF  }
0xaf: {  	s7 =	sshll.u32 @!p0 s1, $0xE  }
0xb0: {  	s7 =	sor.u32 @!p0 $0x4000, s7;
	s6 =	simm.s32 @!p0 $0x1B8D  }
0xb1: {  	s5 =	sshll.u32 @!p0 s5, $0x11;
	s7 =	sadd.s32 @!p0 $0x11B8D, s7;
	_ =	swait.eq @!p0 [sflag:s6], $0x1  }
0xb2: {  	s5 =	sor.u32 @!p0 s5, s7;
	[sflag:s6] =	ssyncadd.s32 @!p0 $0xFFFFFFFF  }
0xb3: {  	s25 =	simm.s32 $0x1B8E;
	s24 =	sld [smem:$0x3FFE];
	[sflag:s5] =	ssyncadd.remote.s32 @!p0 $0x1  }
0xb4: {  	s26 =	simm.s32 $execute0_lowered;
	[smem:$0x3FD2] =	sst s25  }
0xb5: {  	s6 =	sshll.u32 s26, $0x1;
	_ =	strace $0x80000052;
	[dreg:$0x1] =	wrdreg $0xFFFFFFFF  }
0xb6: {  	s28 =	simm.s32 $_size_execute0_lowered;
	s4 =	sadd.s32 s4, s6;
	[dreg:$0x0] =	wrdreg $0x0  }
0xb7: {  	s6 =	sshll.u32 s28, $0x1;
	[dreg:$0x2] =	wrdreg s4  }
0xb8: {  	[dreg:$0x3] =	wrdreg s6  }
0xb9: {  	[dreg:$0x4] =	wrdreg $0xC0  }
0xba: {  	_ =	task [dreg:s22], $0x5FFFF  }
0xbb: {  	[dreg:$0x1] =	wrdreg $0xFFFFFFFF  }
0xbc: {  	[dreg:$0x0] =	wrdreg $0x60  }
0xbd: {  	[dreg:$0x2] =	wrdreg s24  }
0xbe: {  	[dreg:$0x3] =	wrdreg s18  }
0xbf: {  	[dreg:$0x4] =	wrdreg $0x41000  }
0xc0: {  	[dreg:$0x5] =	wrdreg $0x9  }
0xc1: {  	_ =	task.clear_ibuf [dreg:s22], $0x6FFFF;
	_ =	strace $0x90000052  }
0xc2: {  	s29 =	simm.s32 $0x9;
	_ =	strace $0x80000054  }
0xc3: {  	_ =	swait.ge [sflag:s29], $0x1  }
0xc4: {  	[sflag:s29] =	ssyncadd.s32 $0xFFFFFFFF  }
0xc5: {  	_ =	strace $0x90000054  }
0xc6: {  	_ =	sfence  }
0xc7: {  	s30 =	sld [smem:$0x0];
	_ =	sdelay $0x2  }
0xc8: {  	s31 =	sshll.u32 s1, $0xD;
	s1 =	sshrl.u32 s1, $0x2  }
0xc9: {  	s4 =	sand.u32 $0x4000, s31;
	s1 =	sadd.s32 s1, s30  }
0xca: {  	s0 =	sor.u32 s4, s0;
	s1 =	sshll.u32 s1, $0x11  }
0xcb: {  	s0 =	sor.u32 s1, s0  }
0xcc: {  	s0 =	sadd.s32 $0x8F2B, s0  }
0xcd: {  	[sflag:s0] =	ssyncadd.remote.s32 $0x1  }
0xce: {  	_ =	sfence.sel $0xFFFF  }
0xcf: {  	[dreg:$0x0] =	wrdreg $0xFFFFFFFF;
	(pc) =	sbr.abs _section_cstart, $3  }
0xd0: {  	[dreg:$0x1] =	wrdreg $0xFFFFFFFF  }
0xd1: {  	_ =	task.clear_ibuf [dreg:s22], $0x2FFFF;
	_ =	strace $0x9FFFFFFF  }
0xd2: {  	(tm) =	ssettm $0x7FFFFFFF  }
0xd3: {  	_ =	shalt  }
tec
execute0_lowered:
.L_overlay_start_1:
0x0: {  	(tag) =	ssettag $0x1  }
0x1: {  	s5 =	rddreg [dreg:$0x0]  }
0x2: {  	s10 =	rddreg [dreg:$0x1]  }
0x3: {  	s2 =	rddreg [dreg:$0x2]  }
0x4: {  	s0 =	rddreg [dreg:$0x3];
	s3 =	simm.s32 $0x0  }
0x5: {  	s1 =	stileid.u32;
	s4 =	srdreg.scid;
	s16 =	simm.s32 $0x100  }
0x6: {  	s17 =	simm.s32 $0x1;
	s18 =	simm.s32 $0x0;
	s6 =	smul.u32 $0x2800, s1  }
0x7: {  	[smem:$0x7FF] =	sst s3;
	s7 =	sand.u32 $0x1, s4;
	s12 =	smul.u32 $0x50000, s1  }
0x8: {  	s4 =	sadd.s32 $0xFD800, s5;
	s11 =	sadd.s32 $0x7BA00, s5;
	s30 =	smul.u32 $0x6A0, s1  }
0x9: {  	s29 =	sshll.u32 s1, $0x6;
	s31 =	smul.u32 $0x340, s1;
	_ =	strace $0x80000053  }
0xa: {  	s8 =	smul.u32 $0x28000, s7;
	s9 =	ssub.s32 $0x2, s7;
	p0 =	seq.s32 s7, $0x1  }
0xb: {  	s13 =	sadd.s32 s6, s5;
	s26 =	sshrl.u32 s9, $0x1;
	s28 =	sshrl.u32 s12, $0x2  }
0xc: {  	s6 =	sadd.s32 s6, s8;
	s8 =	ssub.s32 s9, s26;
	s15 =	sadd.s32 s28, s2  }
.Ltmp0:
0xd: {  	s9 =	sadd.s32 s30, s11;
	s11 =	sadd.s32 s31, s11;
	(pc) =	sbr.rel .LBB2_1-.Ltmp0, $4  }
0xe: {  	s14 =	sadd.s32 s6, s5;
	s5 =	sadd.s32 $0x3200, s13;
	s6 =	sor.u32 $0x1C02, s29  }
0xf: {  	s8 =	smax.u32 s8, $0x1;
	s13 =	sadd.s32 s31, s10;
	s10 =	sadd.s32 s30, s10  }
0x10: {  	s11 =	sadd.s32 $0x6A00, s11;
	s7 =	sadd.s32 $0x175800, s14;
	s12 =	sadd.s32 $0x6A00, s13  }
0x11: {  	s13 =	sshrl.u32 s15, $0x3;
	s14 =	simm.s32 $0x2;
	s15 =	simm.s32 $0x80  }
.LBB2_7:
0x12: {  	s20 =	sadd.s32 s19, s12;
	[sflag:s14] =	ssyncadd.s32 $0xFFFFC000  }
0x13: {  	[tilespmem:s3], [sflag:$0x2] =	stream.linear.gather [hbm4b:s20+s3], $0x80, $0x38;
	[tilespmem:$0x18100] =	vst v63  }
0x14: {  	_ =	swait.ge [sflag:s14], $0x80  }
0x15: {  	[sflag:s14] =	ssyncset.done $0x0  }
0x16: {  	s31 =	sadd.s32 s19, s11;
	[sflag:s14] =	ssyncadd.s32 $0xFFFFFF80  }
0x17: {  	[tilespmem:s15], [sflag:$0x2] =	stream.linear.gather [hbm4b:s31+s3], $0x80, $0x38;
	[tilespmem:$0x18100] =	vst v63  }
0x18: {  	_ =	swait.ge [sflag:s14], $0x80  }
0x19: {  	[sflag:s14] =	ssyncset.done $0x0  }
0x1a: {  	[sflag:s14] =	ssyncadd.s32 $0xFFFFFF80  }
0x1b: {  	[tilespmem:s16], [sflag:$0x1] =	stream.indirect.gather [hbm4b:s4+s15], $0x80, s3, s15, $0xb8;
	[tilespmem:$0x18100] =	vst v63  }
0x1c: {  	_ =	swait.ge [sflag:s17], $0x4000  }
0x1d: {  	[sflag:s17] =	ssyncset.done $0x0  }
0x1e: {  	[sflag:s17] =	ssyncadd.s32 $0xFFFFC000  }
0x1f: {  	[spmem:s2] =	stream.indirect.scatter.add.f32 [tilespmem:s16], [sflag:$0x2], $0x80, s15, s15, $0xb8;
	[tilespmem:$0x18100] =	vst v63  }
0x20: {  	_ =	swait.ge [sflag:s14], $0x4000  }
0x21: {  	[sflag:s14] =	ssyncset.done $0x0  }
0x22: {  	[sflag:s14] =	ssyncadd.s32 $0xFFFFC000  }
.LBB2_8:
0x23: {  	s18 =	sadd.s32 $0x1, s18  }
0x24: {  	p1 =	sne.s32 s18, s8  }
.Ltmp1:
0x25: {  	[bflag:$0x0] =	sbarrier.arrive $0xFFFF;
	(pc) =	sbr.rel @!p1 .LBB2_9-.Ltmp1, $4  }
0x26: {  	[hbm:s7], [sflag:s6] =	dma.local [spmem:s13], $0x2800  }
0x27: {  	_ =	swait.ge [sflag:s14], $0x2800  }
0x28: {  	[sflag:s14] =	ssyncset.done $0x0  }
0x29: {  	[sflag:s14] =	ssyncadd.s32 $0xFFFFD800  }
.LBB2_1:
0x2a: {  	[spmem:s13], [sflag:s6] =	dma.local [hbm:s5], $0x2800  }
.Ltmp2:
0x2b: {  	_ =	swait.ge [sflag:s14], $0x2800;
	(pc) =	sbr.rel @!p0 .LBB2_2-.Ltmp2, $3  }
0x2c: {  	[sflag:s14] =	ssyncset.done $0x0  }
0x2d: {  	[sflag:s14] =	ssyncadd.s32 $0xFFFFD800  }
0x2e: {  	[bflag:$0x0] =	sbarrier.arrive $0xFFFF;
	_ =	sdelay $0x1  }
0x2f: {  	s19 =	sadd.s32 $0x0, s12  }
0x30: {  	[tilespmem:s3], [sflag:$0x2] =	stream.linear.gather [hbm4b:s19+s3], $0x80, $0x38;
	[tilespmem:$0x18100] =	vst v63  }
0x31: {  	_ =	swait.ge [sflag:s14], $0x80  }
0x32: {  	[sflag:s14] =	ssyncset.done $0x0  }
0x33: {  	s31 =	sadd.s32 $0x0, s11;
	[sflag:s14] =	ssyncadd.s32 $0xFFFFFF80  }
0x34: {  	[tilespmem:s15], [sflag:$0x2] =	stream.linear.gather [hbm4b:s31+s3], $0x80, $0x38;
	[tilespmem:$0x18100] =	vst v63  }
0x35: {  	_ =	swait.ge [sflag:s14], $0x80  }
0x36: {  	[sflag:s14] =	ssyncset.done $0x0  }
0x37: {  	[sflag:s14] =	ssyncadd.s32 $0xFFFFFF80  }
0x38: {  	[tilespmem:s16], [sflag:$0x1] =	stream.indirect.gather [hbm4b:s4+s15], $0x80, s3, s15, $0xb8;
	[tilespmem:$0x18100] =	vst v63  }
0x39: {  	_ =	swait.ge [sflag:s17], $0x4000  }
0x3a: {  	[sflag:s17] =	ssyncset.done $0x0  }
0x3b: {  	[sflag:s17] =	ssyncadd.s32 $0xFFFFC000  }
0x3c: {  	[spmem:s2] =	stream.indirect.scatter.add.f32 [tilespmem:s16], [sflag:$0x2], $0x80, s15, s15, $0xb8;
	[tilespmem:$0x18100] =	vst v63  }
0x3d: {  	_ =	swait.ge [sflag:s14], $0x4000  }
0x3e: {  	s20 =	simm.s32 $0x20;
	s19 =	simm.s32 $0x10;
	[sflag:s14] =	ssyncset.done $0x0  }
.LBB2_6:
0x3f: {  	s21 =	sadd.s32 s19, s12  }
0x40: {  	[sflag:s14] =	ssyncadd.s32 $0xFFFFC000;
	s22 =	smov.u32 s20;
	s23 =	sadd.s32 $0x10, s20  }
0x41: {  	[tilespmem:s3], [sflag:$0x2] =	stream.linear.gather [hbm4b:s21+s3], $0x80, $0x38;
	[tilespmem:$0x18100] =	vst v63  }
0x42: {  	p1 =	sne.s32 s20, $0x330;
	_ =	swait.ge [sflag:s14], $0x80  }
0x43: {  	[sflag:s14] =	ssyncset.done $0x0  }
0x44: {  	s20 =	sadd.s32 s19, s11;
	s19 =	smov.u32 s22;
	[sflag:s14] =	ssyncadd.s32 $0xFFFFFF80  }
0x45: {  	[tilespmem:s15], [sflag:$0x2] =	stream.linear.gather [hbm4b:s20+s3], $0x80, $0x38;
	[tilespmem:$0x18100] =	vst v63  }
0x46: {  	_ =	swait.ge [sflag:s14], $0x80  }
0x47: {  	[sflag:s14] =	ssyncset.done $0x0  }
0x48: {  	[sflag:s14] =	ssyncadd.s32 $0xFFFFFF80  }
0x49: {  	[tilespmem:s16], [sflag:$0x1] =	stream.indirect.gather [hbm4b:s4+s15], $0x80, s3, s15, $0xb8;
	[tilespmem:$0x18100] =	vst v63  }
0x4a: {  	_ =	swait.ge [sflag:s17], $0x4000  }
.Ltmp3:
0x4b: {  	[sflag:s17] =	ssyncset.done $0x0;
	(pc) =	sbr.rel @p1 .LBB2_6-.Ltmp3, $4  }
0x4c: {  	[sflag:s17] =	ssyncadd.s32 $0xFFFFC000  }
0x4d: {  	[spmem:s2] =	stream.indirect.scatter.add.f32 [tilespmem:s16], [sflag:$0x2], $0x80, s15, s15, $0xb8;
	[tilespmem:$0x18100] =	vst v63  }
0x4e: {  	_ =	swait.ge [sflag:s14], $0x4000  }
0x4f: {  	s20 =	smov.u32 s23;
	[sflag:s14] =	ssyncset.done $0x0  }
.Ltmp4:
0x50: {  	_ = 	snop;
	(pc) =	sbr.rel .LBB2_7-.Ltmp4, $1  }
0x51: {  	_ =	sdelay $0x3  }
.LBB2_2:
0x52: {  	s19 =	sadd.s32 $0x0, s10  }
0x53: {  	[tilespmem:s3], [sflag:$0x2] =	stream.linear.gather [hbm4b:s19+s3], $0x80, $0x38;
	[tilespmem:$0x18100] =	vst v63  }
0x54: {  	_ =	swait.ge [sflag:s14], $0x80  }
0x55: {  	[sflag:s14] =	ssyncset.done $0x0  }
0x56: {  	s31 =	sadd.s32 $0x0, s9;
	[sflag:s14] =	ssyncadd.s32 $0xFFFFFF80  }
0x57: {  	[tilespmem:s15], [sflag:$0x2] =	stream.linear.gather [hbm4b:s31+s3], $0x80, $0x38;
	[tilespmem:$0x18100] =	vst v63  }
0x58: {  	_ =	swait.ge [sflag:s14], $0x80  }
0x59: {  	[sflag:s14] =	ssyncset.done $0x0  }
0x5a: {  	[sflag:s14] =	ssyncadd.s32 $0xFFFFFF80  }
0x5b: {  	[tilespmem:s16], [sflag:$0x1] =	stream.indirect.gather [hbm4b:s4+s15], $0x80, s3, s15, $0xb8;
	[tilespmem:$0x18100] =	vst v63  }
0x5c: {  	_ =	swait.ge [sflag:s17], $0x4000  }
0x5d: {  	[sflag:s17] =	ssyncset.done $0x0  }
0x5e: {  	[sflag:s17] =	ssyncadd.s32 $0xFFFFC000  }
0x5f: {  	[spmem:s2] =	stream.indirect.scatter.add.f32 [tilespmem:s16], [sflag:$0x2], $0x80, s15, s15, $0xb8;
	[tilespmem:$0x18100] =	vst v63  }
0x60: {  	_ =	swait.ge [sflag:s14], $0x4000  }
0x61: {  	s20 =	simm.s32 $0x20;
	s19 =	simm.s32 $0x10;
	[sflag:s14] =	ssyncset.done $0x0  }
.LBB2_3:
0x62: {  	s21 =	sadd.s32 s19, s10  }
0x63: {  	[sflag:s14] =	ssyncadd.s32 $0xFFFFC000;
	s22 =	smov.u32 s20;
	s23 =	sadd.s32 $0x10, s20  }
0x64: {  	[tilespmem:s3], [sflag:$0x2] =	stream.linear.gather [hbm4b:s21+s3], $0x80, $0x38;
	[tilespmem:$0x18100] =	vst v63  }
0x65: {  	p1 =	seq.s32 s20, $0x690;
	_ =	swait.ge [sflag:s14], $0x80  }
0x66: {  	[sflag:s14] =	ssyncset.done $0x0  }
0x67: {  	s20 =	sadd.s32 s19, s9;
	s19 =	smov.u32 s22;
	[sflag:s14] =	ssyncadd.s32 $0xFFFFFF80  }
0x68: {  	[tilespmem:s15], [sflag:$0x2] =	stream.linear.gather [hbm4b:s20+s3], $0x80, $0x38;
	[tilespmem:$0x18100] =	vst v63  }
0x69: {  	_ =	swait.ge [sflag:s14], $0x80  }
0x6a: {  	[sflag:s14] =	ssyncset.done $0x0  }
0x6b: {  	[sflag:s14] =	ssyncadd.s32 $0xFFFFFF80  }
0x6c: {  	[tilespmem:s16], [sflag:$0x1] =	stream.indirect.gather [hbm4b:s4+s15], $0x80, s3, s15, $0xb8;
	[tilespmem:$0x18100] =	vst v63  }
0x6d: {  	_ =	swait.ge [sflag:s17], $0x4000  }
.Ltmp5:
0x6e: {  	[sflag:s17] =	ssyncset.done $0x0;
	(pc) =	sbr.rel @!p1 .LBB2_3-.Ltmp5, $4  }
0x6f: {  	[sflag:s17] =	ssyncadd.s32 $0xFFFFC000  }
0x70: {  	[spmem:s2] =	stream.indirect.scatter.add.f32 [tilespmem:s16], [sflag:$0x2], $0x80, s15, s15, $0xb8;
	[tilespmem:$0x18100] =	vst v63  }
0x71: {  	_ =	swait.ge [sflag:s14], $0x4000  }
0x72: {  	s20 =	smov.u32 s23;
	[sflag:s14] =	ssyncset.done $0x0  }
0x73: {  	s20 =	sadd.s32 s19, s10;
	[sflag:s14] =	ssyncadd.s32 $0xFFFFC000  }
0x74: {  	[tilespmem:s3], [sflag:$0x2] =	stream.linear.gather [hbm4b:s20+s3], $0x80, $0x38;
	[tilespmem:$0x18100] =	vst v63  }
0x75: {  	_ =	swait.ge [sflag:s14], $0x80  }
0x76: {  	[sflag:s14] =	ssyncset.done $0x0  }
0x77: {  	s31 =	sadd.s32 s19, s9;
	[sflag:s14] =	ssyncadd.s32 $0xFFFFFF80  }
0x78: {  	[tilespmem:s15], [sflag:$0x2] =	stream.linear.gather [hbm4b:s31+s3], $0x80, $0x38;
	[tilespmem:$0x18100] =	vst v63  }
0x79: {  	_ =	swait.ge [sflag:s14], $0x80  }
0x7a: {  	[sflag:s14] =	ssyncset.done $0x0  }
0x7b: {  	[sflag:s14] =	ssyncadd.s32 $0xFFFFFF80  }
0x7c: {  	[tilespmem:s16], [sflag:$0x1] =	stream.indirect.gather [hbm4b:s4+s15], $0x80, s3, s15, $0xb8;
	[tilespmem:$0x18100] =	vst v63  }
0x7d: {  	_ =	swait.ge [sflag:s17], $0x4000  }
0x7e: {  	[sflag:s17] =	ssyncset.done $0x0  }
.Ltmp6:
0x7f: {  	[sflag:s17] =	ssyncadd.s32 $0xFFFFC000;
	(pc) =	sbr.rel .LBB2_8-.Ltmp6, $4  }
0x80: {  	[spmem:s2] =	stream.indirect.scatter.add.f32 [tilespmem:s16], [sflag:$0x2], $0x80, s15, s15, $0xb8;
	[tilespmem:$0x18100] =	vst v63  }
0x81: {  	_ =	swait.ge [sflag:s14], $0x4000  }
0x82: {  	[sflag:s14] =	ssyncset.done $0x0  }
0x83: {  	[sflag:s14] =	ssyncadd.s32 $0xFFFFC000  }
.LBB2_9:
0x84: {  	_ =	sfence.sel $0x180000  }
0x85: {  	[bflag:$0x0] =	sbarrier.arrive $0xFFFF  }
0x86: {  	p0 =	sne.s32 s1, $0x0;
	_ =	strace $0x90000053  }
0x87: {  	s0 =	sadd.s32 @!p0 $0x100000, s0;
	[bflag:$0x2] =	sbarrier.arrive $0xFFFF  }
0x88: {  	[sflag:s0] =	ssyncadd.tile.s32 @!p0 $0x1;
	_ =	shalt  }
.Lfunc_end2:
_tile_overlayer_lowered:
.L_overlay_start_2:
0x89: {  	(tag) =	ssettag $0x2  }
0x8a: {  	s0 =	rddreg [dreg:$0x0];
	s2 =	stileid.u32  }
0x8b: {  	s1 =	rddreg [dreg:$0x1];
	p0 =	sne.s32 s2, $0x0  }
0x8c: {  	s3 =	rddreg [dreg:$0x2];
	[bflag:$0x3] =	sbarrier.arrive $0xFFFF;
	s2 =	simm.s32 @!p0 $0x1C02  }
0x8d: {  	[timem:s3], [sflag:s2] =	dma.local @!p0 [hbm:s0], s1  }
0x8e: {  	s0 =	simm.s32 @!p0 $0x2  }
0x8f: {  	_ =	swait.ge @!p0 [sflag:s0], s1  }
0x90: {  	s1 =	ssub.s32 @!p0 $0x0, s1;
	[sflag:s0] =	ssyncset.done @!p0 $0x0  }
0x91: {  	[sflag:s0] =	ssyncadd.s32 @!p0 s1  }
0x92: {  	[bflag:$0x3] =	sbarrier.arrive $0xFFFF  }
0x93: {  	_ =	shalt  }

// kernel: kernel.24.cloned.1.call-start
scs
__scs_entry_jumppad:
0x0: {  	(pc) =	sbr.rel $0x88, $3  }
0x1: {  	(tag) =	ssettag $0x0;
	lr =	simm.s32 $0x1  }
0x2: {  	[smem:$0x3F99] =	sst lr;
	_ =	strace $0xD0000000  }
0x3: {  	_ = 	snop  }
0x4: {  	_ = 	snop  }
0x5: {  	_ = 	snop  }
0x6: {  	_ = 	snop  }
0x7: {  	_ = 	snop  }
__scs_overlays_trampoline_lowered:
0x8: {  	[smem:$0x3FA8] =	sst s0  }
0x9: {  	[smem:$0x3FA9] =	sst s1  }
0xa: {  	[smem:$0x3FAA] =	sst s2  }
0xb: {  	[smem:$0x3FAB] =	sst s3  }
0xc: {  	[smem:$0x3FAC] =	sst s4  }
0xd: {  	[smem:$0x3FAD] =	sst s5  }
0xe: {  	[smem:$0x3FAE] =	sst s6  }
0xf: {  	[smem:$0x3FAF] =	sst s7  }
0x10: {  	[smem:$0x3FB0] =	sst s8  }
0x11: {  	[smem:$0x3FB1] =	sst s9;
	s0 =	simm.s32 @!p0 $0x0  }
0x12: {  	s1 =	sld [smem:$0x3F97];
	s0 =	simm.s32 @p0 $0x1  }
0x13: {  	[smem:$0x3FB2] =	sst s0;
	s0 =	simm.s32 @!p1 $0x0  }
0x14: {  	s2 =	sld [smem:$0x3F96];
	s0 =	simm.s32 @p1 $0x1  }
0x15: {  	[smem:$0x3FB3] =	sst s0;
	s0 =	simm.s32 @!p2 $0x0  }
0x16: {  	s3 =	sld [smem:$0x3FDB];
	s0 =	simm.s32 @p2 $0x1  }
0x17: {  	s4 =	simm.s32 $0x1BF5;
	[smem:$0x3FB5] =	sst s0  }
0x18: {  	s0 =	sld [smem:$0x3F98];
	_ =	swait.ge [sflag:s4], $0x0  }
0x19: {  	s7 =	sld [smem:$0x3F99]  }
0x1a: {  	s8 =	sadd.s32 $0xFFFFE003, lr  }
0x1b: {  	s9 =	sadd.s32 $0xFFFFFEF7, lr;
	s5 =	simm.s32 $0xFFFFFFFF;
	p2 =	slt.u32 s8, $0xFFFFF086  }
0x1c: {  	p1 =	slt.u32 s9, $0xF7A;
	s5 =	simm.s32 @!p2 $0x0  }
0x1d: {  	s5 =	simm.s32 @p1 $0x1;
	p0 =	seq.s32 s7, s2  }
0x1e: {  	s7 =	smul.u32 @!p0 $0xF7A, s2;
	p2 =	seq.s32 @!p0 s5, $0x0  }
0x1f: {  	s9 =	smul.u32 $0xF7A, s1;
	s8 =	simm.s32 @!p0 $0x1BF5;
	p2 =	por !p2, p0  }
0x20: {  	[sflag:s8] =	ssyncset.s32 @!p0 $0xFFFFF086;
	s6 =	sadd.s32 @!p0 s3, s7;
	s7 =	simm.s32 @!p0 $0x108  }
0x21: {  	s3 =	sadd.s32 s3, s9;
	s6 =	sadd.s32 @!p0 $0x88, s6;
	s7 =	simm.s32 @p2 $0x1082  }
0x22: {  	[simem:s7], [sflag:s8] =	dma.local @!p0 [hbm:s6], $0xF7A  }
0x23: {  	s9 =	sor.u32 $0xD0000000, s2;
	s6 =	simm.s32 $0x108;
	_ =	swait.ge @!p0 [sflag:s8], $0x0  }
0x24: {  	s3 =	sadd.s32 $0x88, s3;
	s6 =	simm.s32 @!p1 $0x1082;
	[sflag:s4] =	ssyncset.s32 $0xFFFFF086  }
0x25: {  	[simem:s6], [sflag:s4] =	dma.local [hbm:s3], $0xF7A  }
0x26: {  	[smem:$0x3F99] =	sst s1;
	(tag) =	ssettag s2;
	_ =	strace s9  }
0x27: {  	s1 =	sld [smem:$0x3FA9]  }
0x28: {  	s2 =	sld [smem:$0x3FAA]  }
0x29: {  	s4 =	sld [smem:$0x3FAC]  }
0x2a: {  	p0 =	seq.s32 s5, $0x0;
	s5 =	sld [smem:$0x3FAD]  }
0x2b: {  	s6 =	sld [smem:$0x3FAE]  }
0x2c: {  	s7 =	sld [smem:$0x3FAF]  }
0x2d: {  	s3 =	simm.s32 $0x108;
	s8 =	sld [smem:$0x3FB0]  }
0x2e: {  	s3 =	simm.s32 @!p0 $0x1082;
	s9 =	sld [smem:$0x3FB1]  }
0x2f: {  	lr =	sadd.s32 s0, s3;
	s0 =	sld [smem:$0x3FA8]  }
0x30: {  	s3 =	sld [smem:$0x3FAB]  }
0x31: {  	[smem:$0x3FB4] =	sst s10  }
0x32: {  	s10 =	sld [smem:$0x3FB2];
	_ =	sdelay $0x3  }
0x33: {  	p0 =	seq.s32 s10, $0x1;
	s10 =	sld [smem:$0x3FB4];
	_ =	sdelay $0x3  }
0x34: {  	[smem:$0x3FB4] =	sst s10  }
0x35: {  	s10 =	sld [smem:$0x3FB3];
	_ =	sdelay $0x3  }
0x36: {  	p1 =	seq.s32 s10, $0x1;
	s10 =	sld [smem:$0x3FB4];
	_ =	sdelay $0x3  }
0x37: {  	[smem:$0x3FB4] =	sst s10  }
0x38: {  	s10 =	sld [smem:$0x3FB5]  }
0x39: {  	_ = 	snop;
	(pc) =	sbr.ind lr, $3  }
0x3a: {  	_ = 	snop  }
0x3b: {  	_ = 	snop  }
0x3c: {  	p2 =	seq.s32 s10, $0x1;
	s10 =	sld [smem:$0x3FB4]  }
0x3d: {  	_ =	shalt  }
0x3e: {  	_ =	shalt  }
0x3f: {  	_ =	shalt  }
0x40: {  	_ =	shalt  }
0x41: {  	_ =	shalt  }
0x42: {  	_ =	shalt  }
0x43: {  	_ =	shalt  }
0x44: {  	_ =	shalt  }
0x45: {  	_ =	shalt  }
0x46: {  	_ =	shalt  }
0x47: {  	_ =	shalt  }
0x48: {  	_ =	shalt  }
0x49: {  	_ =	shalt  }
0x4a: {  	_ =	shalt  }
0x4b: {  	_ =	shalt  }
0x4c: {  	_ =	shalt  }
0x4d: {  	_ =	shalt  }
0x4e: {  	_ =	shalt  }
0x4f: {  	_ =	shalt  }
0x50: {  	_ =	shalt  }
0x51: {  	_ =	shalt  }
0x52: {  	_ =	shalt  }
0x53: {  	_ =	shalt  }
0x54: {  	_ =	shalt  }
0x55: {  	_ =	shalt  }
0x56: {  	_ =	shalt  }
0x57: {  	_ =	shalt  }
0x58: {  	_ =	shalt  }
0x59: {  	_ =	shalt  }
0x5a: {  	_ =	shalt  }
0x5b: {  	_ =	shalt  }
0x5c: {  	_ =	shalt  }
0x5d: {  	_ =	shalt  }
0x5e: {  	_ =	shalt  }
0x5f: {  	_ =	shalt  }
0x60: {  	_ =	shalt  }
0x61: {  	_ =	shalt  }
0x62: {  	_ =	shalt  }
0x63: {  	_ =	shalt  }
0x64: {  	_ =	shalt  }
0x65: {  	_ =	shalt  }
0x66: {  	_ =	shalt  }
0x67: {  	_ =	shalt  }
0x68: {  	_ =	shalt  }
0x69: {  	_ =	shalt  }
0x6a: {  	_ =	shalt  }
0x6b: {  	_ =	shalt  }
0x6c: {  	_ =	shalt  }
0x6d: {  	_ =	shalt  }
0x6e: {  	_ =	shalt  }
0x6f: {  	_ =	shalt  }
0x70: {  	_ =	shalt  }
0x71: {  	_ =	shalt  }
0x72: {  	_ =	shalt  }
0x73: {  	_ =	shalt  }
0x74: {  	_ =	shalt  }
0x75: {  	_ =	shalt  }
0x76: {  	_ =	shalt  }
0x77: {  	_ =	shalt  }
0x78: {  	_ =	shalt  }
0x79: {  	_ =	shalt  }
0x7a: {  	_ =	shalt  }
0x7b: {  	_ =	shalt  }
0x7c: {  	_ =	shalt  }
0x7d: {  	_ =	shalt  }
0x7e: {  	_ =	shalt  }
0x7f: {  	_ =	shalt  }
0x80: {  	_ =	shalt  }
0x81: {  	_ =	shalt  }
0x82: {  	_ =	shalt  }
0x83: {  	_ =	shalt  }
0x84: {  	_ =	shalt  }
0x85: {  	_ =	shalt  }
0x86: {  	_ =	shalt  }
0x87: {  	_ =	shalt  }
.Lfunc_end0:
.L_simem_size_0:
called_computation.4_lowered:
.L_overlay_start_0:
0x88: {  	s2 =	sld [smem:$0x3FD9]  }
0x89: {  	s3 =	sld [smem:$0x3FFE];
	_ =	sdelay $0x1  }
0x8a: {  	s1 =	srdreg.scid  }
0x8b: {  	s0 =	sand.u32 $0x1, s1  }
0x8c: {  	s17 =	sshll.u32 s0, $0xA;
	s2 =	sadd.s32 s3, s2  }
0x8d: {  	s2 =	sadd.s32 s2, s17  }
0x8e: {  	[smem:$0x3FC0] =	sst s2  }
0x8f: {  	_ = 	snop  }
0x90: {  	s2 =	sld [smem:$0x3FD0];
	(tm) =	ssettm $0x1  }
0x91: {  	s18 =	sld [smem:$0x3FFB];
	_ =	sdelay $0x3  }
0x92: {  	_ =	strace s18  }
0x93: {  	s3 =	sld [smem:$0x3FFC];
	_ =	sdelay $0x3  }
0x94: {  	_ =	strace s3  }
0x95: {  	s3 =	sld [smem:$0x3FFD];
	_ =	sdelay $0x3  }
0x96: {  	_ =	strace s3  }
0x97: {  	_ =	strace $0x8FFFFFFF  }
0x98: {  	s19 =	sld [smem:$0x3FDB];
	_ =	sdelay $0x1  }
0x99: {  	s4 =	simm.s32 $_scs_section_size  }
0x9a: {  	s5 =	simm.s32 $_size__tile_overlayer_lowered;
	s6 =	simm.s32 $_tile_overlayer_lowered  }
0x9b: {  	s22 =	simm.s32 $0x1BFF;
	s21 =	sshll.u32 s6, $0x1;
	s3 =	sadd.s32 s4, s19  }
0x9c: {  	s7 =	simm.s32 $0x0;
	s20 =	sshll.u32 s5, $0x1;
	s5 =	sadd.s32 s21, s3  }
0x9d: {  	[timem:s7], [sflag:s22] =	dma.local [hbm:s5], s20  }
0x9e: {  	_ =	swait.ge [sflag:s22], s20  }
0x9f: {  	s4 =	ssub.s32 $0x0, s20;
	[sflag:s22] =	ssyncset.done $0x0  }
0xa0: {  	[sflag:s22] =	ssyncadd.s32 s4;
	_ =	sdelay $0x1  }
0xa1: {  	s23 =	simm.s32 $0x1B8B  }
0xa2: {  	_ =	swait.ge [sflag:s23], $0x1  }
0xa3: {  	[sflag:s23] =	ssyncset.done $0x0  }
0xa4: {  	s25 =	simm.s32 $0x1B8E;
	s24 =	sld [smem:$0x3FFE];
	[sflag:s23] =	ssyncadd.s32 $0xFFFFFFFF  }
0xa5: {  	s26 =	simm.s32 $execute0_lowered;
	[smem:$0x3FD2] =	sst s25  }
0xa6: {  	s5 =	sshll.u32 s26, $0x1;
	_ =	strace $0x8000004F;
	[dreg:$0x1] =	wrdreg $0xFFFFFFFF  }
0xa7: {  	s28 =	simm.s32 $_size_execute0_lowered;
	s3 =	sadd.s32 s3, s5;
	[dreg:$0x0] =	wrdreg $0x0  }
0xa8: {  	s5 =	sshll.u32 s28, $0x1;
	[dreg:$0x2] =	wrdreg s3  }
0xa9: {  	[dreg:$0x3] =	wrdreg s5  }
0xaa: {  	[dreg:$0x4] =	wrdreg $0xC0  }
0xab: {  	_ =	task [dreg:s7], $0x5FFFF  }
0xac: {  	[dreg:$0x1] =	wrdreg $0xFFFFFFFF  }
0xad: {  	[dreg:$0x0] =	wrdreg $0x60  }
0xae: {  	[dreg:$0x2] =	wrdreg s24  }
0xaf: {  	[dreg:$0x3] =	wrdreg s2  }
0xb0: {  	[dreg:$0x4] =	wrdreg $0x41000  }
0xb1: {  	[dreg:$0x5] =	wrdreg $0xA  }
0xb2: {  	_ =	task.clear_ibuf [dreg:s7], $0x6FFFF;
	_ =	strace $0x9000004F  }
0xb3: {  	s29 =	simm.s32 $0xA;
	_ =	strace $0x80000051  }
0xb4: {  	_ =	swait.ge [sflag:s29], $0x1  }
0xb5: {  	[sflag:s29] =	ssyncadd.s32 $0xFFFFFFFF  }
0xb6: {  	_ =	strace $0x90000051  }
0xb7: {  	_ =	sfence  }
0xb8: {  	s30 =	sld [smem:$0x0];
	_ =	sdelay $0x2  }
0xb9: {  	s31 =	sshll.u32 s1, $0xD;
	s1 =	sshrl.u32 s1, $0x2  }
0xba: {  	s3 =	sand.u32 $0x4000, s31;
	s1 =	sadd.s32 s1, s30  }
0xbb: {  	s0 =	sor.u32 s3, s0;
	s1 =	sshll.u32 s1, $0x11  }
0xbc: {  	s0 =	sor.u32 s1, s0  }
0xbd: {  	s0 =	sadd.s32 $0x8F2B, s0  }
0xbe: {  	[sflag:s0] =	ssyncadd.remote.s32 $0x1  }
0xbf: {  	_ =	sfence.sel $0xFFFF  }
0xc0: {  	[dreg:$0x0] =	wrdreg $0xFFFFFFFF;
	(pc) =	sbr.abs _section_cstart, $3  }
0xc1: {  	[dreg:$0x1] =	wrdreg $0xFFFFFFFF  }
0xc2: {  	_ =	task.clear_ibuf [dreg:s7], $0x2FFFF;
	_ =	strace $0x9FFFFFFF  }
0xc3: {  	(tm) =	ssettm $0x7FFFFFFF  }
tec
execute0_lowered:
.L_overlay_start_1:
0x0: {  	(tag) =	ssettag $0x1  }
0x1: {  	s5 =	rddreg [dreg:$0x0]  }
0x2: {  	s10 =	rddreg [dreg:$0x1]  }
0x3: {  	s2 =	rddreg [dreg:$0x2]  }
0x4: {  	s0 =	rddreg [dreg:$0x3];
	s3 =	simm.s32 $0x0  }
0x5: {  	s1 =	stileid.u32;
	s4 =	srdreg.scid;
	s16 =	simm.s32 $0x100  }
0x6: {  	s17 =	simm.s32 $0x1;
	s18 =	simm.s32 $0x0;
	s6 =	smul.u32 $0x2800, s1  }
0x7: {  	[smem:$0x7FF] =	sst s3;
	s7 =	sand.u32 $0x1, s4;
	s12 =	smul.u32 $0x50000, s1  }
0x8: {  	s4 =	sadd.s32 $0xD5800, s5;
	s11 =	sadd.s32 $0x7BA00, s5;
	s30 =	smul.u32 $0x6A0, s1  }
0x9: {  	s29 =	sshll.u32 s1, $0x6;
	s31 =	smul.u32 $0x340, s1;
	_ =	strace $0x80000050  }
0xa: {  	s8 =	smul.u32 $0x28000, s7;
	s9 =	ssub.s32 $0x2, s7;
	p0 =	seq.s32 s7, $0x1  }
0xb: {  	s13 =	sadd.s32 s6, s5;
	s26 =	sshrl.u32 s9, $0x1;
	s28 =	sshrl.u32 s12, $0x2  }
0xc: {  	s6 =	sadd.s32 s6, s8;
	s8 =	ssub.s32 s9, s26;
	s15 =	sadd.s32 s28, s2  }
.Ltmp0:
0xd: {  	s9 =	sadd.s32 s30, s11;
	s11 =	sadd.s32 s31, s11;
	(pc) =	sbr.rel .LBB2_1-.Ltmp0, $4  }
0xe: {  	s14 =	sadd.s32 s6, s5;
	s5 =	sadd.s32 $0x3200, s13;
	s6 =	sor.u32 $0x1C02, s29  }
0xf: {  	s8 =	smax.u32 s8, $0x1;
	s13 =	sadd.s32 s31, s10;
	s10 =	sadd.s32 s30, s10  }
0x10: {  	s11 =	sadd.s32 $0x6A00, s11;
	s7 =	sadd.s32 $0x125800, s14;
	s12 =	sadd.s32 $0x6A00, s13  }
0x11: {  	s13 =	sshrl.u32 s15, $0x3;
	s14 =	simm.s32 $0x2;
	s15 =	simm.s32 $0x80  }
.LBB2_7:
0x12: {  	s20 =	sadd.s32 s19, s12;
	[sflag:s14] =	ssyncadd.s32 $0xFFFFC000  }
0x13: {  	[tilespmem:s3], [sflag:$0x2] =	stream.linear.gather [hbm4b:s20+s3], $0x80, $0x38;
	[tilespmem:$0x18100] =	vst v63  }
0x14: {  	_ =	swait.ge [sflag:s14], $0x80  }
0x15: {  	[sflag:s14] =	ssyncset.done $0x0  }
0x16: {  	s31 =	sadd.s32 s19, s11;
	[sflag:s14] =	ssyncadd.s32 $0xFFFFFF80  }
0x17: {  	[tilespmem:s15], [sflag:$0x2] =	stream.linear.gather [hbm4b:s31+s3], $0x80, $0x38;
	[tilespmem:$0x18100] =	vst v63  }
0x18: {  	_ =	swait.ge [sflag:s14], $0x80  }
0x19: {  	[sflag:s14] =	ssyncset.done $0x0  }
0x1a: {  	[sflag:s14] =	ssyncadd.s32 $0xFFFFFF80  }
0x1b: {  	[tilespmem:s16], [sflag:$0x1] =	stream.indirect.gather [hbm4b:s4+s15], $0x80, s3, s15, $0xb8;
	[tilespmem:$0x18100] =	vst v63  }
0x1c: {  	_ =	swait.ge [sflag:s17], $0x4000  }
0x1d: {  	[sflag:s17] =	ssyncset.done $0x0  }
0x1e: {  	[sflag:s17] =	ssyncadd.s32 $0xFFFFC000  }
0x1f: {  	[spmem:s2] =	stream.indirect.scatter.add.f32 [tilespmem:s16], [sflag:$0x2], $0x80, s15, s15, $0xb8;
	[tilespmem:$0x18100] =	vst v63  }
0x20: {  	_ =	swait.ge [sflag:s14], $0x4000  }
0x21: {  	[sflag:s14] =	ssyncset.done $0x0  }
0x22: {  	[sflag:s14] =	ssyncadd.s32 $0xFFFFC000  }
.LBB2_8:
0x23: {  	s18 =	sadd.s32 $0x1, s18  }
0x24: {  	p1 =	sne.s32 s18, s8  }
.Ltmp1:
0x25: {  	[bflag:$0x0] =	sbarrier.arrive $0xFFFF;
	(pc) =	sbr.rel @!p1 .LBB2_9-.Ltmp1, $4  }
0x26: {  	[hbm:s7], [sflag:s6] =	dma.local [spmem:s13], $0x2800  }
0x27: {  	_ =	swait.ge [sflag:s14], $0x2800  }
0x28: {  	[sflag:s14] =	ssyncset.done $0x0  }
0x29: {  	[sflag:s14] =	ssyncadd.s32 $0xFFFFD800  }
.LBB2_1:
0x2a: {  	[spmem:s13], [sflag:s6] =	dma.local [hbm:s5], $0x2800  }
.Ltmp2:
0x2b: {  	_ =	swait.ge [sflag:s14], $0x2800;
	(pc) =	sbr.rel @!p0 .LBB2_2-.Ltmp2, $3  }
0x2c: {  	[sflag:s14] =	ssyncset.done $0x0  }
0x2d: {  	[sflag:s14] =	ssyncadd.s32 $0xFFFFD800  }
0x2e: {  	[bflag:$0x0] =	sbarrier.arrive $0xFFFF;
	_ =	sdelay $0x1  }
0x2f: {  	s19 =	sadd.s32 $0x0, s12  }
0x30: {  	[tilespmem:s3], [sflag:$0x2] =	stream.linear.gather [hbm4b:s19+s3], $0x80, $0x38;
	[tilespmem:$0x18100] =	vst v63  }
0x31: {  	_ =	swait.ge [sflag:s14], $0x80  }
0x32: {  	[sflag:s14] =	ssyncset.done $0x0  }
0x33: {  	s31 =	sadd.s32 $0x0, s11;
	[sflag:s14] =	ssyncadd.s32 $0xFFFFFF80  }
0x34: {  	[tilespmem:s15], [sflag:$0x2] =	stream.linear.gather [hbm4b:s31+s3], $0x80, $0x38;
	[tilespmem:$0x18100] =	vst v63  }
0x35: {  	_ =	swait.ge [sflag:s14], $0x80  }
0x36: {  	[sflag:s14] =	ssyncset.done $0x0  }
0x37: {  	[sflag:s14] =	ssyncadd.s32 $0xFFFFFF80  }
0x38: {  	[tilespmem:s16], [sflag:$0x1] =	stream.indirect.gather [hbm4b:s4+s15], $0x80, s3, s15, $0xb8;
	[tilespmem:$0x18100] =	vst v63  }
0x39: {  	_ =	swait.ge [sflag:s17], $0x4000  }
0x3a: {  	[sflag:s17] =	ssyncset.done $0x0  }
0x3b: {  	[sflag:s17] =	ssyncadd.s32 $0xFFFFC000  }
0x3c: {  	[spmem:s2] =	stream.indirect.scatter.add.f32 [tilespmem:s16], [sflag:$0x2], $0x80, s15, s15, $0xb8;
	[tilespmem:$0x18100] =	vst v63  }
0x3d: {  	_ =	swait.ge [sflag:s14], $0x4000  }
0x3e: {  	s20 =	simm.s32 $0x20;
	s19 =	simm.s32 $0x10;
	[sflag:s14] =	ssyncset.done $0x0  }
.LBB2_6:
0x3f: {  	s21 =	sadd.s32 s19, s12  }
0x40: {  	[sflag:s14] =	ssyncadd.s32 $0xFFFFC000;
	s22 =	smov.u32 s20;
	s23 =	sadd.s32 $0x10, s20  }
0x41: {  	[tilespmem:s3], [sflag:$0x2] =	stream.linear.gather [hbm4b:s21+s3], $0x80, $0x38;
	[tilespmem:$0x18100] =	vst v63  }
0x42: {  	p1 =	sne.s32 s20, $0x330;
	_ =	swait.ge [sflag:s14], $0x80  }
0x43: {  	[sflag:s14] =	ssyncset.done $0x0  }
0x44: {  	s20 =	sadd.s32 s19, s11;
	s19 =	smov.u32 s22;
	[sflag:s14] =	ssyncadd.s32 $0xFFFFFF80  }
0x45: {  	[tilespmem:s15], [sflag:$0x2] =	stream.linear.gather [hbm4b:s20+s3], $0x80, $0x38;
	[tilespmem:$0x18100] =	vst v63  }
0x46: {  	_ =	swait.ge [sflag:s14], $0x80  }
0x47: {  	[sflag:s14] =	ssyncset.done $0x0  }
0x48: {  	[sflag:s14] =	ssyncadd.s32 $0xFFFFFF80  }
0x49: {  	[tilespmem:s16], [sflag:$0x1] =	stream.indirect.gather [hbm4b:s4+s15], $0x80, s3, s15, $0xb8;
	[tilespmem:$0x18100] =	vst v63  }
0x4a: {  	_ =	swait.ge [sflag:s17], $0x4000  }
.Ltmp3:
0x4b: {  	[sflag:s17] =	ssyncset.done $0x0;
	(pc) =	sbr.rel @p1 .LBB2_6-.Ltmp3, $4  }
0x4c: {  	[sflag:s17] =	ssyncadd.s32 $0xFFFFC000  }
0x4d: {  	[spmem:s2] =	stream.indirect.scatter.add.f32 [tilespmem:s16], [sflag:$0x2], $0x80, s15, s15, $0xb8;
	[tilespmem:$0x18100] =	vst v63  }
0x4e: {  	_ =	swait.ge [sflag:s14], $0x4000  }
0x4f: {  	s20 =	smov.u32 s23;
	[sflag:s14] =	ssyncset.done $0x0  }
.Ltmp4:
0x50: {  	_ = 	snop;
	(pc) =	sbr.rel .LBB2_7-.Ltmp4, $1  }
0x51: {  	_ =	sdelay $0x3  }
.LBB2_2:
0x52: {  	s19 =	sadd.s32 $0x0, s10  }
0x53: {  	[tilespmem:s3], [sflag:$0x2] =	stream.linear.gather [hbm4b:s19+s3], $0x80, $0x38;
	[tilespmem:$0x18100] =	vst v63  }
0x54: {  	_ =	swait.ge [sflag:s14], $0x80  }
0x55: {  	[sflag:s14] =	ssyncset.done $0x0  }
0x56: {  	s31 =	sadd.s32 $0x0, s9;
	[sflag:s14] =	ssyncadd.s32 $0xFFFFFF80  }
0x57: {  	[tilespmem:s15], [sflag:$0x2] =	stream.linear.gather [hbm4b:s31+s3], $0x80, $0x38;
	[tilespmem:$0x18100] =	vst v63  }
0x58: {  	_ =	swait.ge [sflag:s14], $0x80  }
0x59: {  	[sflag:s14] =	ssyncset.done $0x0  }
0x5a: {  	[sflag:s14] =	ssyncadd.s32 $0xFFFFFF80  }
0x5b: {  	[tilespmem:s16], [sflag:$0x1] =	stream.indirect.gather [hbm4b:s4+s15], $0x80, s3, s15, $0xb8;
	[tilespmem:$0x18100] =	vst v63  }
0x5c: {  	_ =	swait.ge [sflag:s17], $0x4000  }
0x5d: {  	[sflag:s17] =	ssyncset.done $0x0  }
0x5e: {  	[sflag:s17] =	ssyncadd.s32 $0xFFFFC000  }
0x5f: {  	[spmem:s2] =	stream.indirect.scatter.add.f32 [tilespmem:s16], [sflag:$0x2], $0x80, s15, s15, $0xb8;
	[tilespmem:$0x18100] =	vst v63  }
0x60: {  	_ =	swait.ge [sflag:s14], $0x4000  }
0x61: {  	s20 =	simm.s32 $0x20;
	s19 =	simm.s32 $0x10;
	[sflag:s14] =	ssyncset.done $0x0  }
.LBB2_3:
0x62: {  	s21 =	sadd.s32 s19, s10  }
0x63: {  	[sflag:s14] =	ssyncadd.s32 $0xFFFFC000;
	s22 =	smov.u32 s20;
	s23 =	sadd.s32 $0x10, s20  }
0x64: {  	[tilespmem:s3], [sflag:$0x2] =	stream.linear.gather [hbm4b:s21+s3], $0x80, $0x38;
	[tilespmem:$0x18100] =	vst v63  }
0x65: {  	p1 =	seq.s32 s20, $0x690;
	_ =	swait.ge [sflag:s14], $0x80  }
0x66: {  	[sflag:s14] =	ssyncset.done $0x0  }
0x67: {  	s20 =	sadd.s32 s19, s9;
	s19 =	smov.u32 s22;
	[sflag:s14] =	ssyncadd.s32 $0xFFFFFF80  }
0x68: {  	[tilespmem:s15], [sflag:$0x2] =	stream.linear.gather [hbm4b:s20+s3], $0x80, $0x38;
	[tilespmem:$0x18100] =	vst v63  }
0x69: {  	_ =	swait.ge [sflag:s14], $0x80  }
0x6a: {  	[sflag:s14] =	ssyncset.done $0x0  }
0x6b: {  	[sflag:s14] =	ssyncadd.s32 $0xFFFFFF80  }
0x6c: {  	[tilespmem:s16], [sflag:$0x1] =	stream.indirect.gather [hbm4b:s4+s15], $0x80, s3, s15, $0xb8;
	[tilespmem:$0x18100] =	vst v63  }
0x6d: {  	_ =	swait.ge [sflag:s17], $0x4000  }
.Ltmp5:
0x6e: {  	[sflag:s17] =	ssyncset.done $0x0;
	(pc) =	sbr.rel @!p1 .LBB2_3-.Ltmp5, $4  }
0x6f: {  	[sflag:s17] =	ssyncadd.s32 $0xFFFFC000  }
0x70: {  	[spmem:s2] =	stream.indirect.scatter.add.f32 [tilespmem:s16], [sflag:$0x2], $0x80, s15, s15, $0xb8;
	[tilespmem:$0x18100] =	vst v63  }
0x71: {  	_ =	swait.ge [sflag:s14], $0x4000  }
0x72: {  	s20 =	smov.u32 s23;
	[sflag:s14] =	ssyncset.done $0x0  }
0x73: {  	s20 =	sadd.s32 s19, s10;
	[sflag:s14] =	ssyncadd.s32 $0xFFFFC000  }
0x74: {  	[tilespmem:s3], [sflag:$0x2] =	stream.linear.gather [hbm4b:s20+s3], $0x80, $0x38;
	[tilespmem:$0x18100] =	vst v63  }
0x75: {  	_ =	swait.ge [sflag:s14], $0x80  }
0x76: {  	[sflag:s14] =	ssyncset.done $0x0  }
0x77: {  	s31 =	sadd.s32 s19, s9;
	[sflag:s14] =	ssyncadd.s32 $0xFFFFFF80  }
0x78: {  	[tilespmem:s15], [sflag:$0x2] =	stream.linear.gather [hbm4b:s31+s3], $0x80, $0x38;
	[tilespmem:$0x18100] =	vst v63  }
0x79: {  	_ =	swait.ge [sflag:s14], $0x80  }
0x7a: {  	[sflag:s14] =	ssyncset.done $0x0  }
0x7b: {  	[sflag:s14] =	ssyncadd.s32 $0xFFFFFF80  }
0x7c: {  	[tilespmem:s16], [sflag:$0x1] =	stream.indirect.gather [hbm4b:s4+s15], $0x80, s3, s15, $0xb8;
	[tilespmem:$0x18100] =	vst v63  }
0x7d: {  	_ =	swait.ge [sflag:s17], $0x4000  }
0x7e: {  	[sflag:s17] =	ssyncset.done $0x0  }
.Ltmp6:
0x7f: {  	[sflag:s17] =	ssyncadd.s32 $0xFFFFC000;
	(pc) =	sbr.rel .LBB2_8-.Ltmp6, $4  }
0x80: {  	[spmem:s2] =	stream.indirect.scatter.add.f32 [tilespmem:s16], [sflag:$0x2], $0x80, s15, s15, $0xb8;
	[tilespmem:$0x18100] =	vst v63  }
0x81: {  	_ =	swait.ge [sflag:s14], $0x4000  }
0x82: {  	[sflag:s14] =	ssyncset.done $0x0  }
0x83: {  	[sflag:s14] =	ssyncadd.s32 $0xFFFFC000  }
.LBB2_9:
0x84: {  	_ =	sfence.sel $0x180000  }
0x85: {  	[bflag:$0x0] =	sbarrier.arrive $0xFFFF  }
0x86: {  	p0 =	sne.s32 s1, $0x0;
	_ =	strace $0x90000050  }
0x87: {  	s0 =	sadd.s32 @!p0 $0x100000, s0;
	[bflag:$0x2] =	sbarrier.arrive $0xFFFF  }
0x88: {  	[sflag:s0] =	ssyncadd.tile.s32 @!p0 $0x1;
	_ =	shalt  }
.Lfunc_end2:
_tile_overlayer_lowered:
.L_overlay_start_2:
0x89: {  	(tag) =	ssettag $0x2  }
0x8a: {  	s0 =	rddreg [dreg:$0x0];
	s2 =	stileid.u32  }
0x8b: {  	s1 =	rddreg [dreg:$0x1];
	p0 =	sne.s32 s2, $0x0  }
0x8c: {  	s3 =	rddreg [dreg:$0x2];
	[bflag:$0x3] =	sbarrier.arrive $0xFFFF;
	s2 =	simm.s32 @!p0 $0x1C02  }
0x8d: {  	[timem:s3], [sflag:s2] =	dma.local @!p0 [hbm:s0], s1  }
0x8e: {  	s0 =	simm.s32 @!p0 $0x2  }
0x8f: {  	_ =	swait.ge @!p0 [sflag:s0], s1  }
0x90: {  	s1 =	ssub.s32 @!p0 $0x0, s1;
	[sflag:s0] =	ssyncset.done @!p0 $0x0  }
0x91: {  	[sflag:s0] =	ssyncadd.s32 @!p0 s1  }
0x92: {  	[bflag:$0x3] =	sbarrier.arrive $0xFFFF  }
0x93: {  	_ =	shalt  }

// kernel: kernel.27.cloned.1.call-start
scs
__scs_entry_jumppad:
0x0: {  	(pc) =	sbr.rel $0x88, $3  }
0x1: {  	(tag) =	ssettag $0x0;
	lr =	simm.s32 $0x1  }
0x2: {  	[smem:$0x3F99] =	sst lr;
	_ =	strace $0xD0000000  }
0x3: {  	_ = 	snop  }
0x4: {  	_ = 	snop  }
0x5: {  	_ = 	snop  }
0x6: {  	_ = 	snop  }
0x7: {  	_ = 	snop  }
__scs_overlays_trampoline_lowered:
0x8: {  	[smem:$0x3FA8] =	sst s0  }
0x9: {  	[smem:$0x3FA9] =	sst s1  }
0xa: {  	[smem:$0x3FAA] =	sst s2  }
0xb: {  	[smem:$0x3FAB] =	sst s3  }
0xc: {  	[smem:$0x3FAC] =	sst s4  }
0xd: {  	[smem:$0x3FAD] =	sst s5  }
0xe: {  	[smem:$0x3FAE] =	sst s6  }
0xf: {  	[smem:$0x3FAF] =	sst s7  }
0x10: {  	[smem:$0x3FB0] =	sst s8  }
0x11: {  	[smem:$0x3FB1] =	sst s9;
	s0 =	simm.s32 @!p0 $0x0  }
0x12: {  	s1 =	sld [smem:$0x3F97];
	s0 =	simm.s32 @p0 $0x1  }
0x13: {  	[smem:$0x3FB2] =	sst s0;
	s0 =	simm.s32 @!p1 $0x0  }
0x14: {  	s2 =	sld [smem:$0x3F96];
	s0 =	simm.s32 @p1 $0x1  }
0x15: {  	[smem:$0x3FB3] =	sst s0;
	s0 =	simm.s32 @!p2 $0x0  }
0x16: {  	s3 =	sld [smem:$0x3FDB];
	s0 =	simm.s32 @p2 $0x1  }
0x17: {  	s4 =	simm.s32 $0x1BF5;
	[smem:$0x3FB5] =	sst s0  }
0x18: {  	s0 =	sld [smem:$0x3F98];
	_ =	swait.ge [sflag:s4], $0x0  }
0x19: {  	s7 =	sld [smem:$0x3F99]  }
0x1a: {  	s8 =	sadd.s32 $0xFFFFE003, lr  }
0x1b: {  	s9 =	sadd.s32 $0xFFFFFEF7, lr;
	s5 =	simm.s32 $0xFFFFFFFF;
	p2 =	slt.u32 s8, $0xFFFFF086  }
0x1c: {  	p1 =	slt.u32 s9, $0xF7A;
	s5 =	simm.s32 @!p2 $0x0  }
0x1d: {  	s5 =	simm.s32 @p1 $0x1;
	p0 =	seq.s32 s7, s2  }
0x1e: {  	s7 =	smul.u32 @!p0 $0xF7A, s2;
	p2 =	seq.s32 @!p0 s5, $0x0  }
0x1f: {  	s9 =	smul.u32 $0xF7A, s1;
	s8 =	simm.s32 @!p0 $0x1BF5;
	p2 =	por !p2, p0  }
0x20: {  	[sflag:s8] =	ssyncset.s32 @!p0 $0xFFFFF086;
	s6 =	sadd.s32 @!p0 s3, s7;
	s7 =	simm.s32 @!p0 $0x108  }
0x21: {  	s3 =	sadd.s32 s3, s9;
	s6 =	sadd.s32 @!p0 $0x88, s6;
	s7 =	simm.s32 @p2 $0x1082  }
0x22: {  	[simem:s7], [sflag:s8] =	dma.local @!p0 [hbm:s6], $0xF7A  }
0x23: {  	s9 =	sor.u32 $0xD0000000, s2;
	s6 =	simm.s32 $0x108;
	_ =	swait.ge @!p0 [sflag:s8], $0x0  }
0x24: {  	s3 =	sadd.s32 $0x88, s3;
	s6 =	simm.s32 @!p1 $0x1082;
	[sflag:s4] =	ssyncset.s32 $0xFFFFF086  }
0x25: {  	[simem:s6], [sflag:s4] =	dma.local [hbm:s3], $0xF7A  }
0x26: {  	[smem:$0x3F99] =	sst s1;
	(tag) =	ssettag s2;
	_ =	strace s9  }
0x27: {  	s1 =	sld [smem:$0x3FA9]  }
0x28: {  	s2 =	sld [smem:$0x3FAA]  }
0x29: {  	s4 =	sld [smem:$0x3FAC]  }
0x2a: {  	p0 =	seq.s32 s5, $0x0;
	s5 =	sld [smem:$0x3FAD]  }
0x2b: {  	s6 =	sld [smem:$0x3FAE]  }
0x2c: {  	s7 =	sld [smem:$0x3FAF]  }
0x2d: {  	s3 =	simm.s32 $0x108;
	s8 =	sld [smem:$0x3FB0]  }
0x2e: {  	s3 =	simm.s32 @!p0 $0x1082;
	s9 =	sld [smem:$0x3FB1]  }
0x2f: {  	lr =	sadd.s32 s0, s3;
	s0 =	sld [smem:$0x3FA8]  }
0x30: {  	s3 =	sld [smem:$0x3FAB]  }
0x31: {  	[smem:$0x3FB4] =	sst s10  }
0x32: {  	s10 =	sld [smem:$0x3FB2];
	_ =	sdelay $0x3  }
0x33: {  	p0 =	seq.s32 s10, $0x1;
	s10 =	sld [smem:$0x3FB4];
	_ =	sdelay $0x3  }
0x34: {  	[smem:$0x3FB4] =	sst s10  }
0x35: {  	s10 =	sld [smem:$0x3FB3];
	_ =	sdelay $0x3  }
0x36: {  	p1 =	seq.s32 s10, $0x1;
	s10 =	sld [smem:$0x3FB4];
	_ =	sdelay $0x3  }
0x37: {  	[smem:$0x3FB4] =	sst s10  }
0x38: {  	s10 =	sld [smem:$0x3FB5]  }
0x39: {  	_ = 	snop;
	(pc) =	sbr.ind lr, $3  }
0x3a: {  	_ = 	snop  }
0x3b: {  	_ = 	snop  }
0x3c: {  	p2 =	seq.s32 s10, $0x1;
	s10 =	sld [smem:$0x3FB4]  }
0x3d: {  	_ =	shalt  }
0x3e: {  	_ =	shalt  }
0x3f: {  	_ =	shalt  }
0x40: {  	_ =	shalt  }
0x41: {  	_ =	shalt  }
0x42: {  	_ =	shalt  }
0x43: {  	_ =	shalt  }
0x44: {  	_ =	shalt  }
0x45: {  	_ =	shalt  }
0x46: {  	_ =	shalt  }
0x47: {  	_ =	shalt  }
0x48: {  	_ =	shalt  }
0x49: {  	_ =	shalt  }
0x4a: {  	_ =	shalt  }
0x4b: {  	_ =	shalt  }
0x4c: {  	_ =	shalt  }
0x4d: {  	_ =	shalt  }
0x4e: {  	_ =	shalt  }
0x4f: {  	_ =	shalt  }
0x50: {  	_ =	shalt  }
0x51: {  	_ =	shalt  }
0x52: {  	_ =	shalt  }
0x53: {  	_ =	shalt  }
0x54: {  	_ =	shalt  }
0x55: {  	_ =	shalt  }
0x56: {  	_ =	shalt  }
0x57: {  	_ =	shalt  }
0x58: {  	_ =	shalt  }
0x59: {  	_ =	shalt  }
0x5a: {  	_ =	shalt  }
0x5b: {  	_ =	shalt  }
0x5c: {  	_ =	shalt  }
0x5d: {  	_ =	shalt  }
0x5e: {  	_ =	shalt  }
0x5f: {  	_ =	shalt  }
0x60: {  	_ =	shalt  }
0x61: {  	_ =	shalt  }
0x62: {  	_ =	shalt  }
0x63: {  	_ =	shalt  }
0x64: {  	_ =	shalt  }
0x65: {  	_ =	shalt  }
0x66: {  	_ =	shalt  }
0x67: {  	_ =	shalt  }
0x68: {  	_ =	shalt  }
0x69: {  	_ =	shalt  }
0x6a: {  	_ =	shalt  }
0x6b: {  	_ =	shalt  }
0x6c: {  	_ =	shalt  }
0x6d: {  	_ =	shalt  }
0x6e: {  	_ =	shalt  }
0x6f: {  	_ =	shalt  }
0x70: {  	_ =	shalt  }
0x71: {  	_ =	shalt  }
0x72: {  	_ =	shalt  }
0x73: {  	_ =	shalt  }
0x74: {  	_ =	shalt  }
0x75: {  	_ =	shalt  }
0x76: {  	_ =	shalt  }
0x77: {  	_ =	shalt  }
0x78: {  	_ =	shalt  }
0x79: {  	_ =	shalt  }
0x7a: {  	_ =	shalt  }
0x7b: {  	_ =	shalt  }
0x7c: {  	_ =	shalt  }
0x7d: {  	_ =	shalt  }
0x7e: {  	_ =	shalt  }
0x7f: {  	_ =	shalt  }
0x80: {  	_ =	shalt  }
0x81: {  	_ =	shalt  }
0x82: {  	_ =	shalt  }
0x83: {  	_ =	shalt  }
0x84: {  	_ =	shalt  }
0x85: {  	_ =	shalt  }
0x86: {  	_ =	shalt  }
0x87: {  	_ =	shalt  }
.Lfunc_end0:
.L_simem_size_0:
called_computation.5_lowered:
.L_overlay_start_0:
0x88: {  	s2 =	sld [smem:$0x3FD9]  }
0x89: {  	s3 =	sld [smem:$0x3FFE];
	_ =	sdelay $0x1  }
0x8a: {  	s1 =	srdreg.scid  }
0x8b: {  	s0 =	sand.u32 $0x1, s1  }
0x8c: {  	s17 =	sshll.u32 s0, $0xA;
	s2 =	sadd.s32 s3, s2  }
0x8d: {  	s2 =	sadd.s32 s2, s17  }
0x8e: {  	[smem:$0x3FC0] =	sst s2  }
0x8f: {  	_ = 	snop  }
0x90: {  	s2 =	sld [smem:$0x3FD0];
	(tm) =	ssettm $0x1  }
0x91: {  	s18 =	sld [smem:$0x3FFB];
	_ =	sdelay $0x3  }
0x92: {  	_ =	strace s18  }
0x93: {  	s3 =	sld [smem:$0x3FFC];
	_ =	sdelay $0x3  }
0x94: {  	_ =	strace s3  }
0x95: {  	s3 =	sld [smem:$0x3FFD];
	_ =	sdelay $0x3  }
0x96: {  	_ =	strace s3  }
0x97: {  	_ =	strace $0x8FFFFFFF  }
0x98: {  	s19 =	sld [smem:$0x3FDB];
	_ =	sdelay $0x1  }
0x99: {  	s4 =	simm.s32 $_scs_section_size  }
0x9a: {  	s5 =	simm.s32 $_size__tile_overlayer_lowered;
	s6 =	simm.s32 $_tile_overlayer_lowered  }
0x9b: {  	s22 =	simm.s32 $0x1BFF;
	s21 =	sshll.u32 s6, $0x1;
	s3 =	sadd.s32 s4, s19  }
0x9c: {  	s7 =	simm.s32 $0x0;
	s20 =	sshll.u32 s5, $0x1;
	s5 =	sadd.s32 s21, s3  }
0x9d: {  	[timem:s7], [sflag:s22] =	dma.local [hbm:s5], s20  }
0x9e: {  	_ =	swait.ge [sflag:s22], s20  }
0x9f: {  	s4 =	ssub.s32 $0x0, s20;
	[sflag:s22] =	ssyncset.done $0x0  }
0xa0: {  	[sflag:s22] =	ssyncadd.s32 s4;
	_ =	sdelay $0x1  }
0xa1: {  	s23 =	simm.s32 $0x1B8B  }
0xa2: {  	_ =	swait.ge [sflag:s23], $0x1  }
0xa3: {  	[sflag:s23] =	ssyncset.done $0x0  }
0xa4: {  	s25 =	simm.s32 $0x1B8E;
	s24 =	sld [smem:$0x3FFE];
	[sflag:s23] =	ssyncadd.s32 $0xFFFFFFFF  }
0xa5: {  	s26 =	simm.s32 $execute0_lowered;
	[smem:$0x3FD2] =	sst s25  }
0xa6: {  	s5 =	sshll.u32 s26, $0x1;
	_ =	strace $0x80000055;
	[dreg:$0x1] =	wrdreg $0xFFFFFFFF  }
0xa7: {  	s28 =	simm.s32 $_size_execute0_lowered;
	s3 =	sadd.s32 s3, s5;
	[dreg:$0x0] =	wrdreg $0x0  }
0xa8: {  	s5 =	sshll.u32 s28, $0x1;
	[dreg:$0x2] =	wrdreg s3  }
0xa9: {  	[dreg:$0x3] =	wrdreg s5  }
0xaa: {  	[dreg:$0x4] =	wrdreg $0xC0  }
0xab: {  	_ =	task [dreg:s7], $0x5FFFF  }
0xac: {  	[dreg:$0x1] =	wrdreg $0xFFFFFFFF  }
0xad: {  	[dreg:$0x0] =	wrdreg $0x60  }
0xae: {  	[dreg:$0x2] =	wrdreg s24  }
0xaf: {  	[dreg:$0x3] =	wrdreg s2  }
0xb0: {  	[dreg:$0x4] =	wrdreg $0x41000  }
0xb1: {  	[dreg:$0x5] =	wrdreg $0x9  }
0xb2: {  	_ =	task.clear_ibuf [dreg:s7], $0x6FFFF;
	_ =	strace $0x90000055  }
0xb3: {  	s29 =	simm.s32 $0x9;
	_ =	strace $0x80000057  }
0xb4: {  	_ =	swait.ge [sflag:s29], $0x1  }
0xb5: {  	[sflag:s29] =	ssyncadd.s32 $0xFFFFFFFF  }
0xb6: {  	_ =	strace $0x90000057  }
0xb7: {  	_ =	sfence  }
0xb8: {  	s30 =	sld [smem:$0x0];
	_ =	sdelay $0x2  }
0xb9: {  	s31 =	sshll.u32 s1, $0xD;
	s1 =	sshrl.u32 s1, $0x2  }
0xba: {  	s3 =	sand.u32 $0x4000, s31;
	s1 =	sadd.s32 s1, s30  }
0xbb: {  	s0 =	sor.u32 s3, s0;
	s1 =	sshll.u32 s1, $0x11  }
0xbc: {  	s0 =	sor.u32 s1, s0  }
0xbd: {  	s0 =	sadd.s32 $0x8F2B, s0  }
0xbe: {  	[sflag:s0] =	ssyncadd.remote.s32 $0x1  }
0xbf: {  	_ =	sfence.sel $0xFFFF  }
0xc0: {  	[dreg:$0x0] =	wrdreg $0xFFFFFFFF;
	(pc) =	sbr.abs _section_cstart, $3  }
0xc1: {  	[dreg:$0x1] =	wrdreg $0xFFFFFFFF  }
0xc2: {  	_ =	task.clear_ibuf [dreg:s7], $0x2FFFF;
	_ =	strace $0x9FFFFFFF  }
0xc3: {  	(tm) =	ssettm $0x7FFFFFFF  }
tec
execute0_lowered:
.L_overlay_start_1:
0x0: {  	(tag) =	ssettag $0x1  }
0x1: {  	s5 =	rddreg [dreg:$0x0]  }
0x2: {  	s10 =	rddreg [dreg:$0x1]  }
0x3: {  	s2 =	rddreg [dreg:$0x2]  }
0x4: {  	s0 =	rddreg [dreg:$0x3];
	s3 =	simm.s32 $0x0  }
0x5: {  	s1 =	stileid.u32;
	s4 =	srdreg.scid;
	s16 =	simm.s32 $0x100  }
0x6: {  	s17 =	simm.s32 $0x1;
	s18 =	simm.s32 $0x0;
	s6 =	smul.u32 $0x2800, s1  }
0x7: {  	[smem:$0x7FF] =	sst s3;
	s7 =	sand.u32 $0x1, s4;
	s12 =	smul.u32 $0x50000, s1  }
0x8: {  	s4 =	sadd.s32 $0x2B200, s5;
	s11 =	sadd.s32 $0x7BA00, s5;
	s30 =	smul.u32 $0x6A0, s1  }
0x9: {  	s29 =	sshll.u32 s1, $0x6;
	s31 =	smul.u32 $0x340, s1;
	_ =	strace $0x80000056  }
0xa: {  	s8 =	smul.u32 $0x28000, s7;
	s9 =	ssub.s32 $0x2, s7;
	p0 =	seq.s32 s7, $0x1  }
0xb: {  	s13 =	sadd.s32 s6, s5;
	s26 =	sshrl.u32 s9, $0x1;
	s28 =	sshrl.u32 s12, $0x2  }
0xc: {  	s6 =	sadd.s32 s6, s8;
	s8 =	ssub.s32 s9, s26;
	s15 =	sadd.s32 s28, s2  }
.Ltmp0:
0xd: {  	s9 =	sadd.s32 s30, s11;
	s11 =	sadd.s32 s31, s11;
	(pc) =	sbr.rel .LBB2_1-.Ltmp0, $4  }
0xe: {  	s14 =	sadd.s32 s6, s5;
	s5 =	sadd.s32 $0x3200, s13;
	s6 =	sor.u32 $0x1C02, s29  }
0xf: {  	s8 =	smax.u32 s8, $0x1;
	s13 =	sadd.s32 s31, s10;
	s10 =	sadd.s32 s30, s10  }
0x10: {  	s11 =	sadd.s32 $0x6A00, s11;
	s7 =	sadd.s32 $0xD5800, s14;
	s12 =	sadd.s32 $0x6A00, s13  }
0x11: {  	s13 =	sshrl.u32 s15, $0x3;
	s14 =	simm.s32 $0x2;
	s15 =	simm.s32 $0x80  }
.LBB2_7:
0x12: {  	s20 =	sadd.s32 s19, s12;
	[sflag:s14] =	ssyncadd.s32 $0xFFFFC000  }
0x13: {  	[tilespmem:s3], [sflag:$0x2] =	stream.linear.gather [hbm4b:s20+s3], $0x80, $0x38;
	[tilespmem:$0x18100] =	vst v63  }
0x14: {  	_ =	swait.ge [sflag:s14], $0x80  }
0x15: {  	[sflag:s14] =	ssyncset.done $0x0  }
0x16: {  	s31 =	sadd.s32 s19, s11;
	[sflag:s14] =	ssyncadd.s32 $0xFFFFFF80  }
0x17: {  	[tilespmem:s15], [sflag:$0x2] =	stream.linear.gather [hbm4b:s31+s3], $0x80, $0x38;
	[tilespmem:$0x18100] =	vst v63  }
0x18: {  	_ =	swait.ge [sflag:s14], $0x80  }
0x19: {  	[sflag:s14] =	ssyncset.done $0x0  }
0x1a: {  	[sflag:s14] =	ssyncadd.s32 $0xFFFFFF80  }
0x1b: {  	[tilespmem:s16], [sflag:$0x1] =	stream.indirect.gather [hbm4b:s4+s15], $0x80, s3, s15, $0xb8;
	[tilespmem:$0x18100] =	vst v63  }
0x1c: {  	_ =	swait.ge [sflag:s17], $0x4000  }
0x1d: {  	[sflag:s17] =	ssyncset.done $0x0  }
0x1e: {  	[sflag:s17] =	ssyncadd.s32 $0xFFFFC000  }
0x1f: {  	[spmem:s2] =	stream.indirect.scatter.add.f32 [tilespmem:s16], [sflag:$0x2], $0x80, s15, s15, $0xb8;
	[tilespmem:$0x18100] =	vst v63  }
0x20: {  	_ =	swait.ge [sflag:s14], $0x4000  }
0x21: {  	[sflag:s14] =	ssyncset.done $0x0  }
0x22: {  	[sflag:s14] =	ssyncadd.s32 $0xFFFFC000  }
.LBB2_8:
0x23: {  	s18 =	sadd.s32 $0x1, s18  }
0x24: {  	p1 =	sne.s32 s18, s8  }
.Ltmp1:
0x25: {  	[bflag:$0x0] =	sbarrier.arrive $0xFFFF;
	(pc) =	sbr.rel @!p1 .LBB2_9-.Ltmp1, $4  }
0x26: {  	[hbm:s7], [sflag:s6] =	dma.local [spmem:s13], $0x2800  }
0x27: {  	_ =	swait.ge [sflag:s14], $0x2800  }
0x28: {  	[sflag:s14] =	ssyncset.done $0x0  }
0x29: {  	[sflag:s14] =	ssyncadd.s32 $0xFFFFD800  }
.LBB2_1:
0x2a: {  	[spmem:s13], [sflag:s6] =	dma.local [hbm:s5], $0x2800  }
.Ltmp2:
0x2b: {  	_ =	swait.ge [sflag:s14], $0x2800;
	(pc) =	sbr.rel @!p0 .LBB2_2-.Ltmp2, $3  }
0x2c: {  	[sflag:s14] =	ssyncset.done $0x0  }
0x2d: {  	[sflag:s14] =	ssyncadd.s32 $0xFFFFD800  }
0x2e: {  	[bflag:$0x0] =	sbarrier.arrive $0xFFFF;
	_ =	sdelay $0x1  }
0x2f: {  	s19 =	sadd.s32 $0x0, s12  }
0x30: {  	[tilespmem:s3], [sflag:$0x2] =	stream.linear.gather [hbm4b:s19+s3], $0x80, $0x38;
	[tilespmem:$0x18100] =	vst v63  }
0x31: {  	_ =	swait.ge [sflag:s14], $0x80  }
0x32: {  	[sflag:s14] =	ssyncset.done $0x0  }
0x33: {  	s31 =	sadd.s32 $0x0, s11;
	[sflag:s14] =	ssyncadd.s32 $0xFFFFFF80  }
0x34: {  	[tilespmem:s15], [sflag:$0x2] =	stream.linear.gather [hbm4b:s31+s3], $0x80, $0x38;
	[tilespmem:$0x18100] =	vst v63  }
0x35: {  	_ =	swait.ge [sflag:s14], $0x80  }
0x36: {  	[sflag:s14] =	ssyncset.done $0x0  }
0x37: {  	[sflag:s14] =	ssyncadd.s32 $0xFFFFFF80  }
0x38: {  	[tilespmem:s16], [sflag:$0x1] =	stream.indirect.gather [hbm4b:s4+s15], $0x80, s3, s15, $0xb8;
	[tilespmem:$0x18100] =	vst v63  }
0x39: {  	_ =	swait.ge [sflag:s17], $0x4000  }
0x3a: {  	[sflag:s17] =	ssyncset.done $0x0  }
0x3b: {  	[sflag:s17] =	ssyncadd.s32 $0xFFFFC000  }
0x3c: {  	[spmem:s2] =	stream.indirect.scatter.add.f32 [tilespmem:s16], [sflag:$0x2], $0x80, s15, s15, $0xb8;
	[tilespmem:$0x18100] =	vst v63  }
0x3d: {  	_ =	swait.ge [sflag:s14], $0x4000  }
0x3e: {  	s20 =	simm.s32 $0x20;
	s19 =	simm.s32 $0x10;
	[sflag:s14] =	ssyncset.done $0x0  }
.LBB2_6:
0x3f: {  	s21 =	sadd.s32 s19, s12  }
0x40: {  	[sflag:s14] =	ssyncadd.s32 $0xFFFFC000;
	s22 =	smov.u32 s20;
	s23 =	sadd.s32 $0x10, s20  }
0x41: {  	[tilespmem:s3], [sflag:$0x2] =	stream.linear.gather [hbm4b:s21+s3], $0x80, $0x38;
	[tilespmem:$0x18100] =	vst v63  }
0x42: {  	p1 =	sne.s32 s20, $0x330;
	_ =	swait.ge [sflag:s14], $0x80  }
0x43: {  	[sflag:s14] =	ssyncset.done $0x0  }
0x44: {  	s20 =	sadd.s32 s19, s11;
	s19 =	smov.u32 s22;
	[sflag:s14] =	ssyncadd.s32 $0xFFFFFF80  }
0x45: {  	[tilespmem:s15], [sflag:$0x2] =	stream.linear.gather [hbm4b:s20+s3], $0x80, $0x38;
	[tilespmem:$0x18100] =	vst v63  }
0x46: {  	_ =	swait.ge [sflag:s14], $0x80  }
0x47: {  	[sflag:s14] =	ssyncset.done $0x0  }
0x48: {  	[sflag:s14] =	ssyncadd.s32 $0xFFFFFF80  }
0x49: {  	[tilespmem:s16], [sflag:$0x1] =	stream.indirect.gather [hbm4b:s4+s15], $0x80, s3, s15, $0xb8;
	[tilespmem:$0x18100] =	vst v63  }
0x4a: {  	_ =	swait.ge [sflag:s17], $0x4000  }
.Ltmp3:
0x4b: {  	[sflag:s17] =	ssyncset.done $0x0;
	(pc) =	sbr.rel @p1 .LBB2_6-.Ltmp3, $4  }
0x4c: {  	[sflag:s17] =	ssyncadd.s32 $0xFFFFC000  }
0x4d: {  	[spmem:s2] =	stream.indirect.scatter.add.f32 [tilespmem:s16], [sflag:$0x2], $0x80, s15, s15, $0xb8;
	[tilespmem:$0x18100] =	vst v63  }
0x4e: {  	_ =	swait.ge [sflag:s14], $0x4000  }
0x4f: {  	s20 =	smov.u32 s23;
	[sflag:s14] =	ssyncset.done $0x0  }
.Ltmp4:
0x50: {  	_ = 	snop;
	(pc) =	sbr.rel .LBB2_7-.Ltmp4, $1  }
0x51: {  	_ =	sdelay $0x3  }
.LBB2_2:
0x52: {  	s19 =	sadd.s32 $0x0, s10  }
0x53: {  	[tilespmem:s3], [sflag:$0x2] =	stream.linear.gather [hbm4b:s19+s3], $0x80, $0x38;
	[tilespmem:$0x18100] =	vst v63  }
0x54: {  	_ =	swait.ge [sflag:s14], $0x80  }
0x55: {  	[sflag:s14] =	ssyncset.done $0x0  }
0x56: {  	s31 =	sadd.s32 $0x0, s9;
	[sflag:s14] =	ssyncadd.s32 $0xFFFFFF80  }
0x57: {  	[tilespmem:s15], [sflag:$0x2] =	stream.linear.gather [hbm4b:s31+s3], $0x80, $0x38;
	[tilespmem:$0x18100] =	vst v63  }
0x58: {  	_ =	swait.ge [sflag:s14], $0x80  }
0x59: {  	[sflag:s14] =	ssyncset.done $0x0  }
0x5a: {  	[sflag:s14] =	ssyncadd.s32 $0xFFFFFF80  }
0x5b: {  	[tilespmem:s16], [sflag:$0x1] =	stream.indirect.gather [hbm4b:s4+s15], $0x80, s3, s15, $0xb8;
	[tilespmem:$0x18100] =	vst v63  }
0x5c: {  	_ =	swait.ge [sflag:s17], $0x4000  }
0x5d: {  	[sflag:s17] =	ssyncset.done $0x0  }
0x5e: {  	[sflag:s17] =	ssyncadd.s32 $0xFFFFC000  }
0x5f: {  	[spmem:s2] =	stream.indirect.scatter.add.f32 [tilespmem:s16], [sflag:$0x2], $0x80, s15, s15, $0xb8;
	[tilespmem:$0x18100] =	vst v63  }
0x60: {  	_ =	swait.ge [sflag:s14], $0x4000  }
0x61: {  	s20 =	simm.s32 $0x20;
	s19 =	simm.s32 $0x10;
	[sflag:s14] =	ssyncset.done $0x0  }
.LBB2_3:
0x62: {  	s21 =	sadd.s32 s19, s10  }
0x63: {  	[sflag:s14] =	ssyncadd.s32 $0xFFFFC000;
	s22 =	smov.u32 s20;
	s23 =	sadd.s32 $0x10, s20  }
0x64: {  	[tilespmem:s3], [sflag:$0x2] =	stream.linear.gather [hbm4b:s21+s3], $0x80, $0x38;
	[tilespmem:$0x18100] =	vst v63  }
0x65: {  	p1 =	seq.s32 s20, $0x690;
	_ =	swait.ge [sflag:s14], $0x80  }
0x66: {  	[sflag:s14] =	ssyncset.done $0x0  }
0x67: {  	s20 =	sadd.s32 s19, s9;
	s19 =	smov.u32 s22;
	[sflag:s14] =	ssyncadd.s32 $0xFFFFFF80  }
0x68: {  	[tilespmem:s15], [sflag:$0x2] =	stream.linear.gather [hbm4b:s20+s3], $0x80, $0x38;
	[tilespmem:$0x18100] =	vst v63  }
0x69: {  	_ =	swait.ge [sflag:s14], $0x80  }
0x6a: {  	[sflag:s14] =	ssyncset.done $0x0  }
0x6b: {  	[sflag:s14] =	ssyncadd.s32 $0xFFFFFF80  }
0x6c: {  	[tilespmem:s16], [sflag:$0x1] =	stream.indirect.gather [hbm4b:s4+s15], $0x80, s3, s15, $0xb8;
	[tilespmem:$0x18100] =	vst v63  }
0x6d: {  	_ =	swait.ge [sflag:s17], $0x4000  }
.Ltmp5:
0x6e: {  	[sflag:s17] =	ssyncset.done $0x0;
	(pc) =	sbr.rel @!p1 .LBB2_3-.Ltmp5, $4  }
0x6f: {  	[sflag:s17] =	ssyncadd.s32 $0xFFFFC000  }
0x70: {  	[spmem:s2] =	stream.indirect.scatter.add.f32 [tilespmem:s16], [sflag:$0x2], $0x80, s15, s15, $0xb8;
	[tilespmem:$0x18100] =	vst v63  }
0x71: {  	_ =	swait.ge [sflag:s14], $0x4000  }
0x72: {  	s20 =	smov.u32 s23;
	[sflag:s14] =	ssyncset.done $0x0  }
0x73: {  	s20 =	sadd.s32 s19, s10;
	[sflag:s14] =	ssyncadd.s32 $0xFFFFC000  }
0x74: {  	[tilespmem:s3], [sflag:$0x2] =	stream.linear.gather [hbm4b:s20+s3], $0x80, $0x38;
	[tilespmem:$0x18100] =	vst v63  }
0x75: {  	_ =	swait.ge [sflag:s14], $0x80  }
0x76: {  	[sflag:s14] =	ssyncset.done $0x0  }
0x77: {  	s31 =	sadd.s32 s19, s9;
	[sflag:s14] =	ssyncadd.s32 $0xFFFFFF80  }
0x78: {  	[tilespmem:s15], [sflag:$0x2] =	stream.linear.gather [hbm4b:s31+s3], $0x80, $0x38;
	[tilespmem:$0x18100] =	vst v63  }
0x79: {  	_ =	swait.ge [sflag:s14], $0x80  }
0x7a: {  	[sflag:s14] =	ssyncset.done $0x0  }
0x7b: {  	[sflag:s14] =	ssyncadd.s32 $0xFFFFFF80  }
0x7c: {  	[tilespmem:s16], [sflag:$0x1] =	stream.indirect.gather [hbm4b:s4+s15], $0x80, s3, s15, $0xb8;
	[tilespmem:$0x18100] =	vst v63  }
0x7d: {  	_ =	swait.ge [sflag:s17], $0x4000  }
0x7e: {  	[sflag:s17] =	ssyncset.done $0x0  }
.Ltmp6:
0x7f: {  	[sflag:s17] =	ssyncadd.s32 $0xFFFFC000;
	(pc) =	sbr.rel .LBB2_8-.Ltmp6, $4  }
0x80: {  	[spmem:s2] =	stream.indirect.scatter.add.f32 [tilespmem:s16], [sflag:$0x2], $0x80, s15, s15, $0xb8;
	[tilespmem:$0x18100] =	vst v63  }
0x81: {  	_ =	swait.ge [sflag:s14], $0x4000  }
0x82: {  	[sflag:s14] =	ssyncset.done $0x0  }
0x83: {  	[sflag:s14] =	ssyncadd.s32 $0xFFFFC000  }
.LBB2_9:
0x84: {  	_ =	sfence.sel $0x180000  }
0x85: {  	[bflag:$0x0] =	sbarrier.arrive $0xFFFF  }
0x86: {  	p0 =	sne.s32 s1, $0x0;
	_ =	strace $0x90000056  }
0x87: {  	s0 =	sadd.s32 @!p0 $0x100000, s0;
	[bflag:$0x2] =	sbarrier.arrive $0xFFFF  }
0x88: {  	[sflag:s0] =	ssyncadd.tile.s32 @!p0 $0x1;
	_ =	shalt  }
.Lfunc_end2:
_tile_overlayer_lowered:
.L_overlay_start_2:
0x89: {  	(tag) =	ssettag $0x2  }
0x8a: {  	s0 =	rddreg [dreg:$0x0];
	s2 =	stileid.u32  }
0x8b: {  	s1 =	rddreg [dreg:$0x1];
	p0 =	sne.s32 s2, $0x0  }
0x8c: {  	s3 =	rddreg [dreg:$0x2];
	[bflag:$0x3] =	sbarrier.arrive $0xFFFF;
	s2 =	simm.s32 @!p0 $0x1C02  }
0x8d: {  	[timem:s3], [sflag:s2] =	dma.local @!p0 [hbm:s0], s1  }
0x8e: {  	s0 =	simm.s32 @!p0 $0x2  }
0x8f: {  	_ =	swait.ge @!p0 [sflag:s0], s1  }
0x90: {  	s1 =	ssub.s32 @!p0 $0x0, s1;
	[sflag:s0] =	ssyncset.done @!p0 $0x0  }
0x91: {  	[sflag:s0] =	ssyncadd.s32 @!p0 s1  }
0x92: {  	[bflag:$0x3] =	sbarrier.arrive $0xFFFF  }
0x93: {  	_ =	shalt  }

</sc_bundles>
